<compile_context>
chip_gen: v7x
topology: tpu7x:2x2x1
jax: 0.10.2.dev20260603
libtpu: 0.0.44.dev20260713+nightly
codegen_flags: <defaults>
</compile_context>

<pallas_src>
import functools

import jax
import jax.numpy as jnp
from jax import lax
from jax.experimental import pallas as pl
from jax.experimental.pallas import tpu as pltpu
from jax.experimental.pallas import tpu_sc as plsc

N = 10000
NPAD = 10240
NCORES = 2
NSUB = 16
NW = NCORES * NSUB
ROWS_PER_SUB = NPAD // NSUB
BIG = 144
NB = 72
EPAD = NW * BIG * NB


def _make_agg(D):
    mesh = plsc.VectorSubcoreMesh(core_axis_name="c", subcore_axis_name="s")

    @functools.partial(
        pl.kernel,
        out_type=jax.ShapeDtypeStruct((NCORES, NPAD, D), jnp.float32),
        mesh=mesh,
        compiler_params=pltpu.CompilerParams(use_tc_tiling_on_sc=False),
        scratch_types=[
            pltpu.VMEM((NB // 2, BIG), jnp.int32),
            pltpu.VMEM((NB // 2, BIG), jnp.int32),
            pltpu.VMEM((BIG, D), jnp.float32),
            pltpu.VMEM((BIG, D), jnp.float32),
            pltpu.VMEM_SHARED((NPAD, D), jnp.float32),
            pltpu.SemaphoreType.DMA,
            pltpu.SemaphoreType.DMA,
            pltpu.SemaphoreType.DMA,
            pltpu.SemaphoreType.DMA,
        ],
    )
    def agg(table_hbm, src_hbm, dst_hbm, out_hbm,
            src_v, dst_v, rows0, rows1, acc_sh, g0, g1, s0, s1):
        c = lax.axis_index("c")
        s = lax.axis_index("s")
        wid = c * NSUB + s
        rows = (rows0, rows1)
        gsem = (g0, g1)
        ssem = (s0, s1)
        nbh = NB // 2

        @pl.loop(0, BIG)
        def _zero_rows(i):
            @pl.loop(0, D, step=16)
            def _zero_lanes(j):
                rows0[i, pl.ds(j, 16)] = jnp.zeros((16,), jnp.float32)

        @pl.loop(0, ROWS_PER_SUB // BIG)
        def _zero_acc(k):
            pltpu.sync_copy(rows0, acc_sh.at[pl.ds(s * ROWS_PER_SUB + k * BIG, BIG)])

        if ROWS_PER_SUB % BIG != 0:
            pltpu.sync_copy(
                rows0.at[pl.ds(0, ROWS_PER_SUB % BIG)],
                acc_sh.at[pl.ds(s * ROWS_PER_SUB + (ROWS_PER_SUB // BIG) * BIG,
                                ROWS_PER_SUB % BIG)])

        plsc.subcore_barrier()

        for h in range(2):
            pltpu.sync_copy(src_hbm.at[pl.ds((wid * 2 + h) * nbh, nbh)], src_v)
            pltpu.sync_copy(dst_hbm.at[pl.ds((wid * 2 + h) * nbh, nbh)], dst_v)

            pltpu.async_copy(table_hbm.at[src_v.at[0]], rows0, g0)
            pltpu.async_copy(table_hbm.at[src_v.at[1]], rows1, g1)

            @pl.loop(0, nbh // 2 - 1)
            def _edges(t):
                j = t * 2
                for b in range(2):
                    pltpu.make_async_copy(table_hbm.at[src_v.at[j + b]],
                                          rows[b], gsem[b]).wait()
                    pltpu.async_copy(rows[b], acc_sh.at[dst_v.at[j + b]],
                                     ssem[b], add=True)
                    pltpu.make_async_copy(rows[b], acc_sh.at[dst_v.at[j + b]],
                                          ssem[b]).wait()
                    pltpu.async_copy(table_hbm.at[src_v.at[j + 2 + b]],
                                     rows[b], gsem[b])

            for b in range(2):
                pltpu.make_async_copy(table_hbm.at[src_v.at[nbh - 2 + b]],
                                      rows[b], gsem[b]).wait()
                pltpu.async_copy(rows[b], acc_sh.at[dst_v.at[nbh - 2 + b]],
                                 ssem[b], add=True)
                pltpu.make_async_copy(rows[b], acc_sh.at[dst_v.at[nbh - 2 + b]],
                                      ssem[b]).wait()

        plsc.subcore_barrier()
        pltpu.sync_copy(
            acc_sh.at[pl.ds(s * ROWS_PER_SUB, ROWS_PER_SUB)],
            out_hbm.at[c, pl.ds(s * ROWS_PER_SUB, ROWS_PER_SUB)],
        )

    return agg


def _make_deg():
    D = 16
    mesh = plsc.VectorSubcoreMesh(core_axis_name="c", subcore_axis_name="s")

    @functools.partial(
        pl.kernel,
        out_type=jax.ShapeDtypeStruct((NCORES, NPAD, D), jnp.float32),
        mesh=mesh,
        compiler_params=pltpu.CompilerParams(use_tc_tiling_on_sc=False),
        scratch_types=[
            pltpu.VMEM((NB, BIG), jnp.int32),
            pltpu.VMEM((BIG, D), jnp.float32),
            pltpu.VMEM((BIG, D), jnp.float32),
            pltpu.VMEM_SHARED((NPAD, D), jnp.float32),
            pltpu.SemaphoreType.DMA,
        ],
    )
    def deg(dst_hbm, out_hbm, dst_v, ones_v, zeros_v, acc_sh, sem):
        c = lax.axis_index("c")
        s = lax.axis_index("s")
        wid = c * NSUB + s

        pltpu.sync_copy(dst_hbm.at[pl.ds(wid * NB, NB)], dst_v)

        @pl.loop(0, BIG)
        def _fill(i):
            @pl.loop(0, D, step=16)
            def _lanes(j):
                ones_v[i, pl.ds(j, 16)] = jnp.ones((16,), jnp.float32)
                zeros_v[i, pl.ds(j, 16)] = jnp.zeros((16,), jnp.float32)

        @pl.loop(0, ROWS_PER_SUB // BIG)
        def _zero_acc(k):
            pltpu.sync_copy(zeros_v, acc_sh.at[pl.ds(s * ROWS_PER_SUB + k * BIG, BIG)])

        if ROWS_PER_SUB % BIG != 0:
            pltpu.sync_copy(
                zeros_v.at[pl.ds(0, ROWS_PER_SUB % BIG)],
                acc_sh.at[pl.ds(s * ROWS_PER_SUB + (ROWS_PER_SUB // BIG) * BIG,
                                ROWS_PER_SUB % BIG)])

        plsc.subcore_barrier()

        @pl.loop(0, NB)
        def _fire(j):
            pltpu.async_copy(ones_v, acc_sh.at[dst_v.at[j]], sem, add=True)

        @pl.loop(0, NB)
        def _drain(j):
            pltpu.make_async_copy(ones_v, acc_sh.at[dst_v.at[j]], sem).wait()

        plsc.subcore_barrier()
        pltpu.sync_copy(
            acc_sh.at[pl.ds(s * ROWS_PER_SUB, ROWS_PER_SUB)],
            out_hbm.at[c, pl.ds(s * ROWS_PER_SUB, ROWS_PER_SUB)],
        )

    return deg


def _prep_body(degp_ref, x_ref, dis_ref, xt_ref):
    deg = degp_ref[0, :, 0:1] + degp_ref[1, :, 0:1] + 1.0
    dis = lax.rsqrt(deg)
    dis_ref[...] = dis
    xt_ref[...] = x_ref[...] * dis


def _mid_body(s1_ref, xt_ref, dis_ref, w1_ref, b1_ref, w2_ref, zt_ref):
    y = (s1_ref[0] + s1_ref[1] + xt_ref[...]) * dis_ref[...]
    h = jnp.dot(y, w1_ref[...], preferred_element_type=jnp.float32,
                precision=lax.Precision.HIGHEST)
    h = jnp.maximum(h + b1_ref[...], 0.0)
    z = jnp.dot(h, w2_ref[...], preferred_element_type=jnp.float32,
                precision=lax.Precision.HIGHEST)
    zt_ref[...] = z * dis_ref[...]


def _out_body(s2_ref, zt_ref, dis_ref, b2_ref, o_ref):
    z = (s2_ref[0] + s2_ref[1] + zt_ref[...]) * dis_ref[...]
    o = z[:, :40] + b2_ref[...]
    m = jnp.max(o, axis=1, keepdims=True)
    o = o - m
    o_ref[...] = o - jnp.log(jnp.sum(jnp.exp(o), axis=1, keepdims=True))


_R = 2048


def _prep(degp, x_p):
    grid = NPAD // _R
    return pl.pallas_call(
        _prep_body,
        grid=(grid,),
        in_specs=[
            pl.BlockSpec((NCORES, _R, 16), lambda i: (0, i, 0)),
            pl.BlockSpec((_R, 128), lambda i: (i, 0)),
        ],
        out_specs=[
            pl.BlockSpec((_R, 1), lambda i: (i, 0)),
            pl.BlockSpec((_R, 128), lambda i: (i, 0)),
        ],
        out_shape=[
            jax.ShapeDtypeStruct((NPAD, 1), jnp.float32),
            jax.ShapeDtypeStruct((NPAD, 128), jnp.float32),
        ],
    )(degp, x_p)


def _mid(s1, xt, dis, w1, b1, w2p):
    grid = NPAD // _R
    return pl.pallas_call(
        _mid_body,
        grid=(grid,),
        in_specs=[
            pl.BlockSpec((NCORES, _R, 128), lambda i: (0, i, 0)),
            pl.BlockSpec((_R, 128), lambda i: (i, 0)),
            pl.BlockSpec((_R, 1), lambda i: (i, 0)),
            pl.BlockSpec((128, 256), lambda i: (0, 0)),
            pl.BlockSpec((1, 256), lambda i: (0, 0)),
            pl.BlockSpec((256, 48), lambda i: (0, 0)),
        ],
        out_specs=pl.BlockSpec((_R, 48), lambda i: (i, 0)),
        out_shape=jax.ShapeDtypeStruct((NPAD, 48), jnp.float32),
    )(s1, xt, dis, w1, b1, w2p)


def _out(s2, zt, dis, b2):
    grid = NPAD // _R
    return pl.pallas_call(
        _out_body,
        grid=(grid,),
        in_specs=[
            pl.BlockSpec((NCORES, _R, 48), lambda i: (0, i, 0)),
            pl.BlockSpec((_R, 48), lambda i: (i, 0)),
            pl.BlockSpec((_R, 1), lambda i: (i, 0)),
            pl.BlockSpec((1, 40), lambda i: (0, 0)),
        ],
        out_specs=pl.BlockSpec((_R, 40), lambda i: (i, 0)),
        out_shape=jax.ShapeDtypeStruct((NPAD, 40), jnp.float32),
    )(s2, zt, dis, b2)


def kernel(x, edge_index, W1, b1, W2, b2):
    e = edge_index.shape[1]
    src = edge_index[0].astype(jnp.int32)
    dst = edge_index[1].astype(jnp.int32)
    pad = jnp.full((EPAD - e,), N, jnp.int32)
    src_p = jnp.concatenate([src, pad]).reshape(NW * NB, BIG)
    dst_p = jnp.concatenate([dst, pad]).reshape(NW * NB, BIG)
    x_p = jnp.pad(x, ((0, NPAD - N), (0, 0)))

    degp = _make_deg()(dst_p)
    dis, xt = _prep(degp, x_p)
    s1 = _make_agg(128)(xt, src_p, dst_p)
    w2p = jnp.pad(W2, ((0, 0), (0, 48 - W2.shape[1])))
    zt = _mid(s1, xt, dis, W1, b1.reshape(1, -1), w2p)
    s2 = _make_agg(48)(zt, src_p, dst_p)
    o = _out(s2, zt, dis, b2.reshape(1, -1))
    return o[:N]

# --- scband reference (transcript-rebuilt; emitter-appended) ---
"""Pipeline reference for scband-gcn-net-79242146611357 (READ-ONLY COPY).

The authoritative reference and input builder live on the scoring server;
editing this copy changes nothing except your own understanding.
"""

import jax, jax.numpy as jnp
import numpy as np

N_NODES = 10000


def gcn_conv(x, edge_index, W, b, num_nodes):
    # PyG GCNConv: add self-loops, symmetric normalization, linear, scatter-add, bias
    src = edge_index[0]
    dst = edge_index[1]
    loop = jnp.arange(num_nodes, dtype=edge_index.dtype)
    src = jnp.concatenate([src, loop], axis=0)
    dst = jnp.concatenate([dst, loop], axis=0)
    deg = jnp.zeros((num_nodes,), dtype=x.dtype).at[dst].add(1.0)
    deg_inv_sqrt = jnp.where(deg > 0, jax.lax.rsqrt(jnp.maximum(deg, 1e-12)), 0.0)
    norm = deg_inv_sqrt[src] * deg_inv_sqrt[dst]
    h = x @ W
    msg = h[src] * norm[:, None]
    out = jnp.zeros((num_nodes, W.shape[1]), dtype=h.dtype).at[dst].add(msg)
    return out + b


def setup_inputs(seed: int = 0) -> dict:
    key = jax.random.key(seed)
    k1, k2, k3, k4, k5, k6 = jax.random.split(key, 6)
    x = jax.random.normal(k1, (N_NODES, 128), dtype=jnp.float32)
    edge_index = jax.random.randint(k2, (2, 320000), 0, N_NODES, dtype=jnp.int64)
    # glorot-style init for linear weights, zeros for bias (PyG default)
    W1 = jax.random.normal(k3, (128, 256), dtype=jnp.float32) * (1.0 / np.sqrt(128))
    b1 = jnp.zeros((256,), dtype=jnp.float32)
    W2 = jax.random.normal(k4, (256, 40), dtype=jnp.float32) * (1.0 / np.sqrt(256))
    b2 = jnp.zeros((40,), dtype=jnp.float32)
    return {"x": x, "edge_index": edge_index, "W1": W1, "b1": b1, "W2": W2, "b2": b2}


def reference(x, edge_index, W1, b1, W2, b2):
    # GCN_Net.forward (eval mode: dropout is identity, saveEmb=False, shareEmb=None)
    h = gcn_conv(x, edge_index, W1, b1, N_NODES)
    h = jax.nn.relu(h)
    out = gcn_conv(h, edge_index, W2, b2, N_NODES)
    return jax.nn.log_softmax(out, axis=1)

if __name__ == "__main__":
    import jax
    _d = setup_inputs()
    print(jax.jit(kernel)(*tuple(_d.values())))

</pallas_src>

<mosaic_0001>
#map = affine_map<(d0, d1) -> (0, 0)>
#map1 = affine_map<(d0, d1) -> (0, 0, 0)>
module attributes {stable_mosaic.version = 14 : i64} {
  func.func @agg(%arg0: i32, %arg1: i32, %arg2: memref<10240x128xf32, #tpu.memory_space<hbm>>, %arg3: memref<2304x144xi32, #tpu.memory_space<hbm>>, %arg4: memref<2304x144xi32, #tpu.memory_space<hbm>>, %arg5: memref<2x10240x128xf32, #tpu.memory_space<hbm>>, %arg6: memref<36x144xi32, #tpu.memory_space<vmem>>, %arg7: memref<36x144xi32, #tpu.memory_space<vmem>>, %arg8: memref<144x128xf32, #tpu.memory_space<vmem>>, %arg9: memref<144x128xf32, #tpu.memory_space<vmem>>, %arg10: memref<10240x128xf32, #tpu.memory_space<vmem_shared>>, %arg11: memref<!tpu.dma_semaphore, #tpu.memory_space<semaphore_mem>>, %arg12: memref<!tpu.dma_semaphore, #tpu.memory_space<semaphore_mem>>, %arg13: memref<!tpu.dma_semaphore, #tpu.memory_space<semaphore_mem>>, %arg14: memref<!tpu.dma_semaphore, #tpu.memory_space<semaphore_mem>>) attributes {dimension_semantics = [#tpu.dimension_semantics<core_parallel>, #tpu.dimension_semantics<subcore_parallel>], iteration_bounds = array<i64: 2, 16>, scalar_prefetch = 0 : i64, scratch_operands = 9 : i64, tpu.core_type = #tpu.core_type<sc_vector_subcore>, window_params = [{transform_indices = #map}, {transform_indices = #map}, {transform_indices = #map}, {transform_indices = #map1}]} {
    %mul3A = arith.constant 16 : i32
    %mul3A_0 = arith.muli %arg0, %mul3A : i32
    %add3A = arith.addi %mul3A_0, %arg1 : i32
    %scan3A = arith.constant 0 : i32
    %scan3A_1 = arith.constant 144 : i32
    %scan3A_2 = arith.addi %scan3A, %scan3A_1 : i32
    %scan3A_3 = arith.constant 1 : i32
    scf.for %scan3A_163 = %scan3A to %scan3A_2 step %scan3A_3  : i32 {
      %mul3A_164 = arith.constant 1 : i32
      %mul3A_165 = arith.muli %scan3A_163, %mul3A_164 : i32
      %add3A_166 = arith.constant 0 : i32
      %add3A_167 = arith.addi %add3A_166, %mul3A_165 : i32
      %scan3A_168 = arith.constant 0 : i32
      %scan3A_169 = arith.constant 8 : i32
      %scan3A_170 = arith.addi %scan3A_168, %scan3A_169 : i32
      %scan3A_171 = arith.constant 1 : i32
      scf.for %scan3A_173 = %scan3A_168 to %scan3A_170 step %scan3A_171  : i32 {
        %mul3A_174 = arith.constant 16 : i32
        %mul3A_175 = arith.muli %scan3A_173, %mul3A_174 : i32
        %add3A_176 = arith.constant 0 : i32
        %add3A_177 = arith.addi %add3A_176, %mul3A_175 : i32
        %broadcast_in_dim3A = arith.constant 0.000000e+00 : f32
        %broadcast_in_dim3A_178 = vector.broadcast %broadcast_in_dim3A : f32 to vector<16xf32>
        %swap3A = arith.index_cast %add3A_167 : i32 to index
        %swap3A_179 = arith.index_cast %add3A_177 : i32 to index
        %swap3A_180 = tpu.vector_load %arg8[%swap3A, %swap3A_179] {strides = array<i32>} : memref<144x128xf32, #tpu.memory_space<vmem>>, vector<1x16xf32>,
        %swap3A_181 = vector.shape_cast %swap3A_180 : vector<1x16xf32> to vector<16xf32>
        %swap3A_182 = vector.shape_cast %broadcast_in_dim3A_178 : vector<16xf32> to vector<1x16xf32>
        tpu.vector_store %arg8[%swap3A, %swap3A_179], %swap3A_182 {strides = array<i32>} : memref<144x128xf32, #tpu.memory_space<vmem>>, vector<1x16xf32>,
      }
      %scan3A_172 = arith.constant 8 : i32
    }
    %scan3A_4 = arith.constant 144 : i32
    %scan3A_5 = arith.constant 0 : i32
    %scan3A_6 = arith.constant 4 : i32
    %scan3A_7 = arith.addi %scan3A_5, %scan3A_6 : i32
    %scan3A_8 = arith.constant 1 : i32
    scf.for %scan3A_163 = %scan3A_5 to %scan3A_7 step %scan3A_8  : i32 {
      %mul3A_164 = arith.constant 1 : i32
      %mul3A_165 = arith.muli %scan3A_163, %mul3A_164 : i32
      %add3A_166 = arith.constant 0 : i32
      %add3A_167 = arith.addi %add3A_166, %mul3A_165 : i32
      %mul3A_168 = arith.constant 640 : i32
      %mul3A_169 = arith.muli %arg1, %mul3A_168 : i32
      %mul3A_170 = arith.constant 144 : i32
      %mul3A_171 = arith.muli %add3A_167, %mul3A_170 : i32
      %add3A_172 = arith.addi %mul3A_169, %mul3A_171 : i32
      "tpu.region"() ({
        %run_scoped3A = tpu.sem_alloc : memref<!tpu.dma_semaphore, #tpu.memory_space<semaphore_mem>>
        %dma_start3A_173 = arith.constant 0 : i32
        %dma_start3A_174 = tpu.memref_slice %arg10[%add3A_172, %dma_start3A_173] : memref<10240x128xf32, #tpu.memory_space<vmem_shared>> -> memref<144x128xf32, #tpu.memory_space<vmem_shared>>
        %dma_start3A_175 = arith.constant 0 : i32
        %dma_start3A_176 = tpu.memref_slice %arg10[%add3A_172, %dma_start3A_175] : memref<10240x128xf32, #tpu.memory_space<vmem_shared>> -> memref<144x128xf32, #tpu.memory_space<vmem_shared>>
        tpu.enqueue_dma source(%arg8 : memref<144x128xf32, #tpu.memory_space<vmem>>) target(%dma_start3A_176 : memref<144x128xf32, #tpu.memory_space<vmem_shared>>) target_semaphore(%run_scoped3A : memref<!tpu.dma_semaphore, #tpu.memory_space<semaphore_mem>>)
        %dma_wait3A_177 = arith.constant 0 : i32
        %dma_wait3A_178 = tpu.memref_slice %arg10[%add3A_172, %dma_wait3A_177] : memref<10240x128xf32, #tpu.memory_space<vmem_shared>> -> memref<144x128xf32, #tpu.memory_space<vmem_shared>>
        %dma_wait3A_179 = arith.constant 0 : i32
        %dma_wait3A_180 = tpu.memref_slice %arg10[%add3A_172, %dma_wait3A_179] : memref<10240x128xf32, #tpu.memory_space<vmem_shared>> -> memref<144x128xf32, #tpu.memory_space<vmem_shared>>
        tpu.wait_dma2 semaphore(%run_scoped3A : memref<!tpu.dma_semaphore, #tpu.memory_space<semaphore_mem>>) src(%arg8 : memref<144x128xf32, #tpu.memory_space<vmem>>) dst(%dma_wait3A_180 : memref<144x128xf32, #tpu.memory_space<vmem_shared>>)
        tpu.yield
      }) : () -> ()
    }
    %scan3A_9 = arith.constant 4 : i32
    %mul3A_10 = arith.constant 640 : i32
    %mul3A_11 = arith.muli %arg1, %mul3A_10 : i32
    %add3A_12 = arith.constant 576 : i32
    %add3A_13 = arith.addi %mul3A_11, %add3A_12 : i32
    "tpu.region"() ({
      %run_scoped3A = tpu.sem_alloc : memref<!tpu.dma_semaphore, #tpu.memory_space<semaphore_mem>>
      %dma_start3A_163 = arith.constant 0 : i32
      %dma_start3A_164 = arith.constant 0 : i32
      %dma_start3A_165 = tpu.memref_slice %arg8[%dma_start3A_163, %dma_start3A_164] : memref<144x128xf32, #tpu.memory_space<vmem>> -> memref<64x128xf32, #tpu.memory_space<vmem>>
      %dma_start3A_166 = arith.constant 0 : i32
      %dma_start3A_167 = tpu.memref_slice %arg10[%add3A_13, %dma_start3A_166] : memref<10240x128xf32, #tpu.memory_space<vmem_shared>> -> memref<64x128xf32, #tpu.memory_space<vmem_shared>>
      %dma_start3A_168 = arith.constant 0 : i32
      %dma_start3A_169 = tpu.memref_slice %arg10[%add3A_13, %dma_start3A_168] : memref<10240x128xf32, #tpu.memory_space<vmem_shared>> -> memref<64x128xf32, #tpu.memory_space<vmem_shared>>
      %dma_start3A_170 = arith.constant 0 : i32
      %dma_start3A_171 = arith.constant 0 : i32
      %dma_start3A_172 = tpu.memref_slice %arg8[%dma_start3A_170, %dma_start3A_171] : memref<144x128xf32, #tpu.memory_space<vmem>> -> memref<64x128xf32, #tpu.memory_space<vmem>>
      tpu.enqueue_dma source(%dma_start3A_172 : memref<64x128xf32, #tpu.memory_space<vmem>>) target(%dma_start3A_169 : memref<64x128xf32, #tpu.memory_space<vmem_shared>>) target_semaphore(%run_scoped3A : memref<!tpu.dma_semaphore, #tpu.memory_space<semaphore_mem>>)
      %dma_wait3A_173 = arith.constant 0 : i32
      %dma_wait3A_174 = arith.constant 0 : i32
      %dma_wait3A_175 = tpu.memref_slice %arg8[%dma_wait3A_173, %dma_wait3A_174] : memref<144x128xf32, #tpu.memory_space<vmem>> -> memref<64x128xf32, #tpu.memory_space<vmem>>
      %dma_wait3A_176 = arith.constant 0 : i32
      %dma_wait3A_177 = tpu.memref_slice %arg10[%add3A_13, %dma_wait3A_176] : memref<10240x128xf32, #tpu.memory_space<vmem_shared>> -> memref<64x128xf32, #tpu.memory_space<vmem_shared>>
      %dma_wait3A_178 = arith.constant 0 : i32
      %dma_wait3A_179 = tpu.memref_slice %arg10[%add3A_13, %dma_wait3A_178] : memref<10240x128xf32, #tpu.memory_space<vmem_shared>> -> memref<64x128xf32, #tpu.memory_space<vmem_shared>>
      %dma_wait3A_180 = arith.constant 0 : i32
      %dma_wait3A_181 = arith.constant 0 : i32
      %dma_wait3A_182 = tpu.memref_slice %arg8[%dma_wait3A_180, %dma_wait3A_181] : memref<144x128xf32, #tpu.memory_space<vmem>> -> memref<64x128xf32, #tpu.memory_space<vmem>>
      tpu.wait_dma2 semaphore(%run_scoped3A : memref<!tpu.dma_semaphore, #tpu.memory_space<semaphore_mem>>) src(%dma_wait3A_182 : memref<64x128xf32, #tpu.memory_space<vmem>>) dst(%dma_wait3A_179 : memref<64x128xf32, #tpu.memory_space<vmem_shared>>)
      tpu.yield
    }) : () -> ()
    %barrier3A = arith.constant 0 : index
    tpu.barrier barrier_id(%barrier3A)
    %mul3A_14 = arith.constant 2 : i32
    %mul3A_15 = arith.muli %add3A, %mul3A_14 : i32
    %add3A_16 = arith.constant 0 : i32
    %add3A_17 = arith.addi %mul3A_15, %add3A_16 : i32
    %mul3A_18 = arith.constant 36 : i32
    %mul3A_19 = arith.muli %add3A_17, %mul3A_18 : i32
    "tpu.region"() ({
      %run_scoped3A = tpu.sem_alloc : memref<!tpu.dma_semaphore, #tpu.memory_space<semaphore_mem>>
      %dma_start3A_163 = arith.constant 0 : i32
      %dma_start3A_164 = tpu.memref_slice %arg3[%mul3A_19, %dma_start3A_163] : memref<2304x144xi32, #tpu.memory_space<hbm>> -> memref<36x144xi32, #tpu.memory_space<hbm>>
      %dma_start3A_165 = arith.constant 0 : i32
      %dma_start3A_166 = tpu.memref_slice %arg3[%mul3A_19, %dma_start3A_165] : memref<2304x144xi32, #tpu.memory_space<hbm>> -> memref<36x144xi32, #tpu.memory_space<hbm>>
      tpu.enqueue_dma source(%dma_start3A_166 : memref<36x144xi32, #tpu.memory_space<hbm>>) target(%arg6 : memref<36x144xi32, #tpu.memory_space<vmem>>) target_semaphore(%run_scoped3A : memref<!tpu.dma_semaphore, #tpu.memory_space<semaphore_mem>>)
      %dma_wait3A_167 = arith.constant 0 : i32
      %dma_wait3A_168 = tpu.memref_slice %arg3[%mul3A_19, %dma_wait3A_167] : memref<2304x144xi32, #tpu.memory_space<hbm>> -> memref<36x144xi32, #tpu.memory_space<hbm>>
      %dma_wait3A_169 = arith.constant 0 : i32
      %dma_wait3A_170 = tpu.memref_slice %arg3[%mul3A_19, %dma_wait3A_169] : memref<2304x144xi32, #tpu.memory_space<hbm>> -> memref<36x144xi32, #tpu.memory_space<hbm>>
      tpu.wait_dma2 semaphore(%run_scoped3A : memref<!tpu.dma_semaphore, #tpu.memory_space<semaphore_mem>>) src(%dma_wait3A_170 : memref<36x144xi32, #tpu.memory_space<hbm>>) dst(%arg6 : memref<36x144xi32, #tpu.memory_space<vmem>>)
      tpu.yield
    }) : () -> ()
    %mul3A_20 = arith.constant 2 : i32
    %mul3A_21 = arith.muli %add3A, %mul3A_20 : i32
    %add3A_22 = arith.constant 0 : i32
    %add3A_23 = arith.addi %mul3A_21, %add3A_22 : i32
    %mul3A_24 = arith.constant 36 : i32
    %mul3A_25 = arith.muli %add3A_23, %mul3A_24 : i32
    "tpu.region"() ({
      %run_scoped3A = tpu.sem_alloc : memref<!tpu.dma_semaphore, #tpu.memory_space<semaphore_mem>>
      %dma_start3A_163 = arith.constant 0 : i32
      %dma_start3A_164 = tpu.memref_slice %arg4[%mul3A_25, %dma_start3A_163] : memref<2304x144xi32, #tpu.memory_space<hbm>> -> memref<36x144xi32, #tpu.memory_space<hbm>>
      %dma_start3A_165 = arith.constant 0 : i32
      %dma_start3A_166 = tpu.memref_slice %arg4[%mul3A_25, %dma_start3A_165] : memref<2304x144xi32, #tpu.memory_space<hbm>> -> memref<36x144xi32, #tpu.memory_space<hbm>>
      tpu.enqueue_dma source(%dma_start3A_166 : memref<36x144xi32, #tpu.memory_space<hbm>>) target(%arg7 : memref<36x144xi32, #tpu.memory_space<vmem>>) target_semaphore(%run_scoped3A : memref<!tpu.dma_semaphore, #tpu.memory_space<semaphore_mem>>)
      %dma_wait3A_167 = arith.constant 0 : i32
      %dma_wait3A_168 = tpu.memref_slice %arg4[%mul3A_25, %dma_wait3A_167] : memref<2304x144xi32, #tpu.memory_space<hbm>> -> memref<36x144xi32, #tpu.memory_space<hbm>>
      %dma_wait3A_169 = arith.constant 0 : i32
      %dma_wait3A_170 = tpu.memref_slice %arg4[%mul3A_25, %dma_wait3A_169] : memref<2304x144xi32, #tpu.memory_space<hbm>> -> memref<36x144xi32, #tpu.memory_space<hbm>>
      tpu.wait_dma2 semaphore(%run_scoped3A : memref<!tpu.dma_semaphore, #tpu.memory_space<semaphore_mem>>) src(%dma_wait3A_170 : memref<36x144xi32, #tpu.memory_space<hbm>>) dst(%arg7 : memref<36x144xi32, #tpu.memory_space<vmem>>)
      tpu.yield
    }) : () -> ()
    %dma_start3A = arith.constant 0 : i32
    %dma_start3A_26 = arith.constant 0 : i32
    %dma_start3A_27 = tpu.memref_slice %arg6[%dma_start3A, %dma_start3A_26] : memref<36x144xi32, #tpu.memory_space<vmem>> -> memref<1x144xi32, #tpu.memory_space<vmem>>
    %dma_start3A_28 = tpu.memref_squeeze %dma_start3A_27 : memref<1x144xi32, #tpu.memory_space<vmem>> -> memref<144xi32, #tpu.memory_space<vmem>>
    %dma_start3A_29 = arith.constant 0 : i32
    %dma_start3A_30 = arith.constant 0 : i32
    %dma_start3A_31 = tpu.memref_slice %arg2[%dma_start3A_29, %dma_start3A_30] : memref<10240x128xf32, #tpu.memory_space<hbm>> -> memref<10240x128xf32, #tpu.memory_space<hbm>>
    tpu.enqueue_indirect_dma source(%dma_start3A_31 : memref<10240x128xf32, #tpu.memory_space<hbm>>) target(%arg8 : memref<144x128xf32, #tpu.memory_space<vmem>>) offsets(%dma_start3A_28 : memref<144xi32, #tpu.memory_space<vmem>>) semaphore(%arg11 : memref<!tpu.dma_semaphore, #tpu.memory_space<semaphore_mem>>)
    %dma_start3A_32 = arith.constant 1 : i32
    %dma_start3A_33 = arith.constant 0 : i32
    %dma_start3A_34 = tpu.memref_slice %arg6[%dma_start3A_32, %dma_start3A_33] : memref<36x144xi32, #tpu.memory_space<vmem>> -> memref<1x144xi32, #tpu.memory_space<vmem>>
    %dma_start3A_35 = tpu.memref_squeeze %dma_start3A_34 : memref<1x144xi32, #tpu.memory_space<vmem>> -> memref<144xi32, #tpu.memory_space<vmem>>
    %dma_start3A_36 = arith.constant 0 : i32
    %dma_start3A_37 = arith.constant 0 : i32
    %dma_start3A_38 = tpu.memref_slice %arg2[%dma_start3A_36, %dma_start3A_37] : memref<10240x128xf32, #tpu.memory_space<hbm>> -> memref<10240x128xf32, #tpu.memory_space<hbm>>
    tpu.enqueue_indirect_dma source(%dma_start3A_38 : memref<10240x128xf32, #tpu.memory_space<hbm>>) target(%arg9 : memref<144x128xf32, #tpu.memory_space<vmem>>) offsets(%dma_start3A_35 : memref<144xi32, #tpu.memory_space<vmem>>) semaphore(%arg12 : memref<!tpu.dma_semaphore, #tpu.memory_space<semaphore_mem>>)
    %scan3A_39 = arith.constant 0 : i32
    %scan3A_40 = arith.constant 17 : i32
    %scan3A_41 = arith.addi %scan3A_39, %scan3A_40 : i32
    %scan3A_42 = arith.constant 1 : i32
    scf.for %scan3A_163 = %scan3A_39 to %scan3A_41 step %scan3A_42  : i32 {
      %mul3A_164 = arith.constant 1 : i32
      %mul3A_165 = arith.muli %scan3A_163, %mul3A_164 : i32
      %add3A_166 = arith.constant 0 : i32
      %add3A_167 = arith.addi %add3A_166, %mul3A_165 : i32
      %mul3A_168 = arith.constant 2 : i32
      %mul3A_169 = arith.muli %add3A_167, %mul3A_168 : i32
      %add3A_170 = arith.constant 0 : i32
      %add3A_171 = arith.addi %mul3A_169, %add3A_170 : i32
      %dma_wait3A_172 = arith.constant 0 : i32
      %dma_wait3A_173 = tpu.memref_slice %arg6[%add3A_171, %dma_wait3A_172] : memref<36x144xi32, #tpu.memory_space<vmem>> -> memref<1x144xi32, #tpu.memory_space<vmem>>
      %dma_wait3A_174 = tpu.memref_squeeze %dma_wait3A_173 : memref<1x144xi32, #tpu.memory_space<vmem>> -> memref<144xi32, #tpu.memory_space<vmem>>
      %dma_wait3A_175 = arith.constant 0 : i32
      %dma_wait3A_176 = arith.constant 0 : i32
      %dma_wait3A_177 = tpu.memref_slice %arg2[%dma_wait3A_175, %dma_wait3A_176] : memref<10240x128xf32, #tpu.memory_space<hbm>> -> memref<10240x128xf32, #tpu.memory_space<hbm>>
      tpu.wait_indirect_dma semaphore(%arg11 : memref<!tpu.dma_semaphore, #tpu.memory_space<semaphore_mem>>) src(%dma_wait3A_177 : memref<10240x128xf32, #tpu.memory_space<hbm>>) dst(%arg8 : memref<144x128xf32, #tpu.memory_space<vmem>>)
      %add3A_178 = arith.constant 0 : i32
      %add3A_179 = arith.addi %mul3A_169, %add3A_178 : i32
      %dma_start3A_180 = arith.constant 0 : i32
      %dma_start3A_181 = tpu.memref_slice %arg7[%add3A_179, %dma_start3A_180] : memref<36x144xi32, #tpu.memory_space<vmem>> -> memref<1x144xi32, #tpu.memory_space<vmem>>
      %dma_start3A_182 = tpu.memref_squeeze %dma_start3A_181 : memref<1x144xi32, #tpu.memory_space<vmem>> -> memref<144xi32, #tpu.memory_space<vmem>>
      %dma_start3A_183 = arith.constant 0 : i32
      %dma_start3A_184 = arith.constant 0 : i32
      %dma_start3A_185 = tpu.memref_slice %arg10[%dma_start3A_183, %dma_start3A_184] : memref<10240x128xf32, #tpu.memory_space<vmem_shared>> -> memref<10240x128xf32, #tpu.memory_space<vmem_shared>>
      tpu.enqueue_indirect_dma source(%arg8 : memref<144x128xf32, #tpu.memory_space<vmem>>) target(%dma_start3A_185 : memref<10240x128xf32, #tpu.memory_space<vmem_shared>>) offsets(%dma_start3A_182 : memref<144xi32, #tpu.memory_space<vmem>>) semaphore(%arg13 : memref<!tpu.dma_semaphore, #tpu.memory_space<semaphore_mem>>) {add = true}
      %add3A_186 = arith.constant 0 : i32
      %add3A_187 = arith.addi %mul3A_169, %add3A_186 : i32
      %dma_wait3A_188 = arith.constant 0 : i32
      %dma_wait3A_189 = tpu.memref_slice %arg7[%add3A_187, %dma_wait3A_188] : memref<36x144xi32, #tpu.memory_space<vmem>> -> memref<1x144xi32, #tpu.memory_space<vmem>>
      %dma_wait3A_190 = tpu.memref_squeeze %dma_wait3A_189 : memref<1x144xi32, #tpu.memory_space<vmem>> -> memref<144xi32, #tpu.memory_space<vmem>>
      %dma_wait3A_191 = arith.constant 0 : i32
      %dma_wait3A_192 = arith.constant 0 : i32
      %dma_wait3A_193 = tpu.memref_slice %arg10[%dma_wait3A_191, %dma_wait3A_192] : memref<10240x128xf32, #tpu.memory_space<vmem_shared>> -> memref<10240x128xf32, #tpu.memory_space<vmem_shared>>
      tpu.wait_indirect_dma semaphore(%arg13 : memref<!tpu.dma_semaphore, #tpu.memory_space<semaphore_mem>>) src(%arg8 : memref<144x128xf32, #tpu.memory_space<vmem>>) dst(%dma_wait3A_193 : memref<10240x128xf32, #tpu.memory_space<vmem_shared>>)
      %add3A_194 = arith.constant 2 : i32
      %add3A_195 = arith.addi %mul3A_169, %add3A_194 : i32
      %add3A_196 = arith.constant 0 : i32
      %add3A_197 = arith.addi %add3A_195, %add3A_196 : i32
      %dma_start3A_198 = arith.constant 0 : i32
      %dma_start3A_199 = tpu.memref_slice %arg6[%add3A_197, %dma_start3A_198] : memref<36x144xi32, #tpu.memory_space<vmem>> -> memref<1x144xi32, #tpu.memory_space<vmem>>
      %dma_start3A_200 = tpu.memref_squeeze %dma_start3A_199 : memref<1x144xi32, #tpu.memory_space<vmem>> -> memref<144xi32, #tpu.memory_space<vmem>>
      %dma_start3A_201 = arith.constant 0 : i32
      %dma_start3A_202 = arith.constant 0 : i32
      %dma_start3A_203 = tpu.memref_slice %arg2[%dma_start3A_201, %dma_start3A_202] : memref<10240x128xf32, #tpu.memory_space<hbm>> -> memref<10240x128xf32, #tpu.memory_space<hbm>>
      tpu.enqueue_indirect_dma source(%dma_start3A_203 : memref<10240x128xf32, #tpu.memory_space<hbm>>) target(%arg8 : memref<144x128xf32, #tpu.memory_space<vmem>>) offsets(%dma_start3A_200 : memref<144xi32, #tpu.memory_space<vmem>>) semaphore(%arg11 : memref<!tpu.dma_semaphore, #tpu.memory_space<semaphore_mem>>)
      %add3A_204 = arith.constant 1 : i32
      %add3A_205 = arith.addi %mul3A_169, %add3A_204 : i32
      %dma_wait3A_206 = arith.constant 0 : i32
      %dma_wait3A_207 = tpu.memref_slice %arg6[%add3A_205, %dma_wait3A_206] : memref<36x144xi32, #tpu.memory_space<vmem>> -> memref<1x144xi32, #tpu.memory_space<vmem>>
      %dma_wait3A_208 = tpu.memref_squeeze %dma_wait3A_207 : memref<1x144xi32, #tpu.memory_space<vmem>> -> memref<144xi32, #tpu.memory_space<vmem>>
      %dma_wait3A_209 = arith.constant 0 : i32
      %dma_wait3A_210 = arith.constant 0 : i32
      %dma_wait3A_211 = tpu.memref_slice %arg2[%dma_wait3A_209, %dma_wait3A_210] : memref<10240x128xf32, #tpu.memory_space<hbm>> -> memref<10240x128xf32, #tpu.memory_space<hbm>>
      tpu.wait_indirect_dma semaphore(%arg12 : memref<!tpu.dma_semaphore, #tpu.memory_space<semaphore_mem>>) src(%dma_wait3A_211 : memref<10240x128xf32, #tpu.memory_space<hbm>>) dst(%arg9 : memref<144x128xf32, #tpu.memory_space<vmem>>)
      %add3A_212 = arith.constant 1 : i32
      %add3A_213 = arith.addi %mul3A_169, %add3A_212 : i32
      %dma_start3A_214 = arith.constant 0 : i32
      %dma_start3A_215 = tpu.memref_slice %arg7[%add3A_213, %dma_start3A_214] : memref<36x144xi32, #tpu.memory_space<vmem>> -> memref<1x144xi32, #tpu.memory_space<vmem>>
      %dma_start3A_216 = tpu.memref_squeeze %dma_start3A_215 : memref<1x144xi32, #tpu.memory_space<vmem>> -> memref<144xi32, #tpu.memory_space<vmem>>
      %dma_start3A_217 = arith.constant 0 : i32
      %dma_start3A_218 = arith.constant 0 : i32
      %dma_start3A_219 = tpu.memref_slice %arg10[%dma_start3A_217, %dma_start3A_218] : memref<10240x128xf32, #tpu.memory_space<vmem_shared>> -> memref<10240x128xf32, #tpu.memory_space<vmem_shared>>
      tpu.enqueue_indirect_dma source(%arg9 : memref<144x128xf32, #tpu.memory_space<vmem>>) target(%dma_start3A_219 : memref<10240x128xf32, #tpu.memory_space<vmem_shared>>) offsets(%dma_start3A_216 : memref<144xi32, #tpu.memory_space<vmem>>) semaphore(%arg14 : memref<!tpu.dma_semaphore, #tpu.memory_space<semaphore_mem>>) {add = true}
      %add3A_220 = arith.constant 1 : i32
      %add3A_221 = arith.addi %mul3A_169, %add3A_220 : i32
      %dma_wait3A_222 = arith.constant 0 : i32
      %dma_wait3A_223 = tpu.memref_slice %arg7[%add3A_221, %dma_wait3A_222] : memref<36x144xi32, #tpu.memory_space<vmem>> -> memref<1x144xi32, #tpu.memory_space<vmem>>
      %dma_wait3A_224 = tpu.memref_squeeze %dma_wait3A_223 : memref<1x144xi32, #tpu.memory_space<vmem>> -> memref<144xi32, #tpu.memory_space<vmem>>
      %dma_wait3A_225 = arith.constant 0 : i32
      %dma_wait3A_226 = arith.constant 0 : i32
      %dma_wait3A_227 = tpu.memref_slice %arg10[%dma_wait3A_225, %dma_wait3A_226] : memref<10240x128xf32, #tpu.memory_space<vmem_shared>> -> memref<10240x128xf32, #tpu.memory_space<vmem_shared>>
      tpu.wait_indirect_dma semaphore(%arg14 : memref<!tpu.dma_semaphore, #tpu.memory_space<semaphore_mem>>) src(%arg9 : memref<144x128xf32, #tpu.memory_space<vmem>>) dst(%dma_wait3A_227 : memref<10240x128xf32, #tpu.memory_space<vmem_shared>>)
      %add3A_228 = arith.constant 2 : i32
      %add3A_229 = arith.addi %mul3A_169, %add3A_228 : i32
      %add3A_230 = arith.constant 1 : i32
      %add3A_231 = arith.addi %add3A_229, %add3A_230 : i32
      %dma_start3A_232 = arith.constant 0 : i32
      %dma_start3A_233 = tpu.memref_slice %arg6[%add3A_231, %dma_start3A_232] : memref<36x144xi32, #tpu.memory_space<vmem>> -> memref<1x144xi32, #tpu.memory_space<vmem>>
      %dma_start3A_234 = tpu.memref_squeeze %dma_start3A_233 : memref<1x144xi32, #tpu.memory_space<vmem>> -> memref<144xi32, #tpu.memory_space<vmem>>
      %dma_start3A_235 = arith.constant 0 : i32
      %dma_start3A_236 = arith.constant 0 : i32
      %dma_start3A_237 = tpu.memref_slice %arg2[%dma_start3A_235, %dma_start3A_236] : memref<10240x128xf32, #tpu.memory_space<hbm>> -> memref<10240x128xf32, #tpu.memory_space<hbm>>
      tpu.enqueue_indirect_dma source(%dma_start3A_237 : memref<10240x128xf32, #tpu.memory_space<hbm>>) target(%arg9 : memref<144x128xf32, #tpu.memory_space<vmem>>) offsets(%dma_start3A_234 : memref<144xi32, #tpu.memory_space<vmem>>) semaphore(%arg12 : memref<!tpu.dma_semaphore, #tpu.memory_space<semaphore_mem>>)
    }
    %scan3A_43 = arith.constant 17 : i32
    %dma_wait3A = arith.constant 34 : i32
    %dma_wait3A_44 = arith.constant 0 : i32
    %dma_wait3A_45 = tpu.memref_slice %arg6[%dma_wait3A, %dma_wait3A_44] : memref<36x144xi32, #tpu.memory_space<vmem>> -> memref<1x144xi32, #tpu.memory_space<vmem>>
    %dma_wait3A_46 = tpu.memref_squeeze %dma_wait3A_45 : memref<1x144xi32, #tpu.memory_space<vmem>> -> memref<144xi32, #tpu.memory_space<vmem>>
    %dma_wait3A_47 = arith.constant 0 : i32
    %dma_wait3A_48 = arith.constant 0 : i32
    %dma_wait3A_49 = tpu.memref_slice %arg2[%dma_wait3A_47, %dma_wait3A_48] : memref<10240x128xf32, #tpu.memory_space<hbm>> -> memref<10240x128xf32, #tpu.memory_space<hbm>>
    tpu.wait_indirect_dma semaphore(%arg11 : memref<!tpu.dma_semaphore, #tpu.memory_space<semaphore_mem>>) src(%dma_wait3A_49 : memref<10240x128xf32, #tpu.memory_space<hbm>>) dst(%arg8 : memref<144x128xf32, #tpu.memory_space<vmem>>)
    %dma_start3A_50 = arith.constant 34 : i32
    %dma_start3A_51 = arith.constant 0 : i32
    %dma_start3A_52 = tpu.memref_slice %arg7[%dma_start3A_50, %dma_start3A_51] : memref<36x144xi32, #tpu.memory_space<vmem>> -> memref<1x144xi32, #tpu.memory_space<vmem>>
    %dma_start3A_53 = tpu.memref_squeeze %dma_start3A_52 : memref<1x144xi32, #tpu.memory_space<vmem>> -> memref<144xi32, #tpu.memory_space<vmem>>
    %dma_start3A_54 = arith.constant 0 : i32
    %dma_start3A_55 = arith.constant 0 : i32
    %dma_start3A_56 = tpu.memref_slice %arg10[%dma_start3A_54, %dma_start3A_55] : memref<10240x128xf32, #tpu.memory_space<vmem_shared>> -> memref<10240x128xf32, #tpu.memory_space<vmem_shared>>
    tpu.enqueue_indirect_dma source(%arg8 : memref<144x128xf32, #tpu.memory_space<vmem>>) target(%dma_start3A_56 : memref<10240x128xf32, #tpu.memory_space<vmem_shared>>) offsets(%dma_start3A_53 : memref<144xi32, #tpu.memory_space<vmem>>) semaphore(%arg13 : memref<!tpu.dma_semaphore, #tpu.memory_space<semaphore_mem>>) {add = true}
    %dma_wait3A_57 = arith.constant 34 : i32
    %dma_wait3A_58 = arith.constant 0 : i32
    %dma_wait3A_59 = tpu.memref_slice %arg7[%dma_wait3A_57, %dma_wait3A_58] : memref<36x144xi32, #tpu.memory_space<vmem>> -> memref<1x144xi32, #tpu.memory_space<vmem>>
    %dma_wait3A_60 = tpu.memref_squeeze %dma_wait3A_59 : memref<1x144xi32, #tpu.memory_space<vmem>> -> memref<144xi32, #tpu.memory_space<vmem>>
    %dma_wait3A_61 = arith.constant 0 : i32
    %dma_wait3A_62 = arith.constant 0 : i32
    %dma_wait3A_63 = tpu.memref_slice %arg10[%dma_wait3A_61, %dma_wait3A_62] : memref<10240x128xf32, #tpu.memory_space<vmem_shared>> -> memref<10240x128xf32, #tpu.memory_space<vmem_shared>>
    tpu.wait_indirect_dma semaphore(%arg13 : memref<!tpu.dma_semaphore, #tpu.memory_space<semaphore_mem>>) src(%arg8 : memref<144x128xf32, #tpu.memory_space<vmem>>) dst(%dma_wait3A_63 : memref<10240x128xf32, #tpu.memory_space<vmem_shared>>)
    %dma_wait3A_64 = arith.constant 35 : i32
    %dma_wait3A_65 = arith.constant 0 : i32
    %dma_wait3A_66 = tpu.memref_slice %arg6[%dma_wait3A_64, %dma_wait3A_65] : memref<36x144xi32, #tpu.memory_space<vmem>> -> memref<1x144xi32, #tpu.memory_space<vmem>>
    %dma_wait3A_67 = tpu.memref_squeeze %dma_wait3A_66 : memref<1x144xi32, #tpu.memory_space<vmem>> -> memref<144xi32, #tpu.memory_space<vmem>>
    %dma_wait3A_68 = arith.constant 0 : i32
    %dma_wait3A_69 = arith.constant 0 : i32
    %dma_wait3A_70 = tpu.memref_slice %arg2[%dma_wait3A_68, %dma_wait3A_69] : memref<10240x128xf32, #tpu.memory_space<hbm>> -> memref<10240x128xf32, #tpu.memory_space<hbm>>
    tpu.wait_indirect_dma semaphore(%arg12 : memref<!tpu.dma_semaphore, #tpu.memory_space<semaphore_mem>>) src(%dma_wait3A_70 : memref<10240x128xf32, #tpu.memory_space<hbm>>) dst(%arg9 : memref<144x128xf32, #tpu.memory_space<vmem>>)
    %dma_start3A_71 = arith.constant 35 : i32
    %dma_start3A_72 = arith.constant 0 : i32
    %dma_start3A_73 = tpu.memref_slice %arg7[%dma_start3A_71, %dma_start3A_72] : memref<36x144xi32, #tpu.memory_space<vmem>> -> memref<1x144xi32, #tpu.memory_space<vmem>>
    %dma_start3A_74 = tpu.memref_squeeze %dma_start3A_73 : memref<1x144xi32, #tpu.memory_space<vmem>> -> memref<144xi32, #tpu.memory_space<vmem>>
    %dma_start3A_75 = arith.constant 0 : i32
    %dma_start3A_76 = arith.constant 0 : i32
    %dma_start3A_77 = tpu.memref_slice %arg10[%dma_start3A_75, %dma_start3A_76] : memref<10240x128xf32, #tpu.memory_space<vmem_shared>> -> memref<10240x128xf32, #tpu.memory_space<vmem_shared>>
    tpu.enqueue_indirect_dma source(%arg9 : memref<144x128xf32, #tpu.memory_space<vmem>>) target(%dma_start3A_77 : memref<10240x128xf32, #tpu.memory_space<vmem_shared>>) offsets(%dma_start3A_74 : memref<144xi32, #tpu.memory_space<vmem>>) semaphore(%arg14 : memref<!tpu.dma_semaphore, #tpu.memory_space<semaphore_mem>>) {add = true}
    %dma_wait3A_78 = arith.constant 35 : i32
    %dma_wait3A_79 = arith.constant 0 : i32
    %dma_wait3A_80 = tpu.memref_slice %arg7[%dma_wait3A_78, %dma_wait3A_79] : memref<36x144xi32, #tpu.memory_space<vmem>> -> memref<1x144xi32, #tpu.memory_space<vmem>>
    %dma_wait3A_81 = tpu.memref_squeeze %dma_wait3A_80 : memref<1x144xi32, #tpu.memory_space<vmem>> -> memref<144xi32, #tpu.memory_space<vmem>>
    %dma_wait3A_82 = arith.constant 0 : i32
    %dma_wait3A_83 = arith.constant 0 : i32
    %dma_wait3A_84 = tpu.memref_slice %arg10[%dma_wait3A_82, %dma_wait3A_83] : memref<10240x128xf32, #tpu.memory_space<vmem_shared>> -> memref<10240x128xf32, #tpu.memory_space<vmem_shared>>
    tpu.wait_indirect_dma semaphore(%arg14 : memref<!tpu.dma_semaphore, #tpu.memory_space<semaphore_mem>>) src(%arg9 : memref<144x128xf32, #tpu.memory_space<vmem>>) dst(%dma_wait3A_84 : memref<10240x128xf32, #tpu.memory_space<vmem_shared>>)
    %mul3A_85 = arith.constant 2 : i32
    %mul3A_86 = arith.muli %add3A, %mul3A_85 : i32
    %add3A_87 = arith.constant 1 : i32
    %add3A_88 = arith.addi %mul3A_86, %add3A_87 : i32
    %mul3A_89 = arith.constant 36 : i32
    %mul3A_90 = arith.muli %add3A_88, %mul3A_89 : i32
    "tpu.region"() ({
      %run_scoped3A = tpu.sem_alloc : memref<!tpu.dma_semaphore, #tpu.memory_space<semaphore_mem>>
      %dma_start3A_163 = arith.constant 0 : i32
      %dma_start3A_164 = tpu.memref_slice %arg3[%mul3A_90, %dma_start3A_163] : memref<2304x144xi32, #tpu.memory_space<hbm>> -> memref<36x144xi32, #tpu.memory_space<hbm>>
      %dma_start3A_165 = arith.constant 0 : i32
      %dma_start3A_166 = tpu.memref_slice %arg3[%mul3A_90, %dma_start3A_165] : memref<2304x144xi32, #tpu.memory_space<hbm>> -> memref<36x144xi32, #tpu.memory_space<hbm>>
      tpu.enqueue_dma source(%dma_start3A_166 : memref<36x144xi32, #tpu.memory_space<hbm>>) target(%arg6 : memref<36x144xi32, #tpu.memory_space<vmem>>) target_semaphore(%run_scoped3A : memref<!tpu.dma_semaphore, #tpu.memory_space<semaphore_mem>>)
      %dma_wait3A_167 = arith.constant 0 : i32
      %dma_wait3A_168 = tpu.memref_slice %arg3[%mul3A_90, %dma_wait3A_167] : memref<2304x144xi32, #tpu.memory_space<hbm>> -> memref<36x144xi32, #tpu.memory_space<hbm>>
      %dma_wait3A_169 = arith.constant 0 : i32
      %dma_wait3A_170 = tpu.memref_slice %arg3[%mul3A_90, %dma_wait3A_169] : memref<2304x144xi32, #tpu.memory_space<hbm>> -> memref<36x144xi32, #tpu.memory_space<hbm>>
      tpu.wait_dma2 semaphore(%run_scoped3A : memref<!tpu.dma_semaphore, #tpu.memory_space<semaphore_mem>>) src(%dma_wait3A_170 : memref<36x144xi32, #tpu.memory_space<hbm>>) dst(%arg6 : memref<36x144xi32, #tpu.memory_space<vmem>>)
      tpu.yield
    }) : () -> ()
    %mul3A_91 = arith.constant 2 : i32
    %mul3A_92 = arith.muli %add3A, %mul3A_91 : i32
    %add3A_93 = arith.constant 1 : i32
    %add3A_94 = arith.addi %mul3A_92, %add3A_93 : i32
    %mul3A_95 = arith.constant 36 : i32
    %mul3A_96 = arith.muli %add3A_94, %mul3A_95 : i32
    "tpu.region"() ({
      %run_scoped3A = tpu.sem_alloc : memref<!tpu.dma_semaphore, #tpu.memory_space<semaphore_mem>>
      %dma_start3A_163 = arith.constant 0 : i32
      %dma_start3A_164 = tpu.memref_slice %arg4[%mul3A_96, %dma_start3A_163] : memref<2304x144xi32, #tpu.memory_space<hbm>> -> memref<36x144xi32, #tpu.memory_space<hbm>>
      %dma_start3A_165 = arith.constant 0 : i32
      %dma_start3A_166 = tpu.memref_slice %arg4[%mul3A_96, %dma_start3A_165] : memref<2304x144xi32, #tpu.memory_space<hbm>> -> memref<36x144xi32, #tpu.memory_space<hbm>>
      tpu.enqueue_dma source(%dma_start3A_166 : memref<36x144xi32, #tpu.memory_space<hbm>>) target(%arg7 : memref<36x144xi32, #tpu.memory_space<vmem>>) target_semaphore(%run_scoped3A : memref<!tpu.dma_semaphore, #tpu.memory_space<semaphore_mem>>)
      %dma_wait3A_167 = arith.constant 0 : i32
      %dma_wait3A_168 = tpu.memref_slice %arg4[%mul3A_96, %dma_wait3A_167] : memref<2304x144xi32, #tpu.memory_space<hbm>> -> memref<36x144xi32, #tpu.memory_space<hbm>>
      %dma_wait3A_169 = arith.constant 0 : i32
      %dma_wait3A_170 = tpu.memref_slice %arg4[%mul3A_96, %dma_wait3A_169] : memref<2304x144xi32, #tpu.memory_space<hbm>> -> memref<36x144xi32, #tpu.memory_space<hbm>>
      tpu.wait_dma2 semaphore(%run_scoped3A : memref<!tpu.dma_semaphore, #tpu.memory_space<semaphore_mem>>) src(%dma_wait3A_170 : memref<36x144xi32, #tpu.memory_space<hbm>>) dst(%arg7 : memref<36x144xi32, #tpu.memory_space<vmem>>)
      tpu.yield
    }) : () -> ()
    %dma_start3A_97 = arith.constant 0 : i32
    %dma_start3A_98 = arith.constant 0 : i32
    %dma_start3A_99 = tpu.memref_slice %arg6[%dma_start3A_97, %dma_start3A_98] : memref<36x144xi32, #tpu.memory_space<vmem>> -> memref<1x144xi32, #tpu.memory_space<vmem>>
    %dma_start3A_100 = tpu.memref_squeeze %dma_start3A_99 : memref<1x144xi32, #tpu.memory_space<vmem>> -> memref<144xi32, #tpu.memory_space<vmem>>
    %dma_start3A_101 = arith.constant 0 : i32
    %dma_start3A_102 = arith.constant 0 : i32
    %dma_start3A_103 = tpu.memref_slice %arg2[%dma_start3A_101, %dma_start3A_102] : memref<10240x128xf32, #tpu.memory_space<hbm>> -> memref<10240x128xf32, #tpu.memory_space<hbm>>
    tpu.enqueue_indirect_dma source(%dma_start3A_103 : memref<10240x128xf32, #tpu.memory_space<hbm>>) target(%arg8 : memref<144x128xf32, #tpu.memory_space<vmem>>) offsets(%dma_start3A_100 : memref<144xi32, #tpu.memory_space<vmem>>) semaphore(%arg11 : memref<!tpu.dma_semaphore, #tpu.memory_space<semaphore_mem>>)
    %dma_start3A_104 = arith.constant 1 : i32
    %dma_start3A_105 = arith.constant 0 : i32
    %dma_start3A_106 = tpu.memref_slice %arg6[%dma_start3A_104, %dma_start3A_105] : memref<36x144xi32, #tpu.memory_space<vmem>> -> memref<1x144xi32, #tpu.memory_space<vmem>>
    %dma_start3A_107 = tpu.memref_squeeze %dma_start3A_106 : memref<1x144xi32, #tpu.memory_space<vmem>> -> memref<144xi32, #tpu.memory_space<vmem>>
    %dma_start3A_108 = arith.constant 0 : i32
    %dma_start3A_109 = arith.constant 0 : i32
    %dma_start3A_110 = tpu.memref_slice %arg2[%dma_start3A_108, %dma_start3A_109] : memref<10240x128xf32, #tpu.memory_space<hbm>> -> memref<10240x128xf32, #tpu.memory_space<hbm>>
    tpu.enqueue_indirect_dma source(%dma_start3A_110 : memref<10240x128xf32, #tpu.memory_space<hbm>>) target(%arg9 : memref<144x128xf32, #tpu.memory_space<vmem>>) offsets(%dma_start3A_107 : memref<144xi32, #tpu.memory_space<vmem>>) semaphore(%arg12 : memref<!tpu.dma_semaphore, #tpu.memory_space<semaphore_mem>>)
    %scan3A_111 = arith.constant 0 : i32
    %scan3A_112 = arith.constant 17 : i32
    %scan3A_113 = arith.addi %scan3A_111, %scan3A_112 : i32
    %scan3A_114 = arith.constant 1 : i32
    scf.for %scan3A_163 = %scan3A_111 to %scan3A_113 step %scan3A_114  : i32 {
      %mul3A_164 = arith.constant 1 : i32
      %mul3A_165 = arith.muli %scan3A_163, %mul3A_164 : i32
      %add3A_166 = arith.constant 0 : i32
      %add3A_167 = arith.addi %add3A_166, %mul3A_165 : i32
      %mul3A_168 = arith.constant 2 : i32
      %mul3A_169 = arith.muli %add3A_167, %mul3A_168 : i32
      %add3A_170 = arith.constant 0 : i32
      %add3A_171 = arith.addi %mul3A_169, %add3A_170 : i32
      %dma_wait3A_172 = arith.constant 0 : i32
      %dma_wait3A_173 = tpu.memref_slice %arg6[%add3A_171, %dma_wait3A_172] : memref<36x144xi32, #tpu.memory_space<vmem>> -> memref<1x144xi32, #tpu.memory_space<vmem>>
      %dma_wait3A_174 = tpu.memref_squeeze %dma_wait3A_173 : memref<1x144xi32, #tpu.memory_space<vmem>> -> memref<144xi32, #tpu.memory_space<vmem>>
      %dma_wait3A_175 = arith.constant 0 : i32
      %dma_wait3A_176 = arith.constant 0 : i32
      %dma_wait3A_177 = tpu.memref_slice %arg2[%dma_wait3A_175, %dma_wait3A_176] : memref<10240x128xf32, #tpu.memory_space<hbm>> -> memref<10240x128xf32, #tpu.memory_space<hbm>>
      tpu.wait_indirect_dma semaphore(%arg11 : memref<!tpu.dma_semaphore, #tpu.memory_space<semaphore_mem>>) src(%dma_wait3A_177 : memref<10240x128xf32, #tpu.memory_space<hbm>>) dst(%arg8 : memref<144x128xf32, #tpu.memory_space<vmem>>)
      %add3A_178 = arith.constant 0 : i32
      %add3A_179 = arith.addi %mul3A_169, %add3A_178 : i32
      %dma_start3A_180 = arith.constant 0 : i32
      %dma_start3A_181 = tpu.memref_slice %arg7[%add3A_179, %dma_start3A_180] : memref<36x144xi32, #tpu.memory_space<vmem>> -> memref<1x144xi32, #tpu.memory_space<vmem>>
      %dma_start3A_182 = tpu.memref_squeeze %dma_start3A_181 : memref<1x144xi32, #tpu.memory_space<vmem>> -> memref<144xi32, #tpu.memory_space<vmem>>
      %dma_start3A_183 = arith.constant 0 : i32
      %dma_start3A_184 = arith.constant 0 : i32
      %dma_start3A_185 = tpu.memref_slice %arg10[%dma_start3A_183, %dma_start3A_184] : memref<10240x128xf32, #tpu.memory_space<vmem_shared>> -> memref<10240x128xf32, #tpu.memory_space<vmem_shared>>
      tpu.enqueue_indirect_dma source(%arg8 : memref<144x128xf32, #tpu.memory_space<vmem>>) target(%dma_start3A_185 : memref<10240x128xf32, #tpu.memory_space<vmem_shared>>) offsets(%dma_start3A_182 : memref<144xi32, #tpu.memory_space<vmem>>) semaphore(%arg13 : memref<!tpu.dma_semaphore, #tpu.memory_space<semaphore_mem>>) {add = true}
      %add3A_186 = arith.constant 0 : i32
      %add3A_187 = arith.addi %mul3A_169, %add3A_186 : i32
      %dma_wait3A_188 = arith.constant 0 : i32
      %dma_wait3A_189 = tpu.memref_slice %arg7[%add3A_187, %dma_wait3A_188] : memref<36x144xi32, #tpu.memory_space<vmem>> -> memref<1x144xi32, #tpu.memory_space<vmem>>
      %dma_wait3A_190 = tpu.memref_squeeze %dma_wait3A_189 : memref<1x144xi32, #tpu.memory_space<vmem>> -> memref<144xi32, #tpu.memory_space<vmem>>
      %dma_wait3A_191 = arith.constant 0 : i32
      %dma_wait3A_192 = arith.constant 0 : i32
      %dma_wait3A_193 = tpu.memref_slice %arg10[%dma_wait3A_191, %dma_wait3A_192] : memref<10240x128xf32, #tpu.memory_space<vmem_shared>> -> memref<10240x128xf32, #tpu.memory_space<vmem_shared>>
      tpu.wait_indirect_dma semaphore(%arg13 : memref<!tpu.dma_semaphore, #tpu.memory_space<semaphore_mem>>) src(%arg8 : memref<144x128xf32, #tpu.memory_space<vmem>>) dst(%dma_wait3A_193 : memref<10240x128xf32, #tpu.memory_space<vmem_shared>>)
      %add3A_194 = arith.constant 2 : i32
      %add3A_195 = arith.addi %mul3A_169, %add3A_194 : i32
      %add3A_196 = arith.constant 0 : i32
      %add3A_197 = arith.addi %add3A_195, %add3A_196 : i32
      %dma_start3A_198 = arith.constant 0 : i32
      %dma_start3A_199 = tpu.memref_slice %arg6[%add3A_197, %dma_start3A_198] : memref<36x144xi32, #tpu.memory_space<vmem>> -> memref<1x144xi32, #tpu.memory_space<vmem>>
      %dma_start3A_200 = tpu.memref_squeeze %dma_start3A_199 : memref<1x144xi32, #tpu.memory_space<vmem>> -> memref<144xi32, #tpu.memory_space<vmem>>
      %dma_start3A_201 = arith.constant 0 : i32
      %dma_start3A_202 = arith.constant 0 : i32
      %dma_start3A_203 = tpu.memref_slice %arg2[%dma_start3A_201, %dma_start3A_202] : memref<10240x128xf32, #tpu.memory_space<hbm>> -> memref<10240x128xf32, #tpu.memory_space<hbm>>
      tpu.enqueue_indirect_dma source(%dma_start3A_203 : memref<10240x128xf32, #tpu.memory_space<hbm>>) target(%arg8 : memref<144x128xf32, #tpu.memory_space<vmem>>) offsets(%dma_start3A_200 : memref<144xi32, #tpu.memory_space<vmem>>) semaphore(%arg11 : memref<!tpu.dma_semaphore, #tpu.memory_space<semaphore_mem>>)
      %add3A_204 = arith.constant 1 : i32
      %add3A_205 = arith.addi %mul3A_169, %add3A_204 : i32
      %dma_wait3A_206 = arith.constant 0 : i32
      %dma_wait3A_207 = tpu.memref_slice %arg6[%add3A_205, %dma_wait3A_206] : memref<36x144xi32, #tpu.memory_space<vmem>> -> memref<1x144xi32, #tpu.memory_space<vmem>>
      %dma_wait3A_208 = tpu.memref_squeeze %dma_wait3A_207 : memref<1x144xi32, #tpu.memory_space<vmem>> -> memref<144xi32, #tpu.memory_space<vmem>>
      %dma_wait3A_209 = arith.constant 0 : i32
      %dma_wait3A_210 = arith.constant 0 : i32
      %dma_wait3A_211 = tpu.memref_slice %arg2[%dma_wait3A_209, %dma_wait3A_210] : memref<10240x128xf32, #tpu.memory_space<hbm>> -> memref<10240x128xf32, #tpu.memory_space<hbm>>
      tpu.wait_indirect_dma semaphore(%arg12 : memref<!tpu.dma_semaphore, #tpu.memory_space<semaphore_mem>>) src(%dma_wait3A_211 : memref<10240x128xf32, #tpu.memory_space<hbm>>) dst(%arg9 : memref<144x128xf32, #tpu.memory_space<vmem>>)
      %add3A_212 = arith.constant 1 : i32
      %add3A_213 = arith.addi %mul3A_169, %add3A_212 : i32
      %dma_start3A_214 = arith.constant 0 : i32
      %dma_start3A_215 = tpu.memref_slice %arg7[%add3A_213, %dma_start3A_214] : memref<36x144xi32, #tpu.memory_space<vmem>> -> memref<1x144xi32, #tpu.memory_space<vmem>>
      %dma_start3A_216 = tpu.memref_squeeze %dma_start3A_215 : memref<1x144xi32, #tpu.memory_space<vmem>> -> memref<144xi32, #tpu.memory_space<vmem>>
      %dma_start3A_217 = arith.constant 0 : i32
      %dma_start3A_218 = arith.constant 0 : i32
      %dma_start3A_219 = tpu.memref_slice %arg10[%dma_start3A_217, %dma_start3A_218] : memref<10240x128xf32, #tpu.memory_space<vmem_shared>> -> memref<10240x128xf32, #tpu.memory_space<vmem_shared>>
      tpu.enqueue_indirect_dma source(%arg9 : memref<144x128xf32, #tpu.memory_space<vmem>>) target(%dma_start3A_219 : memref<10240x128xf32, #tpu.memory_space<vmem_shared>>) offsets(%dma_start3A_216 : memref<144xi32, #tpu.memory_space<vmem>>) semaphore(%arg14 : memref<!tpu.dma_semaphore, #tpu.memory_space<semaphore_mem>>) {add = true}
      %add3A_220 = arith.constant 1 : i32
      %add3A_221 = arith.addi %mul3A_169, %add3A_220 : i32
      %dma_wait3A_222 = arith.constant 0 : i32
      %dma_wait3A_223 = tpu.memref_slice %arg7[%add3A_221, %dma_wait3A_222] : memref<36x144xi32, #tpu.memory_space<vmem>> -> memref<1x144xi32, #tpu.memory_space<vmem>>
      %dma_wait3A_224 = tpu.memref_squeeze %dma_wait3A_223 : memref<1x144xi32, #tpu.memory_space<vmem>> -> memref<144xi32, #tpu.memory_space<vmem>>
      %dma_wait3A_225 = arith.constant 0 : i32
      %dma_wait3A_226 = arith.constant 0 : i32
      %dma_wait3A_227 = tpu.memref_slice %arg10[%dma_wait3A_225, %dma_wait3A_226] : memref<10240x128xf32, #tpu.memory_space<vmem_shared>> -> memref<10240x128xf32, #tpu.memory_space<vmem_shared>>
      tpu.wait_indirect_dma semaphore(%arg14 : memref<!tpu.dma_semaphore, #tpu.memory_space<semaphore_mem>>) src(%arg9 : memref<144x128xf32, #tpu.memory_space<vmem>>) dst(%dma_wait3A_227 : memref<10240x128xf32, #tpu.memory_space<vmem_shared>>)
      %add3A_228 = arith.constant 2 : i32
      %add3A_229 = arith.addi %mul3A_169, %add3A_228 : i32
      %add3A_230 = arith.constant 1 : i32
      %add3A_231 = arith.addi %add3A_229, %add3A_230 : i32
      %dma_start3A_232 = arith.constant 0 : i32
      %dma_start3A_233 = tpu.memref_slice %arg6[%add3A_231, %dma_start3A_232] : memref<36x144xi32, #tpu.memory_space<vmem>> -> memref<1x144xi32, #tpu.memory_space<vmem>>
      %dma_start3A_234 = tpu.memref_squeeze %dma_start3A_233 : memref<1x144xi32, #tpu.memory_space<vmem>> -> memref<144xi32, #tpu.memory_space<vmem>>
      %dma_start3A_235 = arith.constant 0 : i32
      %dma_start3A_236 = arith.constant 0 : i32
      %dma_start3A_237 = tpu.memref_slice %arg2[%dma_start3A_235, %dma_start3A_236] : memref<10240x128xf32, #tpu.memory_space<hbm>> -> memref<10240x128xf32, #tpu.memory_space<hbm>>
      tpu.enqueue_indirect_dma source(%dma_start3A_237 : memref<10240x128xf32, #tpu.memory_space<hbm>>) target(%arg9 : memref<144x128xf32, #tpu.memory_space<vmem>>) offsets(%dma_start3A_234 : memref<144xi32, #tpu.memory_space<vmem>>) semaphore(%arg12 : memref<!tpu.dma_semaphore, #tpu.memory_space<semaphore_mem>>)
    }
    %scan3A_115 = arith.constant 17 : i32
    %dma_wait3A_116 = arith.constant 34 : i32
    %dma_wait3A_117 = arith.constant 0 : i32
    %dma_wait3A_118 = tpu.memref_slice %arg6[%dma_wait3A_116, %dma_wait3A_117] : memref<36x144xi32, #tpu.memory_space<vmem>> -> memref<1x144xi32, #tpu.memory_space<vmem>>
    %dma_wait3A_119 = tpu.memref_squeeze %dma_wait3A_118 : memref<1x144xi32, #tpu.memory_space<vmem>> -> memref<144xi32, #tpu.memory_space<vmem>>
    %dma_wait3A_120 = arith.constant 0 : i32
    %dma_wait3A_121 = arith.constant 0 : i32
    %dma_wait3A_122 = tpu.memref_slice %arg2[%dma_wait3A_120, %dma_wait3A_121] : memref<10240x128xf32, #tpu.memory_space<hbm>> -> memref<10240x128xf32, #tpu.memory_space<hbm>>
    tpu.wait_indirect_dma semaphore(%arg11 : memref<!tpu.dma_semaphore, #tpu.memory_space<semaphore_mem>>) src(%dma_wait3A_122 : memref<10240x128xf32, #tpu.memory_space<hbm>>) dst(%arg8 : memref<144x128xf32, #tpu.memory_space<vmem>>)
    %dma_start3A_123 = arith.constant 34 : i32
    %dma_start3A_124 = arith.constant 0 : i32
    %dma_start3A_125 = tpu.memref_slice %arg7[%dma_start3A_123, %dma_start3A_124] : memref<36x144xi32, #tpu.memory_space<vmem>> -> memref<1x144xi32, #tpu.memory_space<vmem>>
    %dma_start3A_126 = tpu.memref_squeeze %dma_start3A_125 : memref<1x144xi32, #tpu.memory_space<vmem>> -> memref<144xi32, #tpu.memory_space<vmem>>
    %dma_start3A_127 = arith.constant 0 : i32
    %dma_start3A_128 = arith.constant 0 : i32
    %dma_start3A_129 = tpu.memref_slice %arg10[%dma_start3A_127, %dma_start3A_128] : memref<10240x128xf32, #tpu.memory_space<vmem_shared>> -> memref<10240x128xf32, #tpu.memory_space<vmem_shared>>
    tpu.enqueue_indirect_dma source(%arg8 : memref<144x128xf32, #tpu.memory_space<vmem>>) target(%dma_start3A_129 : memref<10240x128xf32, #tpu.memory_space<vmem_shared>>) offsets(%dma_start3A_126 : memref<144xi32, #tpu.memory_space<vmem>>) semaphore(%arg13 : memref<!tpu.dma_semaphore, #tpu.memory_space<semaphore_mem>>) {add = true}
    %dma_wait3A_130 = arith.constant 34 : i32
    %dma_wait3A_131 = arith.constant 0 : i32
    %dma_wait3A_132 = tpu.memref_slice %arg7[%dma_wait3A_130, %dma_wait3A_131] : memref<36x144xi32, #tpu.memory_space<vmem>> -> memref<1x144xi32, #tpu.memory_space<vmem>>
    %dma_wait3A_133 = tpu.memref_squeeze %dma_wait3A_132 : memref<1x144xi32, #tpu.memory_space<vmem>> -> memref<144xi32, #tpu.memory_space<vmem>>
    %dma_wait3A_134 = arith.constant 0 : i32
    %dma_wait3A_135 = arith.constant 0 : i32
    %dma_wait3A_136 = tpu.memref_slice %arg10[%dma_wait3A_134, %dma_wait3A_135] : memref<10240x128xf32, #tpu.memory_space<vmem_shared>> -> memref<10240x128xf32, #tpu.memory_space<vmem_shared>>
    tpu.wait_indirect_dma semaphore(%arg13 : memref<!tpu.dma_semaphore, #tpu.memory_space<semaphore_mem>>) src(%arg8 : memref<144x128xf32, #tpu.memory_space<vmem>>) dst(%dma_wait3A_136 : memref<10240x128xf32, #tpu.memory_space<vmem_shared>>)
    %dma_wait3A_137 = arith.constant 35 : i32
    %dma_wait3A_138 = arith.constant 0 : i32
    %dma_wait3A_139 = tpu.memref_slice %arg6[%dma_wait3A_137, %dma_wait3A_138] : memref<36x144xi32, #tpu.memory_space<vmem>> -> memref<1x144xi32, #tpu.memory_space<vmem>>
    %dma_wait3A_140 = tpu.memref_squeeze %dma_wait3A_139 : memref<1x144xi32, #tpu.memory_space<vmem>> -> memref<144xi32, #tpu.memory_space<vmem>>
    %dma_wait3A_141 = arith.constant 0 : i32
    %dma_wait3A_142 = arith.constant 0 : i32
    %dma_wait3A_143 = tpu.memref_slice %arg2[%dma_wait3A_141, %dma_wait3A_142] : memref<10240x128xf32, #tpu.memory_space<hbm>> -> memref<10240x128xf32, #tpu.memory_space<hbm>>
    tpu.wait_indirect_dma semaphore(%arg12 : memref<!tpu.dma_semaphore, #tpu.memory_space<semaphore_mem>>) src(%dma_wait3A_143 : memref<10240x128xf32, #tpu.memory_space<hbm>>) dst(%arg9 : memref<144x128xf32, #tpu.memory_space<vmem>>)
    %dma_start3A_144 = arith.constant 35 : i32
    %dma_start3A_145 = arith.constant 0 : i32
    %dma_start3A_146 = tpu.memref_slice %arg7[%dma_start3A_144, %dma_start3A_145] : memref<36x144xi32, #tpu.memory_space<vmem>> -> memref<1x144xi32, #tpu.memory_space<vmem>>
    %dma_start3A_147 = tpu.memref_squeeze %dma_start3A_146 : memref<1x144xi32, #tpu.memory_space<vmem>> -> memref<144xi32, #tpu.memory_space<vmem>>
    %dma_start3A_148 = arith.constant 0 : i32
    %dma_start3A_149 = arith.constant 0 : i32
    %dma_start3A_150 = tpu.memref_slice %arg10[%dma_start3A_148, %dma_start3A_149] : memref<10240x128xf32, #tpu.memory_space<vmem_shared>> -> memref<10240x128xf32, #tpu.memory_space<vmem_shared>>
    tpu.enqueue_indirect_dma source(%arg9 : memref<144x128xf32, #tpu.memory_space<vmem>>) target(%dma_start3A_150 : memref<10240x128xf32, #tpu.memory_space<vmem_shared>>) offsets(%dma_start3A_147 : memref<144xi32, #tpu.memory_space<vmem>>) semaphore(%arg14 : memref<!tpu.dma_semaphore, #tpu.memory_space<semaphore_mem>>) {add = true}
    %dma_wait3A_151 = arith.constant 35 : i32
    %dma_wait3A_152 = arith.constant 0 : i32
    %dma_wait3A_153 = tpu.memref_slice %arg7[%dma_wait3A_151, %dma_wait3A_152] : memref<36x144xi32, #tpu.memory_space<vmem>> -> memref<1x144xi32, #tpu.memory_space<vmem>>
    %dma_wait3A_154 = tpu.memref_squeeze %dma_wait3A_153 : memref<1x144xi32, #tpu.memory_space<vmem>> -> memref<144xi32, #tpu.memory_space<vmem>>
    %dma_wait3A_155 = arith.constant 0 : i32
    %dma_wait3A_156 = arith.constant 0 : i32
    %dma_wait3A_157 = tpu.memref_slice %arg10[%dma_wait3A_155, %dma_wait3A_156] : memref<10240x128xf32, #tpu.memory_space<vmem_shared>> -> memref<10240x128xf32, #tpu.memory_space<vmem_shared>>
    tpu.wait_indirect_dma semaphore(%arg14 : memref<!tpu.dma_semaphore, #tpu.memory_space<semaphore_mem>>) src(%arg9 : memref<144x128xf32, #tpu.memory_space<vmem>>) dst(%dma_wait3A_157 : memref<10240x128xf32, #tpu.memory_space<vmem_shared>>)
    %barrier3A_158 = arith.constant 0 : index
    tpu.barrier barrier_id(%barrier3A_158)
    %mul3A_159 = arith.constant 640 : i32
    %mul3A_160 = arith.muli %arg1, %mul3A_159 : i32
    %mul3A_161 = arith.constant 640 : i32
    %mul3A_162 = arith.muli %arg1, %mul3A_161 : i32
    "tpu.region"() ({
      %run_scoped3A = tpu.sem_alloc : memref<!tpu.dma_semaphore, #tpu.memory_space<semaphore_mem>>
      %dma_start3A_163 = arith.constant 0 : i32
      %dma_start3A_164 = tpu.memref_slice %arg5[%arg0, %mul3A_162, %dma_start3A_163] : memref<2x10240x128xf32, #tpu.memory_space<hbm>> -> memref<1x640x128xf32, #tpu.memory_space<hbm>>
      %dma_start3A_165 = tpu.memref_squeeze %dma_start3A_164 : memref<1x640x128xf32, #tpu.memory_space<hbm>> -> memref<640x128xf32, #tpu.memory_space<hbm>>
      %dma_start3A_166 = arith.constant 0 : i32
      %dma_start3A_167 = tpu.memref_slice %arg10[%mul3A_160, %dma_start3A_166] : memref<10240x128xf32, #tpu.memory_space<vmem_shared>> -> memref<640x128xf32, #tpu.memory_space<vmem_shared>>
      tpu.enqueue_dma source(%dma_start3A_167 : memref<640x128xf32, #tpu.memory_space<vmem_shared>>) target(%dma_start3A_165 : memref<640x128xf32, #tpu.memory_space<hbm>>) target_semaphore(%run_scoped3A : memref<!tpu.dma_semaphore, #tpu.memory_space<semaphore_mem>>)
      %dma_wait3A_168 = arith.constant 0 : i32
      %dma_wait3A_169 = tpu.memref_slice %arg5[%arg0, %mul3A_162, %dma_wait3A_168] : memref<2x10240x128xf32, #tpu.memory_space<hbm>> -> memref<1x640x128xf32, #tpu.memory_space<hbm>>
      %dma_wait3A_170 = tpu.memref_squeeze %dma_wait3A_169 : memref<1x640x128xf32, #tpu.memory_space<hbm>> -> memref<640x128xf32, #tpu.memory_space<hbm>>
      %dma_wait3A_171 = arith.constant 0 : i32
      %dma_wait3A_172 = tpu.memref_slice %arg10[%mul3A_160, %dma_wait3A_171] : memref<10240x128xf32, #tpu.memory_space<vmem_shared>> -> memref<640x128xf32, #tpu.memory_space<vmem_shared>>
      tpu.wait_dma2 semaphore(%run_scoped3A : memref<!tpu.dma_semaphore, #tpu.memory_space<semaphore_mem>>) src(%dma_wait3A_172 : memref<640x128xf32, #tpu.memory_space<vmem_shared>>) dst(%dma_wait3A_170 : memref<640x128xf32, #tpu.memory_space<hbm>>)
      tpu.yield
    }) : () -> ()
    return
  }
}

#map = affine_map<(d0, d1) -> (0, 0)>
#map1 = affine_map<(d0, d1) -> (0, 0, 0)>
module attributes {stable_mosaic.version = 14 : i64} {
  func.func @deg(%arg0: i32, %arg1: i32, %arg2: memref<2304x144xi32, #tpu.memory_space<hbm>>, %arg3: memref<2x10240x16xf32, #tpu.memory_space<hbm>>, %arg4: memref<72x144xi32, #tpu.memory_space<vmem>>, %arg5: memref<144x16xf32, #tpu.memory_space<vmem>>, %arg6: memref<144x16xf32, #tpu.memory_space<vmem>>, %arg7: memref<10240x16xf32, #tpu.memory_space<vmem_shared>>, %arg8: memref<!tpu.dma_semaphore, #tpu.memory_space<semaphore_mem>>) attributes {dimension_semantics = [#tpu.dimension_semantics<core_parallel>, #tpu.dimension_semantics<subcore_parallel>], iteration_bounds = array<i64: 2, 16>, scalar_prefetch = 0 : i64, scratch_operands = 5 : i64, tpu.core_type = #tpu.core_type<sc_vector_subcore>, window_params = [{transform_indices = #map}, {transform_indices = #map1}]} {
    %mul3A = arith.constant 16 : i32
    %mul3A_0 = arith.muli %arg0, %mul3A : i32
    %add3A = arith.addi %mul3A_0, %arg1 : i32
    %mul3A_1 = arith.constant 72 : i32
    %mul3A_2 = arith.muli %add3A, %mul3A_1 : i32
    "tpu.region"() ({
      %run_scoped3A = tpu.sem_alloc : memref<!tpu.dma_semaphore, #tpu.memory_space<semaphore_mem>>
      %dma_start3A = arith.constant 0 : i32
      %dma_start3A_31 = tpu.memref_slice %arg2[%mul3A_2, %dma_start3A] : memref<2304x144xi32, #tpu.memory_space<hbm>> -> memref<72x144xi32, #tpu.memory_space<hbm>>
      %dma_start3A_32 = arith.constant 0 : i32
      %dma_start3A_33 = tpu.memref_slice %arg2[%mul3A_2, %dma_start3A_32] : memref<2304x144xi32, #tpu.memory_space<hbm>> -> memref<72x144xi32, #tpu.memory_space<hbm>>
      tpu.enqueue_dma source(%dma_start3A_33 : memref<72x144xi32, #tpu.memory_space<hbm>>) target(%arg4 : memref<72x144xi32, #tpu.memory_space<vmem>>) target_semaphore(%run_scoped3A : memref<!tpu.dma_semaphore, #tpu.memory_space<semaphore_mem>>)
      %dma_wait3A = arith.constant 0 : i32
      %dma_wait3A_34 = tpu.memref_slice %arg2[%mul3A_2, %dma_wait3A] : memref<2304x144xi32, #tpu.memory_space<hbm>> -> memref<72x144xi32, #tpu.memory_space<hbm>>
      %dma_wait3A_35 = arith.constant 0 : i32
      %dma_wait3A_36 = tpu.memref_slice %arg2[%mul3A_2, %dma_wait3A_35] : memref<2304x144xi32, #tpu.memory_space<hbm>> -> memref<72x144xi32, #tpu.memory_space<hbm>>
      tpu.wait_dma2 semaphore(%run_scoped3A : memref<!tpu.dma_semaphore, #tpu.memory_space<semaphore_mem>>) src(%dma_wait3A_36 : memref<72x144xi32, #tpu.memory_space<hbm>>) dst(%arg4 : memref<72x144xi32, #tpu.memory_space<vmem>>)
      tpu.yield
    }) : () -> ()
    %scan3A = arith.constant 0 : i32
    %scan3A_3 = arith.constant 144 : i32
    %scan3A_4 = arith.addi %scan3A, %scan3A_3 : i32
    %scan3A_5 = arith.constant 1 : i32
    scf.for %scan3A_31 = %scan3A to %scan3A_4 step %scan3A_5  : i32 {
      %mul3A_32 = arith.constant 1 : i32
      %mul3A_33 = arith.muli %scan3A_31, %mul3A_32 : i32
      %add3A_34 = arith.constant 0 : i32
      %add3A_35 = arith.addi %add3A_34, %mul3A_33 : i32
      %scan3A_36 = arith.constant 0 : i32
      %mul3A_37 = arith.constant 16 : i32
      %mul3A_38 = arith.muli %scan3A_36, %mul3A_37 : i32
      %add3A_39 = arith.constant 0 : i32
      %add3A_40 = arith.addi %add3A_39, %mul3A_38 : i32
      %broadcast_in_dim3A = arith.constant 1.000000e+00 : f32
      %broadcast_in_dim3A_41 = vector.broadcast %broadcast_in_dim3A : f32 to vector<16xf32>
      %swap3A = arith.index_cast %add3A_35 : i32 to index
      %swap3A_42 = arith.index_cast %add3A_40 : i32 to index
      %swap3A_43 = tpu.vector_load %arg5[%swap3A, %swap3A_42] {strides = array<i32>} : memref<144x16xf32, #tpu.memory_space<vmem>>, vector<1x16xf32>,
      %swap3A_44 = vector.shape_cast %swap3A_43 : vector<1x16xf32> to vector<16xf32>
      %swap3A_45 = vector.shape_cast %broadcast_in_dim3A_41 : vector<16xf32> to vector<1x16xf32>
      tpu.vector_store %arg5[%swap3A, %swap3A_42], %swap3A_45 {strides = array<i32>} : memref<144x16xf32, #tpu.memory_space<vmem>>, vector<1x16xf32>,
      %broadcast_in_dim3A_46 = arith.constant 0.000000e+00 : f32
      %broadcast_in_dim3A_47 = vector.broadcast %broadcast_in_dim3A_46 : f32 to vector<16xf32>
      %swap3A_48 = arith.index_cast %add3A_35 : i32 to index
      %swap3A_49 = arith.index_cast %add3A_40 : i32 to index
      %swap3A_50 = tpu.vector_load %arg6[%swap3A_48, %swap3A_49] {strides = array<i32>} : memref<144x16xf32, #tpu.memory_space<vmem>>, vector<1x16xf32>,
      %swap3A_51 = vector.shape_cast %swap3A_50 : vector<1x16xf32> to vector<16xf32>
      %swap3A_52 = vector.shape_cast %broadcast_in_dim3A_47 : vector<16xf32> to vector<1x16xf32>
      tpu.vector_store %arg6[%swap3A_48, %swap3A_49], %swap3A_52 {strides = array<i32>} : memref<144x16xf32, #tpu.memory_space<vmem>>, vector<1x16xf32>,
      %scan3A_53 = arith.constant 1 : i32
    }
    %scan3A_6 = arith.constant 144 : i32
    %scan3A_7 = arith.constant 0 : i32
    %scan3A_8 = arith.constant 4 : i32
    %scan3A_9 = arith.addi %scan3A_7, %scan3A_8 : i32
    %scan3A_10 = arith.constant 1 : i32
    scf.for %scan3A_31 = %scan3A_7 to %scan3A_9 step %scan3A_10  : i32 {
      %mul3A_32 = arith.constant 1 : i32
      %mul3A_33 = arith.muli %scan3A_31, %mul3A_32 : i32
      %add3A_34 = arith.constant 0 : i32
      %add3A_35 = arith.addi %add3A_34, %mul3A_33 : i32
      %mul3A_36 = arith.constant 640 : i32
      %mul3A_37 = arith.muli %arg1, %mul3A_36 : i32
      %mul3A_38 = arith.constant 144 : i32
      %mul3A_39 = arith.muli %add3A_35, %mul3A_38 : i32
      %add3A_40 = arith.addi %mul3A_37, %mul3A_39 : i32
      "tpu.region"() ({
        %run_scoped3A = tpu.sem_alloc : memref<!tpu.dma_semaphore, #tpu.memory_space<semaphore_mem>>
        %dma_start3A = arith.constant 0 : i32
        %dma_start3A_41 = tpu.memref_slice %arg7[%add3A_40, %dma_start3A] : memref<10240x16xf32, #tpu.memory_space<vmem_shared>> -> memref<144x16xf32, #tpu.memory_space<vmem_shared>>
        %dma_start3A_42 = arith.constant 0 : i32
        %dma_start3A_43 = tpu.memref_slice %arg7[%add3A_40, %dma_start3A_42] : memref<10240x16xf32, #tpu.memory_space<vmem_shared>> -> memref<144x16xf32, #tpu.memory_space<vmem_shared>>
        tpu.enqueue_dma source(%arg6 : memref<144x16xf32, #tpu.memory_space<vmem>>) target(%dma_start3A_43 : memref<144x16xf32, #tpu.memory_space<vmem_shared>>) target_semaphore(%run_scoped3A : memref<!tpu.dma_semaphore, #tpu.memory_space<semaphore_mem>>)
        %dma_wait3A = arith.constant 0 : i32
        %dma_wait3A_44 = tpu.memref_slice %arg7[%add3A_40, %dma_wait3A] : memref<10240x16xf32, #tpu.memory_space<vmem_shared>> -> memref<144x16xf32, #tpu.memory_space<vmem_shared>>
        %dma_wait3A_45 = arith.constant 0 : i32
        %dma_wait3A_46 = tpu.memref_slice %arg7[%add3A_40, %dma_wait3A_45] : memref<10240x16xf32, #tpu.memory_space<vmem_shared>> -> memref<144x16xf32, #tpu.memory_space<vmem_shared>>
        tpu.wait_dma2 semaphore(%run_scoped3A : memref<!tpu.dma_semaphore, #tpu.memory_space<semaphore_mem>>) src(%arg6 : memref<144x16xf32, #tpu.memory_space<vmem>>) dst(%dma_wait3A_46 : memref<144x16xf32, #tpu.memory_space<vmem_shared>>)
        tpu.yield
      }) : () -> ()
    }
    %scan3A_11 = arith.constant 4 : i32
    %mul3A_12 = arith.constant 640 : i32
    %mul3A_13 = arith.muli %arg1, %mul3A_12 : i32
    %add3A_14 = arith.constant 576 : i32
    %add3A_15 = arith.addi %mul3A_13, %add3A_14 : i32
    "tpu.region"() ({
      %run_scoped3A = tpu.sem_alloc : memref<!tpu.dma_semaphore, #tpu.memory_space<semaphore_mem>>
      %dma_start3A = arith.constant 0 : i32
      %dma_start3A_31 = arith.constant 0 : i32
      %dma_start3A_32 = tpu.memref_slice %arg6[%dma_start3A, %dma_start3A_31] : memref<144x16xf32, #tpu.memory_space<vmem>> -> memref<64x16xf32, #tpu.memory_space<vmem>>
      %dma_start3A_33 = arith.constant 0 : i32
      %dma_start3A_34 = tpu.memref_slice %arg7[%add3A_15, %dma_start3A_33] : memref<10240x16xf32, #tpu.memory_space<vmem_shared>> -> memref<64x16xf32, #tpu.memory_space<vmem_shared>>
      %dma_start3A_35 = arith.constant 0 : i32
      %dma_start3A_36 = tpu.memref_slice %arg7[%add3A_15, %dma_start3A_35] : memref<10240x16xf32, #tpu.memory_space<vmem_shared>> -> memref<64x16xf32, #tpu.memory_space<vmem_shared>>
      %dma_start3A_37 = arith.constant 0 : i32
      %dma_start3A_38 = arith.constant 0 : i32
      %dma_start3A_39 = tpu.memref_slice %arg6[%dma_start3A_37, %dma_start3A_38] : memref<144x16xf32, #tpu.memory_space<vmem>> -> memref<64x16xf32, #tpu.memory_space<vmem>>
      tpu.enqueue_dma source(%dma_start3A_39 : memref<64x16xf32, #tpu.memory_space<vmem>>) target(%dma_start3A_36 : memref<64x16xf32, #tpu.memory_space<vmem_shared>>) target_semaphore(%run_scoped3A : memref<!tpu.dma_semaphore, #tpu.memory_space<semaphore_mem>>)
      %dma_wait3A = arith.constant 0 : i32
      %dma_wait3A_40 = arith.constant 0 : i32
      %dma_wait3A_41 = tpu.memref_slice %arg6[%dma_wait3A, %dma_wait3A_40] : memref<144x16xf32, #tpu.memory_space<vmem>> -> memref<64x16xf32, #tpu.memory_space<vmem>>
      %dma_wait3A_42 = arith.constant 0 : i32
      %dma_wait3A_43 = tpu.memref_slice %arg7[%add3A_15, %dma_wait3A_42] : memref<10240x16xf32, #tpu.memory_space<vmem_shared>> -> memref<64x16xf32, #tpu.memory_space<vmem_shared>>
      %dma_wait3A_44 = arith.constant 0 : i32
      %dma_wait3A_45 = tpu.memref_slice %arg7[%add3A_15, %dma_wait3A_44] : memref<10240x16xf32, #tpu.memory_space<vmem_shared>> -> memref<64x16xf32, #tpu.memory_space<vmem_shared>>
      %dma_wait3A_46 = arith.constant 0 : i32
      %dma_wait3A_47 = arith.constant 0 : i32
      %dma_wait3A_48 = tpu.memref_slice %arg6[%dma_wait3A_46, %dma_wait3A_47] : memref<144x16xf32, #tpu.memory_space<vmem>> -> memref<64x16xf32, #tpu.memory_space<vmem>>
      tpu.wait_dma2 semaphore(%run_scoped3A : memref<!tpu.dma_semaphore, #tpu.memory_space<semaphore_mem>>) src(%dma_wait3A_48 : memref<64x16xf32, #tpu.memory_space<vmem>>) dst(%dma_wait3A_45 : memref<64x16xf32, #tpu.memory_space<vmem_shared>>)
      tpu.yield
    }) : () -> ()
    %barrier3A = arith.constant 0 : index
    tpu.barrier barrier_id(%barrier3A)
    %scan3A_16 = arith.constant 0 : i32
    %scan3A_17 = arith.constant 72 : i32
    %scan3A_18 = arith.addi %scan3A_16, %scan3A_17 : i32
    %scan3A_19 = arith.constant 1 : i32
    scf.for %scan3A_31 = %scan3A_16 to %scan3A_18 step %scan3A_19  : i32 {
      %mul3A_32 = arith.constant 1 : i32
      %mul3A_33 = arith.muli %scan3A_31, %mul3A_32 : i32
      %add3A_34 = arith.constant 0 : i32
      %add3A_35 = arith.addi %add3A_34, %mul3A_33 : i32
      %dma_start3A = arith.constant 0 : i32
      %dma_start3A_36 = tpu.memref_slice %arg4[%add3A_35, %dma_start3A] : memref<72x144xi32, #tpu.memory_space<vmem>> -> memref<1x144xi32, #tpu.memory_space<vmem>>
      %dma_start3A_37 = tpu.memref_squeeze %dma_start3A_36 : memref<1x144xi32, #tpu.memory_space<vmem>> -> memref<144xi32, #tpu.memory_space<vmem>>
      %dma_start3A_38 = arith.constant 0 : i32
      %dma_start3A_39 = arith.constant 0 : i32
      %dma_start3A_40 = tpu.memref_slice %arg7[%dma_start3A_38, %dma_start3A_39] : memref<10240x16xf32, #tpu.memory_space<vmem_shared>> -> memref<10240x16xf32, #tpu.memory_space<vmem_shared>>
      tpu.enqueue_indirect_dma source(%arg5 : memref<144x16xf32, #tpu.memory_space<vmem>>) target(%dma_start3A_40 : memref<10240x16xf32, #tpu.memory_space<vmem_shared>>) offsets(%dma_start3A_37 : memref<144xi32, #tpu.memory_space<vmem>>) semaphore(%arg8 : memref<!tpu.dma_semaphore, #tpu.memory_space<semaphore_mem>>) {add = true}
    }
    %scan3A_20 = arith.constant 72 : i32
    %scan3A_21 = arith.constant 0 : i32
    %scan3A_22 = arith.constant 72 : i32
    %scan3A_23 = arith.addi %scan3A_21, %scan3A_22 : i32
    %scan3A_24 = arith.constant 1 : i32
    scf.for %scan3A_31 = %scan3A_21 to %scan3A_23 step %scan3A_24  : i32 {
      %mul3A_32 = arith.constant 1 : i32
      %mul3A_33 = arith.muli %scan3A_31, %mul3A_32 : i32
      %add3A_34 = arith.constant 0 : i32
      %add3A_35 = arith.addi %add3A_34, %mul3A_33 : i32
      %dma_wait3A = arith.constant 0 : i32
      %dma_wait3A_36 = tpu.memref_slice %arg4[%add3A_35, %dma_wait3A] : memref<72x144xi32, #tpu.memory_space<vmem>> -> memref<1x144xi32, #tpu.memory_space<vmem>>
      %dma_wait3A_37 = tpu.memref_squeeze %dma_wait3A_36 : memref<1x144xi32, #tpu.memory_space<vmem>> -> memref<144xi32, #tpu.memory_space<vmem>>
      %dma_wait3A_38 = arith.constant 0 : i32
      %dma_wait3A_39 = arith.constant 0 : i32
      %dma_wait3A_40 = tpu.memref_slice %arg7[%dma_wait3A_38, %dma_wait3A_39] : memref<10240x16xf32, #tpu.memory_space<vmem_shared>> -> memref<10240x16xf32, #tpu.memory_space<vmem_shared>>
      tpu.wait_indirect_dma semaphore(%arg8 : memref<!tpu.dma_semaphore, #tpu.memory_space<semaphore_mem>>) src(%arg5 : memref<144x16xf32, #tpu.memory_space<vmem>>) dst(%dma_wait3A_40 : memref<10240x16xf32, #tpu.memory_space<vmem_shared>>)
    }
    %scan3A_25 = arith.constant 72 : i32
    %barrier3A_26 = arith.constant 0 : index
    tpu.barrier barrier_id(%barrier3A_26)
    %mul3A_27 = arith.constant 640 : i32
    %mul3A_28 = arith.muli %arg1, %mul3A_27 : i32
    %mul3A_29 = arith.constant 640 : i32
    %mul3A_30 = arith.muli %arg1, %mul3A_29 : i32
    "tpu.region"() ({
      %run_scoped3A = tpu.sem_alloc : memref<!tpu.dma_semaphore, #tpu.memory_space<semaphore_mem>>
      %dma_start3A = arith.constant 0 : i32
      %dma_start3A_31 = tpu.memref_slice %arg3[%arg0, %mul3A_30, %dma_start3A] : memref<2x10240x16xf32, #tpu.memory_space<hbm>> -> memref<1x640x16xf32, #tpu.memory_space<hbm>>
      %dma_start3A_32 = tpu.memref_squeeze %dma_start3A_31 : memref<1x640x16xf32, #tpu.memory_space<hbm>> -> memref<640x16xf32, #tpu.memory_space<hbm>>
      %dma_start3A_33 = arith.constant 0 : i32
      %dma_start3A_34 = tpu.memref_slice %arg7[%mul3A_28, %dma_start3A_33] : memref<10240x16xf32, #tpu.memory_space<vmem_shared>> -> memref<640x16xf32, #tpu.memory_space<vmem_shared>>
      tpu.enqueue_dma source(%dma_start3A_34 : memref<640x16xf32, #tpu.memory_space<vmem_shared>>) target(%dma_start3A_32 : memref<640x16xf32, #tpu.memory_space<hbm>>) target_semaphore(%run_scoped3A : memref<!tpu.dma_semaphore, #tpu.memory_space<semaphore_mem>>)
      %dma_wait3A = arith.constant 0 : i32
      %dma_wait3A_35 = tpu.memref_slice %arg3[%arg0, %mul3A_30, %dma_wait3A] : memref<2x10240x16xf32, #tpu.memory_space<hbm>> -> memref<1x640x16xf32, #tpu.memory_space<hbm>>
      %dma_wait3A_36 = tpu.memref_squeeze %dma_wait3A_35 : memref<1x640x16xf32, #tpu.memory_space<hbm>> -> memref<640x16xf32, #tpu.memory_space<hbm>>
      %dma_wait3A_37 = arith.constant 0 : i32
      %dma_wait3A_38 = tpu.memref_slice %arg7[%mul3A_28, %dma_wait3A_37] : memref<10240x16xf32, #tpu.memory_space<vmem_shared>> -> memref<640x16xf32, #tpu.memory_space<vmem_shared>>
      tpu.wait_dma2 semaphore(%run_scoped3A : memref<!tpu.dma_semaphore, #tpu.memory_space<semaphore_mem>>) src(%dma_wait3A_38 : memref<640x16xf32, #tpu.memory_space<vmem_shared>>) dst(%dma_wait3A_36 : memref<640x16xf32, #tpu.memory_space<hbm>>)
      tpu.yield
    }) : () -> ()
    return
  }
}

#map = affine_map<(d0, d1) -> (0, 0)>
#map1 = affine_map<(d0, d1) -> (0, 0, 0)>
module attributes {stable_mosaic.version = 14 : i64} {
  func.func @agg(%arg0: i32, %arg1: i32, %arg2: memref<10240x48xf32, #tpu.memory_space<hbm>>, %arg3: memref<2304x144xi32, #tpu.memory_space<hbm>>, %arg4: memref<2304x144xi32, #tpu.memory_space<hbm>>, %arg5: memref<2x10240x48xf32, #tpu.memory_space<hbm>>, %arg6: memref<36x144xi32, #tpu.memory_space<vmem>>, %arg7: memref<36x144xi32, #tpu.memory_space<vmem>>, %arg8: memref<144x48xf32, #tpu.memory_space<vmem>>, %arg9: memref<144x48xf32, #tpu.memory_space<vmem>>, %arg10: memref<10240x48xf32, #tpu.memory_space<vmem_shared>>, %arg11: memref<!tpu.dma_semaphore, #tpu.memory_space<semaphore_mem>>, %arg12: memref<!tpu.dma_semaphore, #tpu.memory_space<semaphore_mem>>, %arg13: memref<!tpu.dma_semaphore, #tpu.memory_space<semaphore_mem>>, %arg14: memref<!tpu.dma_semaphore, #tpu.memory_space<semaphore_mem>>) attributes {dimension_semantics = [#tpu.dimension_semantics<core_parallel>, #tpu.dimension_semantics<subcore_parallel>], iteration_bounds = array<i64: 2, 16>, scalar_prefetch = 0 : i64, scratch_operands = 9 : i64, tpu.core_type = #tpu.core_type<sc_vector_subcore>, window_params = [{transform_indices = #map}, {transform_indices = #map}, {transform_indices = #map}, {transform_indices = #map1}]} {
    %mul3A = arith.constant 16 : i32
    %mul3A_0 = arith.muli %arg0, %mul3A : i32
    %add3A = arith.addi %mul3A_0, %arg1 : i32
    %scan3A = arith.constant 0 : i32
    %scan3A_1 = arith.constant 144 : i32
    %scan3A_2 = arith.addi %scan3A, %scan3A_1 : i32
    %scan3A_3 = arith.constant 1 : i32
    scf.for %scan3A_163 = %scan3A to %scan3A_2 step %scan3A_3  : i32 {
      %mul3A_164 = arith.constant 1 : i32
      %mul3A_165 = arith.muli %scan3A_163, %mul3A_164 : i32
      %add3A_166 = arith.constant 0 : i32
      %add3A_167 = arith.addi %add3A_166, %mul3A_165 : i32
      %scan3A_168 = arith.constant 0 : i32
      %scan3A_169 = arith.constant 3 : i32
      %scan3A_170 = arith.addi %scan3A_168, %scan3A_169 : i32
      %scan3A_171 = arith.constant 1 : i32
      scf.for %scan3A_173 = %scan3A_168 to %scan3A_170 step %scan3A_171  : i32 {
        %mul3A_174 = arith.constant 16 : i32
        %mul3A_175 = arith.muli %scan3A_173, %mul3A_174 : i32
        %add3A_176 = arith.constant 0 : i32
        %add3A_177 = arith.addi %add3A_176, %mul3A_175 : i32
        %broadcast_in_dim3A = arith.constant 0.000000e+00 : f32
        %broadcast_in_dim3A_178 = vector.broadcast %broadcast_in_dim3A : f32 to vector<16xf32>
        %swap3A = arith.index_cast %add3A_167 : i32 to index
        %swap3A_179 = arith.index_cast %add3A_177 : i32 to index
        %swap3A_180 = tpu.vector_load %arg8[%swap3A, %swap3A_179] {strides = array<i32>} : memref<144x48xf32, #tpu.memory_space<vmem>>, vector<1x16xf32>,
        %swap3A_181 = vector.shape_cast %swap3A_180 : vector<1x16xf32> to vector<16xf32>
        %swap3A_182 = vector.shape_cast %broadcast_in_dim3A_178 : vector<16xf32> to vector<1x16xf32>
        tpu.vector_store %arg8[%swap3A, %swap3A_179], %swap3A_182 {strides = array<i32>} : memref<144x48xf32, #tpu.memory_space<vmem>>, vector<1x16xf32>,
      }
      %scan3A_172 = arith.constant 3 : i32
    }
    %scan3A_4 = arith.constant 144 : i32
    %scan3A_5 = arith.constant 0 : i32
    %scan3A_6 = arith.constant 4 : i32
    %scan3A_7 = arith.addi %scan3A_5, %scan3A_6 : i32
    %scan3A_8 = arith.constant 1 : i32
    scf.for %scan3A_163 = %scan3A_5 to %scan3A_7 step %scan3A_8  : i32 {
      %mul3A_164 = arith.constant 1 : i32
      %mul3A_165 = arith.muli %scan3A_163, %mul3A_164 : i32
      %add3A_166 = arith.constant 0 : i32
      %add3A_167 = arith.addi %add3A_166, %mul3A_165 : i32
      %mul3A_168 = arith.constant 640 : i32
      %mul3A_169 = arith.muli %arg1, %mul3A_168 : i32
      %mul3A_170 = arith.constant 144 : i32
      %mul3A_171 = arith.muli %add3A_167, %mul3A_170 : i32
      %add3A_172 = arith.addi %mul3A_169, %mul3A_171 : i32
      "tpu.region"() ({
        %run_scoped3A = tpu.sem_alloc : memref<!tpu.dma_semaphore, #tpu.memory_space<semaphore_mem>>
        %dma_start3A_173 = arith.constant 0 : i32
        %dma_start3A_174 = tpu.memref_slice %arg10[%add3A_172, %dma_start3A_173] : memref<10240x48xf32, #tpu.memory_space<vmem_shared>> -> memref<144x48xf32, #tpu.memory_space<vmem_shared>>
        %dma_start3A_175 = arith.constant 0 : i32
        %dma_start3A_176 = tpu.memref_slice %arg10[%add3A_172, %dma_start3A_175] : memref<10240x48xf32, #tpu.memory_space<vmem_shared>> -> memref<144x48xf32, #tpu.memory_space<vmem_shared>>
        tpu.enqueue_dma source(%arg8 : memref<144x48xf32, #tpu.memory_space<vmem>>) target(%dma_start3A_176 : memref<144x48xf32, #tpu.memory_space<vmem_shared>>) target_semaphore(%run_scoped3A : memref<!tpu.dma_semaphore, #tpu.memory_space<semaphore_mem>>)
        %dma_wait3A_177 = arith.constant 0 : i32
        %dma_wait3A_178 = tpu.memref_slice %arg10[%add3A_172, %dma_wait3A_177] : memref<10240x48xf32, #tpu.memory_space<vmem_shared>> -> memref<144x48xf32, #tpu.memory_space<vmem_shared>>
        %dma_wait3A_179 = arith.constant 0 : i32
        %dma_wait3A_180 = tpu.memref_slice %arg10[%add3A_172, %dma_wait3A_179] : memref<10240x48xf32, #tpu.memory_space<vmem_shared>> -> memref<144x48xf32, #tpu.memory_space<vmem_shared>>
        tpu.wait_dma2 semaphore(%run_scoped3A : memref<!tpu.dma_semaphore, #tpu.memory_space<semaphore_mem>>) src(%arg8 : memref<144x48xf32, #tpu.memory_space<vmem>>) dst(%dma_wait3A_180 : memref<144x48xf32, #tpu.memory_space<vmem_shared>>)
        tpu.yield
      }) : () -> ()
    }
    %scan3A_9 = arith.constant 4 : i32
    %mul3A_10 = arith.constant 640 : i32
    %mul3A_11 = arith.muli %arg1, %mul3A_10 : i32
    %add3A_12 = arith.constant 576 : i32
    %add3A_13 = arith.addi %mul3A_11, %add3A_12 : i32
    "tpu.region"() ({
      %run_scoped3A = tpu.sem_alloc : memref<!tpu.dma_semaphore, #tpu.memory_space<semaphore_mem>>
      %dma_start3A_163 = arith.constant 0 : i32
      %dma_start3A_164 = arith.constant 0 : i32
      %dma_start3A_165 = tpu.memref_slice %arg8[%dma_start3A_163, %dma_start3A_164] : memref<144x48xf32, #tpu.memory_space<vmem>> -> memref<64x48xf32, #tpu.memory_space<vmem>>
      %dma_start3A_166 = arith.constant 0 : i32
      %dma_start3A_167 = tpu.memref_slice %arg10[%add3A_13, %dma_start3A_166] : memref<10240x48xf32, #tpu.memory_space<vmem_shared>> -> memref<64x48xf32, #tpu.memory_space<vmem_shared>>
      %dma_start3A_168 = arith.constant 0 : i32
      %dma_start3A_169 = tpu.memref_slice %arg10[%add3A_13, %dma_start3A_168] : memref<10240x48xf32, #tpu.memory_space<vmem_shared>> -> memref<64x48xf32, #tpu.memory_space<vmem_shared>>
      %dma_start3A_170 = arith.constant 0 : i32
      %dma_start3A_171 = arith.constant 0 : i32
      %dma_start3A_172 = tpu.memref_slice %arg8[%dma_start3A_170, %dma_start3A_171] : memref<144x48xf32, #tpu.memory_space<vmem>> -> memref<64x48xf32, #tpu.memory_space<vmem>>
      tpu.enqueue_dma source(%dma_start3A_172 : memref<64x48xf32, #tpu.memory_space<vmem>>) target(%dma_start3A_169 : memref<64x48xf32, #tpu.memory_space<vmem_shared>>) target_semaphore(%run_scoped3A : memref<!tpu.dma_semaphore, #tpu.memory_space<semaphore_mem>>)
      %dma_wait3A_173 = arith.constant 0 : i32
      %dma_wait3A_174 = arith.constant 0 : i32
      %dma_wait3A_175 = tpu.memref_slice %arg8[%dma_wait3A_173, %dma_wait3A_174] : memref<144x48xf32, #tpu.memory_space<vmem>> -> memref<64x48xf32, #tpu.memory_space<vmem>>
      %dma_wait3A_176 = arith.constant 0 : i32
      %dma_wait3A_177 = tpu.memref_slice %arg10[%add3A_13, %dma_wait3A_176] : memref<10240x48xf32, #tpu.memory_space<vmem_shared>> -> memref<64x48xf32, #tpu.memory_space<vmem_shared>>
      %dma_wait3A_178 = arith.constant 0 : i32
      %dma_wait3A_179 = tpu.memref_slice %arg10[%add3A_13, %dma_wait3A_178] : memref<10240x48xf32, #tpu.memory_space<vmem_shared>> -> memref<64x48xf32, #tpu.memory_space<vmem_shared>>
      %dma_wait3A_180 = arith.constant 0 : i32
      %dma_wait3A_181 = arith.constant 0 : i32
      %dma_wait3A_182 = tpu.memref_slice %arg8[%dma_wait3A_180, %dma_wait3A_181] : memref<144x48xf32, #tpu.memory_space<vmem>> -> memref<64x48xf32, #tpu.memory_space<vmem>>
      tpu.wait_dma2 semaphore(%run_scoped3A : memref<!tpu.dma_semaphore, #tpu.memory_space<semaphore_mem>>) src(%dma_wait3A_182 : memref<64x48xf32, #tpu.memory_space<vmem>>) dst(%dma_wait3A_179 : memref<64x48xf32, #tpu.memory_space<vmem_shared>>)
      tpu.yield
    }) : () -> ()
    %barrier3A = arith.constant 0 : index
    tpu.barrier barrier_id(%barrier3A)
    %mul3A_14 = arith.constant 2 : i32
    %mul3A_15 = arith.muli %add3A, %mul3A_14 : i32
    %add3A_16 = arith.constant 0 : i32
    %add3A_17 = arith.addi %mul3A_15, %add3A_16 : i32
    %mul3A_18 = arith.constant 36 : i32
    %mul3A_19 = arith.muli %add3A_17, %mul3A_18 : i32
    "tpu.region"() ({
      %run_scoped3A = tpu.sem_alloc : memref<!tpu.dma_semaphore, #tpu.memory_space<semaphore_mem>>
      %dma_start3A_163 = arith.constant 0 : i32
      %dma_start3A_164 = tpu.memref_slice %arg3[%mul3A_19, %dma_start3A_163] : memref<2304x144xi32, #tpu.memory_space<hbm>> -> memref<36x144xi32, #tpu.memory_space<hbm>>
      %dma_start3A_165 = arith.constant 0 : i32
      %dma_start3A_166 = tpu.memref_slice %arg3[%mul3A_19, %dma_start3A_165] : memref<2304x144xi32, #tpu.memory_space<hbm>> -> memref<36x144xi32, #tpu.memory_space<hbm>>
      tpu.enqueue_dma source(%dma_start3A_166 : memref<36x144xi32, #tpu.memory_space<hbm>>) target(%arg6 : memref<36x144xi32, #tpu.memory_space<vmem>>) target_semaphore(%run_scoped3A : memref<!tpu.dma_semaphore, #tpu.memory_space<semaphore_mem>>)
      %dma_wait3A_167 = arith.constant 0 : i32
      %dma_wait3A_168 = tpu.memref_slice %arg3[%mul3A_19, %dma_wait3A_167] : memref<2304x144xi32, #tpu.memory_space<hbm>> -> memref<36x144xi32, #tpu.memory_space<hbm>>
      %dma_wait3A_169 = arith.constant 0 : i32
      %dma_wait3A_170 = tpu.memref_slice %arg3[%mul3A_19, %dma_wait3A_169] : memref<2304x144xi32, #tpu.memory_space<hbm>> -> memref<36x144xi32, #tpu.memory_space<hbm>>
      tpu.wait_dma2 semaphore(%run_scoped3A : memref<!tpu.dma_semaphore, #tpu.memory_space<semaphore_mem>>) src(%dma_wait3A_170 : memref<36x144xi32, #tpu.memory_space<hbm>>) dst(%arg6 : memref<36x144xi32, #tpu.memory_space<vmem>>)
      tpu.yield
    }) : () -> ()
    %mul3A_20 = arith.constant 2 : i32
    %mul3A_21 = arith.muli %add3A, %mul3A_20 : i32
    %add3A_22 = arith.constant 0 : i32
    %add3A_23 = arith.addi %mul3A_21, %add3A_22 : i32
    %mul3A_24 = arith.constant 36 : i32
    %mul3A_25 = arith.muli %add3A_23, %mul3A_24 : i32
    "tpu.region"() ({
      %run_scoped3A = tpu.sem_alloc : memref<!tpu.dma_semaphore, #tpu.memory_space<semaphore_mem>>
      %dma_start3A_163 = arith.constant 0 : i32
      %dma_start3A_164 = tpu.memref_slice %arg4[%mul3A_25, %dma_start3A_163] : memref<2304x144xi32, #tpu.memory_space<hbm>> -> memref<36x144xi32, #tpu.memory_space<hbm>>
      %dma_start3A_165 = arith.constant 0 : i32
      %dma_start3A_166 = tpu.memref_slice %arg4[%mul3A_25, %dma_start3A_165] : memref<2304x144xi32, #tpu.memory_space<hbm>> -> memref<36x144xi32, #tpu.memory_space<hbm>>
      tpu.enqueue_dma source(%dma_start3A_166 : memref<36x144xi32, #tpu.memory_space<hbm>>) target(%arg7 : memref<36x144xi32, #tpu.memory_space<vmem>>) target_semaphore(%run_scoped3A : memref<!tpu.dma_semaphore, #tpu.memory_space<semaphore_mem>>)
      %dma_wait3A_167 = arith.constant 0 : i32
      %dma_wait3A_168 = tpu.memref_slice %arg4[%mul3A_25, %dma_wait3A_167] : memref<2304x144xi32, #tpu.memory_space<hbm>> -> memref<36x144xi32, #tpu.memory_space<hbm>>
      %dma_wait3A_169 = arith.constant 0 : i32
      %dma_wait3A_170 = tpu.memref_slice %arg4[%mul3A_25, %dma_wait3A_169] : memref<2304x144xi32, #tpu.memory_space<hbm>> -> memref<36x144xi32, #tpu.memory_space<hbm>>
      tpu.wait_dma2 semaphore(%run_scoped3A : memref<!tpu.dma_semaphore, #tpu.memory_space<semaphore_mem>>) src(%dma_wait3A_170 : memref<36x144xi32, #tpu.memory_space<hbm>>) dst(%arg7 : memref<36x144xi32, #tpu.memory_space<vmem>>)
      tpu.yield
    }) : () -> ()
    %dma_start3A = arith.constant 0 : i32
    %dma_start3A_26 = arith.constant 0 : i32
    %dma_start3A_27 = tpu.memref_slice %arg6[%dma_start3A, %dma_start3A_26] : memref<36x144xi32, #tpu.memory_space<vmem>> -> memref<1x144xi32, #tpu.memory_space<vmem>>
    %dma_start3A_28 = tpu.memref_squeeze %dma_start3A_27 : memref<1x144xi32, #tpu.memory_space<vmem>> -> memref<144xi32, #tpu.memory_space<vmem>>
    %dma_start3A_29 = arith.constant 0 : i32
    %dma_start3A_30 = arith.constant 0 : i32
    %dma_start3A_31 = tpu.memref_slice %arg2[%dma_start3A_29, %dma_start3A_30] : memref<10240x48xf32, #tpu.memory_space<hbm>> -> memref<10240x48xf32, #tpu.memory_space<hbm>>
    tpu.enqueue_indirect_dma source(%dma_start3A_31 : memref<10240x48xf32, #tpu.memory_space<hbm>>) target(%arg8 : memref<144x48xf32, #tpu.memory_space<vmem>>) offsets(%dma_start3A_28 : memref<144xi32, #tpu.memory_space<vmem>>) semaphore(%arg11 : memref<!tpu.dma_semaphore, #tpu.memory_space<semaphore_mem>>)
    %dma_start3A_32 = arith.constant 1 : i32
    %dma_start3A_33 = arith.constant 0 : i32
    %dma_start3A_34 = tpu.memref_slice %arg6[%dma_start3A_32, %dma_start3A_33] : memref<36x144xi32, #tpu.memory_space<vmem>> -> memref<1x144xi32, #tpu.memory_space<vmem>>
    %dma_start3A_35 = tpu.memref_squeeze %dma_start3A_34 : memref<1x144xi32, #tpu.memory_space<vmem>> -> memref<144xi32, #tpu.memory_space<vmem>>
    %dma_start3A_36 = arith.constant 0 : i32
    %dma_start3A_37 = arith.constant 0 : i32
    %dma_start3A_38 = tpu.memref_slice %arg2[%dma_start3A_36, %dma_start3A_37] : memref<10240x48xf32, #tpu.memory_space<hbm>> -> memref<10240x48xf32, #tpu.memory_space<hbm>>
    tpu.enqueue_indirect_dma source(%dma_start3A_38 : memref<10240x48xf32, #tpu.memory_space<hbm>>) target(%arg9 : memref<144x48xf32, #tpu.memory_space<vmem>>) offsets(%dma_start3A_35 : memref<144xi32, #tpu.memory_space<vmem>>) semaphore(%arg12 : memref<!tpu.dma_semaphore, #tpu.memory_space<semaphore_mem>>)
    %scan3A_39 = arith.constant 0 : i32
    %scan3A_40 = arith.constant 17 : i32
    %scan3A_41 = arith.addi %scan3A_39, %scan3A_40 : i32
    %scan3A_42 = arith.constant 1 : i32
    scf.for %scan3A_163 = %scan3A_39 to %scan3A_41 step %scan3A_42  : i32 {
      %mul3A_164 = arith.constant 1 : i32
      %mul3A_165 = arith.muli %scan3A_163, %mul3A_164 : i32
      %add3A_166 = arith.constant 0 : i32
      %add3A_167 = arith.addi %add3A_166, %mul3A_165 : i32
      %mul3A_168 = arith.constant 2 : i32
      %mul3A_169 = arith.muli %add3A_167, %mul3A_168 : i32
      %add3A_170 = arith.constant 0 : i32
      %add3A_171 = arith.addi %mul3A_169, %add3A_170 : i32
      %dma_wait3A_172 = arith.constant 0 : i32
      %dma_wait3A_173 = tpu.memref_slice %arg6[%add3A_171, %dma_wait3A_172] : memref<36x144xi32, #tpu.memory_space<vmem>> -> memref<1x144xi32, #tpu.memory_space<vmem>>
      %dma_wait3A_174 = tpu.memref_squeeze %dma_wait3A_173 : memref<1x144xi32, #tpu.memory_space<vmem>> -> memref<144xi32, #tpu.memory_space<vmem>>
      %dma_wait3A_175 = arith.constant 0 : i32
      %dma_wait3A_176 = arith.constant 0 : i32
      %dma_wait3A_177 = tpu.memref_slice %arg2[%dma_wait3A_175, %dma_wait3A_176] : memref<10240x48xf32, #tpu.memory_space<hbm>> -> memref<10240x48xf32, #tpu.memory_space<hbm>>
      tpu.wait_indirect_dma semaphore(%arg11 : memref<!tpu.dma_semaphore, #tpu.memory_space<semaphore_mem>>) src(%dma_wait3A_177 : memref<10240x48xf32, #tpu.memory_space<hbm>>) dst(%arg8 : memref<144x48xf32, #tpu.memory_space<vmem>>)
      %add3A_178 = arith.constant 0 : i32
      %add3A_179 = arith.addi %mul3A_169, %add3A_178 : i32
      %dma_start3A_180 = arith.constant 0 : i32
      %dma_start3A_181 = tpu.memref_slice %arg7[%add3A_179, %dma_start3A_180] : memref<36x144xi32, #tpu.memory_space<vmem>> -> memref<1x144xi32, #tpu.memory_space<vmem>>
      %dma_start3A_182 = tpu.memref_squeeze %dma_start3A_181 : memref<1x144xi32, #tpu.memory_space<vmem>> -> memref<144xi32, #tpu.memory_space<vmem>>
      %dma_start3A_183 = arith.constant 0 : i32
      %dma_start3A_184 = arith.constant 0 : i32
      %dma_start3A_185 = tpu.memref_slice %arg10[%dma_start3A_183, %dma_start3A_184] : memref<10240x48xf32, #tpu.memory_space<vmem_shared>> -> memref<10240x48xf32, #tpu.memory_space<vmem_shared>>
      tpu.enqueue_indirect_dma source(%arg8 : memref<144x48xf32, #tpu.memory_space<vmem>>) target(%dma_start3A_185 : memref<10240x48xf32, #tpu.memory_space<vmem_shared>>) offsets(%dma_start3A_182 : memref<144xi32, #tpu.memory_space<vmem>>) semaphore(%arg13 : memref<!tpu.dma_semaphore, #tpu.memory_space<semaphore_mem>>) {add = true}
      %add3A_186 = arith.constant 0 : i32
      %add3A_187 = arith.addi %mul3A_169, %add3A_186 : i32
      %dma_wait3A_188 = arith.constant 0 : i32
      %dma_wait3A_189 = tpu.memref_slice %arg7[%add3A_187, %dma_wait3A_188] : memref<36x144xi32, #tpu.memory_space<vmem>> -> memref<1x144xi32, #tpu.memory_space<vmem>>
      %dma_wait3A_190 = tpu.memref_squeeze %dma_wait3A_189 : memref<1x144xi32, #tpu.memory_space<vmem>> -> memref<144xi32, #tpu.memory_space<vmem>>
      %dma_wait3A_191 = arith.constant 0 : i32
      %dma_wait3A_192 = arith.constant 0 : i32
      %dma_wait3A_193 = tpu.memref_slice %arg10[%dma_wait3A_191, %dma_wait3A_192] : memref<10240x48xf32, #tpu.memory_space<vmem_shared>> -> memref<10240x48xf32, #tpu.memory_space<vmem_shared>>
      tpu.wait_indirect_dma semaphore(%arg13 : memref<!tpu.dma_semaphore, #tpu.memory_space<semaphore_mem>>) src(%arg8 : memref<144x48xf32, #tpu.memory_space<vmem>>) dst(%dma_wait3A_193 : memref<10240x48xf32, #tpu.memory_space<vmem_shared>>)
      %add3A_194 = arith.constant 2 : i32
      %add3A_195 = arith.addi %mul3A_169, %add3A_194 : i32
      %add3A_196 = arith.constant 0 : i32
      %add3A_197 = arith.addi %add3A_195, %add3A_196 : i32
      %dma_start3A_198 = arith.constant 0 : i32
      %dma_start3A_199 = tpu.memref_slice %arg6[%add3A_197, %dma_start3A_198] : memref<36x144xi32, #tpu.memory_space<vmem>> -> memref<1x144xi32, #tpu.memory_space<vmem>>
      %dma_start3A_200 = tpu.memref_squeeze %dma_start3A_199 : memref<1x144xi32, #tpu.memory_space<vmem>> -> memref<144xi32, #tpu.memory_space<vmem>>
      %dma_start3A_201 = arith.constant 0 : i32
      %dma_start3A_202 = arith.constant 0 : i32
      %dma_start3A_203 = tpu.memref_slice %arg2[%dma_start3A_201, %dma_start3A_202] : memref<10240x48xf32, #tpu.memory_space<hbm>> -> memref<10240x48xf32, #tpu.memory_space<hbm>>
      tpu.enqueue_indirect_dma source(%dma_start3A_203 : memref<10240x48xf32, #tpu.memory_space<hbm>>) target(%arg8 : memref<144x48xf32, #tpu.memory_space<vmem>>) offsets(%dma_start3A_200 : memref<144xi32, #tpu.memory_space<vmem>>) semaphore(%arg11 : memref<!tpu.dma_semaphore, #tpu.memory_space<semaphore_mem>>)
      %add3A_204 = arith.constant 1 : i32
      %add3A_205 = arith.addi %mul3A_169, %add3A_204 : i32
      %dma_wait3A_206 = arith.constant 0 : i32
      %dma_wait3A_207 = tpu.memref_slice %arg6[%add3A_205, %dma_wait3A_206] : memref<36x144xi32, #tpu.memory_space<vmem>> -> memref<1x144xi32, #tpu.memory_space<vmem>>
      %dma_wait3A_208 = tpu.memref_squeeze %dma_wait3A_207 : memref<1x144xi32, #tpu.memory_space<vmem>> -> memref<144xi32, #tpu.memory_space<vmem>>
      %dma_wait3A_209 = arith.constant 0 : i32
      %dma_wait3A_210 = arith.constant 0 : i32
      %dma_wait3A_211 = tpu.memref_slice %arg2[%dma_wait3A_209, %dma_wait3A_210] : memref<10240x48xf32, #tpu.memory_space<hbm>> -> memref<10240x48xf32, #tpu.memory_space<hbm>>
      tpu.wait_indirect_dma semaphore(%arg12 : memref<!tpu.dma_semaphore, #tpu.memory_space<semaphore_mem>>) src(%dma_wait3A_211 : memref<10240x48xf32, #tpu.memory_space<hbm>>) dst(%arg9 : memref<144x48xf32, #tpu.memory_space<vmem>>)
      %add3A_212 = arith.constant 1 : i32
      %add3A_213 = arith.addi %mul3A_169, %add3A_212 : i32
      %dma_start3A_214 = arith.constant 0 : i32
      %dma_start3A_215 = tpu.memref_slice %arg7[%add3A_213, %dma_start3A_214] : memref<36x144xi32, #tpu.memory_space<vmem>> -> memref<1x144xi32, #tpu.memory_space<vmem>>
      %dma_start3A_216 = tpu.memref_squeeze %dma_start3A_215 : memref<1x144xi32, #tpu.memory_space<vmem>> -> memref<144xi32, #tpu.memory_space<vmem>>
      %dma_start3A_217 = arith.constant 0 : i32
      %dma_start3A_218 = arith.constant 0 : i32
      %dma_start3A_219 = tpu.memref_slice %arg10[%dma_start3A_217, %dma_start3A_218] : memref<10240x48xf32, #tpu.memory_space<vmem_shared>> -> memref<10240x48xf32, #tpu.memory_space<vmem_shared>>
      tpu.enqueue_indirect_dma source(%arg9 : memref<144x48xf32, #tpu.memory_space<vmem>>) target(%dma_start3A_219 : memref<10240x48xf32, #tpu.memory_space<vmem_shared>>) offsets(%dma_start3A_216 : memref<144xi32, #tpu.memory_space<vmem>>) semaphore(%arg14 : memref<!tpu.dma_semaphore, #tpu.memory_space<semaphore_mem>>) {add = true}
      %add3A_220 = arith.constant 1 : i32
      %add3A_221 = arith.addi %mul3A_169, %add3A_220 : i32
      %dma_wait3A_222 = arith.constant 0 : i32
      %dma_wait3A_223 = tpu.memref_slice %arg7[%add3A_221, %dma_wait3A_222] : memref<36x144xi32, #tpu.memory_space<vmem>> -> memref<1x144xi32, #tpu.memory_space<vmem>>
      %dma_wait3A_224 = tpu.memref_squeeze %dma_wait3A_223 : memref<1x144xi32, #tpu.memory_space<vmem>> -> memref<144xi32, #tpu.memory_space<vmem>>
      %dma_wait3A_225 = arith.constant 0 : i32
      %dma_wait3A_226 = arith.constant 0 : i32
      %dma_wait3A_227 = tpu.memref_slice %arg10[%dma_wait3A_225, %dma_wait3A_226] : memref<10240x48xf32, #tpu.memory_space<vmem_shared>> -> memref<10240x48xf32, #tpu.memory_space<vmem_shared>>
      tpu.wait_indirect_dma semaphore(%arg14 : memref<!tpu.dma_semaphore, #tpu.memory_space<semaphore_mem>>) src(%arg9 : memref<144x48xf32, #tpu.memory_space<vmem>>) dst(%dma_wait3A_227 : memref<10240x48xf32, #tpu.memory_space<vmem_shared>>)
      %add3A_228 = arith.constant 2 : i32
      %add3A_229 = arith.addi %mul3A_169, %add3A_228 : i32
      %add3A_230 = arith.constant 1 : i32
      %add3A_231 = arith.addi %add3A_229, %add3A_230 : i32
      %dma_start3A_232 = arith.constant 0 : i32
      %dma_start3A_233 = tpu.memref_slice %arg6[%add3A_231, %dma_start3A_232] : memref<36x144xi32, #tpu.memory_space<vmem>> -> memref<1x144xi32, #tpu.memory_space<vmem>>
      %dma_start3A_234 = tpu.memref_squeeze %dma_start3A_233 : memref<1x144xi32, #tpu.memory_space<vmem>> -> memref<144xi32, #tpu.memory_space<vmem>>
      %dma_start3A_235 = arith.constant 0 : i32
      %dma_start3A_236 = arith.constant 0 : i32
      %dma_start3A_237 = tpu.memref_slice %arg2[%dma_start3A_235, %dma_start3A_236] : memref<10240x48xf32, #tpu.memory_space<hbm>> -> memref<10240x48xf32, #tpu.memory_space<hbm>>
      tpu.enqueue_indirect_dma source(%dma_start3A_237 : memref<10240x48xf32, #tpu.memory_space<hbm>>) target(%arg9 : memref<144x48xf32, #tpu.memory_space<vmem>>) offsets(%dma_start3A_234 : memref<144xi32, #tpu.memory_space<vmem>>) semaphore(%arg12 : memref<!tpu.dma_semaphore, #tpu.memory_space<semaphore_mem>>)
    }
    %scan3A_43 = arith.constant 17 : i32
    %dma_wait3A = arith.constant 34 : i32
    %dma_wait3A_44 = arith.constant 0 : i32
    %dma_wait3A_45 = tpu.memref_slice %arg6[%dma_wait3A, %dma_wait3A_44] : memref<36x144xi32, #tpu.memory_space<vmem>> -> memref<1x144xi32, #tpu.memory_space<vmem>>
    %dma_wait3A_46 = tpu.memref_squeeze %dma_wait3A_45 : memref<1x144xi32, #tpu.memory_space<vmem>> -> memref<144xi32, #tpu.memory_space<vmem>>
    %dma_wait3A_47 = arith.constant 0 : i32
    %dma_wait3A_48 = arith.constant 0 : i32
    %dma_wait3A_49 = tpu.memref_slice %arg2[%dma_wait3A_47, %dma_wait3A_48] : memref<10240x48xf32, #tpu.memory_space<hbm>> -> memref<10240x48xf32, #tpu.memory_space<hbm>>
    tpu.wait_indirect_dma semaphore(%arg11 : memref<!tpu.dma_semaphore, #tpu.memory_space<semaphore_mem>>) src(%dma_wait3A_49 : memref<10240x48xf32, #tpu.memory_space<hbm>>) dst(%arg8 : memref<144x48xf32, #tpu.memory_space<vmem>>)
    %dma_start3A_50 = arith.constant 34 : i32
    %dma_start3A_51 = arith.constant 0 : i32
    %dma_start3A_52 = tpu.memref_slice %arg7[%dma_start3A_50, %dma_start3A_51] : memref<36x144xi32, #tpu.memory_space<vmem>> -> memref<1x144xi32, #tpu.memory_space<vmem>>
    %dma_start3A_53 = tpu.memref_squeeze %dma_start3A_52 : memref<1x144xi32, #tpu.memory_space<vmem>> -> memref<144xi32, #tpu.memory_space<vmem>>
    %dma_start3A_54 = arith.constant 0 : i32
    %dma_start3A_55 = arith.constant 0 : i32
    %dma_start3A_56 = tpu.memref_slice %arg10[%dma_start3A_54, %dma_start3A_55] : memref<10240x48xf32, #tpu.memory_space<vmem_shared>> -> memref<10240x48xf32, #tpu.memory_space<vmem_shared>>
    tpu.enqueue_indirect_dma source(%arg8 : memref<144x48xf32, #tpu.memory_space<vmem>>) target(%dma_start3A_56 : memref<10240x48xf32, #tpu.memory_space<vmem_shared>>) offsets(%dma_start3A_53 : memref<144xi32, #tpu.memory_space<vmem>>) semaphore(%arg13 : memref<!tpu.dma_semaphore, #tpu.memory_space<semaphore_mem>>) {add = true}
    %dma_wait3A_57 = arith.constant 34 : i32
    %dma_wait3A_58 = arith.constant 0 : i32
    %dma_wait3A_59 = tpu.memref_slice %arg7[%dma_wait3A_57, %dma_wait3A_58] : memref<36x144xi32, #tpu.memory_space<vmem>> -> memref<1x144xi32, #tpu.memory_space<vmem>>
    %dma_wait3A_60 = tpu.memref_squeeze %dma_wait3A_59 : memref<1x144xi32, #tpu.memory_space<vmem>> -> memref<144xi32, #tpu.memory_space<vmem>>
    %dma_wait3A_61 = arith.constant 0 : i32
    %dma_wait3A_62 = arith.constant 0 : i32
    %dma_wait3A_63 = tpu.memref_slice %arg10[%dma_wait3A_61, %dma_wait3A_62] : memref<10240x48xf32, #tpu.memory_space<vmem_shared>> -> memref<10240x48xf32, #tpu.memory_space<vmem_shared>>
    tpu.wait_indirect_dma semaphore(%arg13 : memref<!tpu.dma_semaphore, #tpu.memory_space<semaphore_mem>>) src(%arg8 : memref<144x48xf32, #tpu.memory_space<vmem>>) dst(%dma_wait3A_63 : memref<10240x48xf32, #tpu.memory_space<vmem_shared>>)
    %dma_wait3A_64 = arith.constant 35 : i32
    %dma_wait3A_65 = arith.constant 0 : i32
    %dma_wait3A_66 = tpu.memref_slice %arg6[%dma_wait3A_64, %dma_wait3A_65] : memref<36x144xi32, #tpu.memory_space<vmem>> -> memref<1x144xi32, #tpu.memory_space<vmem>>
    %dma_wait3A_67 = tpu.memref_squeeze %dma_wait3A_66 : memref<1x144xi32, #tpu.memory_space<vmem>> -> memref<144xi32, #tpu.memory_space<vmem>>
    %dma_wait3A_68 = arith.constant 0 : i32
    %dma_wait3A_69 = arith.constant 0 : i32
    %dma_wait3A_70 = tpu.memref_slice %arg2[%dma_wait3A_68, %dma_wait3A_69] : memref<10240x48xf32, #tpu.memory_space<hbm>> -> memref<10240x48xf32, #tpu.memory_space<hbm>>
    tpu.wait_indirect_dma semaphore(%arg12 : memref<!tpu.dma_semaphore, #tpu.memory_space<semaphore_mem>>) src(%dma_wait3A_70 : memref<10240x48xf32, #tpu.memory_space<hbm>>) dst(%arg9 : memref<144x48xf32, #tpu.memory_space<vmem>>)
    %dma_start3A_71 = arith.constant 35 : i32
    %dma_start3A_72 = arith.constant 0 : i32
    %dma_start3A_73 = tpu.memref_slice %arg7[%dma_start3A_71, %dma_start3A_72] : memref<36x144xi32, #tpu.memory_space<vmem>> -> memref<1x144xi32, #tpu.memory_space<vmem>>
    %dma_start3A_74 = tpu.memref_squeeze %dma_start3A_73 : memref<1x144xi32, #tpu.memory_space<vmem>> -> memref<144xi32, #tpu.memory_space<vmem>>
    %dma_start3A_75 = arith.constant 0 : i32
    %dma_start3A_76 = arith.constant 0 : i32
    %dma_start3A_77 = tpu.memref_slice %arg10[%dma_start3A_75, %dma_start3A_76] : memref<10240x48xf32, #tpu.memory_space<vmem_shared>> -> memref<10240x48xf32, #tpu.memory_space<vmem_shared>>
    tpu.enqueue_indirect_dma source(%arg9 : memref<144x48xf32, #tpu.memory_space<vmem>>) target(%dma_start3A_77 : memref<10240x48xf32, #tpu.memory_space<vmem_shared>>) offsets(%dma_start3A_74 : memref<144xi32, #tpu.memory_space<vmem>>) semaphore(%arg14 : memref<!tpu.dma_semaphore, #tpu.memory_space<semaphore_mem>>) {add = true}
    %dma_wait3A_78 = arith.constant 35 : i32
    %dma_wait3A_79 = arith.constant 0 : i32
    %dma_wait3A_80 = tpu.memref_slice %arg7[%dma_wait3A_78, %dma_wait3A_79] : memref<36x144xi32, #tpu.memory_space<vmem>> -> memref<1x144xi32, #tpu.memory_space<vmem>>
    %dma_wait3A_81 = tpu.memref_squeeze %dma_wait3A_80 : memref<1x144xi32, #tpu.memory_space<vmem>> -> memref<144xi32, #tpu.memory_space<vmem>>
    %dma_wait3A_82 = arith.constant 0 : i32
    %dma_wait3A_83 = arith.constant 0 : i32
    %dma_wait3A_84 = tpu.memref_slice %arg10[%dma_wait3A_82, %dma_wait3A_83] : memref<10240x48xf32, #tpu.memory_space<vmem_shared>> -> memref<10240x48xf32, #tpu.memory_space<vmem_shared>>
    tpu.wait_indirect_dma semaphore(%arg14 : memref<!tpu.dma_semaphore, #tpu.memory_space<semaphore_mem>>) src(%arg9 : memref<144x48xf32, #tpu.memory_space<vmem>>) dst(%dma_wait3A_84 : memref<10240x48xf32, #tpu.memory_space<vmem_shared>>)
    %mul3A_85 = arith.constant 2 : i32
    %mul3A_86 = arith.muli %add3A, %mul3A_85 : i32
    %add3A_87 = arith.constant 1 : i32
    %add3A_88 = arith.addi %mul3A_86, %add3A_87 : i32
    %mul3A_89 = arith.constant 36 : i32
    %mul3A_90 = arith.muli %add3A_88, %mul3A_89 : i32
    "tpu.region"() ({
      %run_scoped3A = tpu.sem_alloc : memref<!tpu.dma_semaphore, #tpu.memory_space<semaphore_mem>>
      %dma_start3A_163 = arith.constant 0 : i32
      %dma_start3A_164 = tpu.memref_slice %arg3[%mul3A_90, %dma_start3A_163] : memref<2304x144xi32, #tpu.memory_space<hbm>> -> memref<36x144xi32, #tpu.memory_space<hbm>>
      %dma_start3A_165 = arith.constant 0 : i32
      %dma_start3A_166 = tpu.memref_slice %arg3[%mul3A_90, %dma_start3A_165] : memref<2304x144xi32, #tpu.memory_space<hbm>> -> memref<36x144xi32, #tpu.memory_space<hbm>>
      tpu.enqueue_dma source(%dma_start3A_166 : memref<36x144xi32, #tpu.memory_space<hbm>>) target(%arg6 : memref<36x144xi32, #tpu.memory_space<vmem>>) target_semaphore(%run_scoped3A : memref<!tpu.dma_semaphore, #tpu.memory_space<semaphore_mem>>)
      %dma_wait3A_167 = arith.constant 0 : i32
      %dma_wait3A_168 = tpu.memref_slice %arg3[%mul3A_90, %dma_wait3A_167] : memref<2304x144xi32, #tpu.memory_space<hbm>> -> memref<36x144xi32, #tpu.memory_space<hbm>>
      %dma_wait3A_169 = arith.constant 0 : i32
      %dma_wait3A_170 = tpu.memref_slice %arg3[%mul3A_90, %dma_wait3A_169] : memref<2304x144xi32, #tpu.memory_space<hbm>> -> memref<36x144xi32, #tpu.memory_space<hbm>>
      tpu.wait_dma2 semaphore(%run_scoped3A : memref<!tpu.dma_semaphore, #tpu.memory_space<semaphore_mem>>) src(%dma_wait3A_170 : memref<36x144xi32, #tpu.memory_space<hbm>>) dst(%arg6 : memref<36x144xi32, #tpu.memory_space<vmem>>)
      tpu.yield
    }) : () -> ()
    %mul3A_91 = arith.constant 2 : i32
    %mul3A_92 = arith.muli %add3A, %mul3A_91 : i32
    %add3A_93 = arith.constant 1 : i32
    %add3A_94 = arith.addi %mul3A_92, %add3A_93 : i32
    %mul3A_95 = arith.constant 36 : i32
    %mul3A_96 = arith.muli %add3A_94, %mul3A_95 : i32
    "tpu.region"() ({
      %run_scoped3A = tpu.sem_alloc : memref<!tpu.dma_semaphore, #tpu.memory_space<semaphore_mem>>
      %dma_start3A_163 = arith.constant 0 : i32
      %dma_start3A_164 = tpu.memref_slice %arg4[%mul3A_96, %dma_start3A_163] : memref<2304x144xi32, #tpu.memory_space<hbm>> -> memref<36x144xi32, #tpu.memory_space<hbm>>
      %dma_start3A_165 = arith.constant 0 : i32
      %dma_start3A_166 = tpu.memref_slice %arg4[%mul3A_96, %dma_start3A_165] : memref<2304x144xi32, #tpu.memory_space<hbm>> -> memref<36x144xi32, #tpu.memory_space<hbm>>
      tpu.enqueue_dma source(%dma_start3A_166 : memref<36x144xi32, #tpu.memory_space<hbm>>) target(%arg7 : memref<36x144xi32, #tpu.memory_space<vmem>>) target_semaphore(%run_scoped3A : memref<!tpu.dma_semaphore, #tpu.memory_space<semaphore_mem>>)
      %dma_wait3A_167 = arith.constant 0 : i32
      %dma_wait3A_168 = tpu.memref_slice %arg4[%mul3A_96, %dma_wait3A_167] : memref<2304x144xi32, #tpu.memory_space<hbm>> -> memref<36x144xi32, #tpu.memory_space<hbm>>
      %dma_wait3A_169 = arith.constant 0 : i32
      %dma_wait3A_170 = tpu.memref_slice %arg4[%mul3A_96, %dma_wait3A_169] : memref<2304x144xi32, #tpu.memory_space<hbm>> -> memref<36x144xi32, #tpu.memory_space<hbm>>
      tpu.wait_dma2 semaphore(%run_scoped3A : memref<!tpu.dma_semaphore, #tpu.memory_space<semaphore_mem>>) src(%dma_wait3A_170 : memref<36x144xi32, #tpu.memory_space<hbm>>) dst(%arg7 : memref<36x144xi32, #tpu.memory_space<vmem>>)
      tpu.yield
    }) : () -> ()
    %dma_start3A_97 = arith.constant 0 : i32
    %dma_start3A_98 = arith.constant 0 : i32
    %dma_start3A_99 = tpu.memref_slice %arg6[%dma_start3A_97, %dma_start3A_98] : memref<36x144xi32, #tpu.memory_space<vmem>> -> memref<1x144xi32, #tpu.memory_space<vmem>>
    %dma_start3A_100 = tpu.memref_squeeze %dma_start3A_99 : memref<1x144xi32, #tpu.memory_space<vmem>> -> memref<144xi32, #tpu.memory_space<vmem>>
    %dma_start3A_101 = arith.constant 0 : i32
    %dma_start3A_102 = arith.constant 0 : i32
    %dma_start3A_103 = tpu.memref_slice %arg2[%dma_start3A_101, %dma_start3A_102] : memref<10240x48xf32, #tpu.memory_space<hbm>> -> memref<10240x48xf32, #tpu.memory_space<hbm>>
    tpu.enqueue_indirect_dma source(%dma_start3A_103 : memref<10240x48xf32, #tpu.memory_space<hbm>>) target(%arg8 : memref<144x48xf32, #tpu.memory_space<vmem>>) offsets(%dma_start3A_100 : memref<144xi32, #tpu.memory_space<vmem>>) semaphore(%arg11 : memref<!tpu.dma_semaphore, #tpu.memory_space<semaphore_mem>>)
    %dma_start3A_104 = arith.constant 1 : i32
    %dma_start3A_105 = arith.constant 0 : i32
    %dma_start3A_106 = tpu.memref_slice %arg6[%dma_start3A_104, %dma_start3A_105] : memref<36x144xi32, #tpu.memory_space<vmem>> -> memref<1x144xi32, #tpu.memory_space<vmem>>
    %dma_start3A_107 = tpu.memref_squeeze %dma_start3A_106 : memref<1x144xi32, #tpu.memory_space<vmem>> -> memref<144xi32, #tpu.memory_space<vmem>>
    %dma_start3A_108 = arith.constant 0 : i32
    %dma_start3A_109 = arith.constant 0 : i32
    %dma_start3A_110 = tpu.memref_slice %arg2[%dma_start3A_108, %dma_start3A_109] : memref<10240x48xf32, #tpu.memory_space<hbm>> -> memref<10240x48xf32, #tpu.memory_space<hbm>>
    tpu.enqueue_indirect_dma source(%dma_start3A_110 : memref<10240x48xf32, #tpu.memory_space<hbm>>) target(%arg9 : memref<144x48xf32, #tpu.memory_space<vmem>>) offsets(%dma_start3A_107 : memref<144xi32, #tpu.memory_space<vmem>>) semaphore(%arg12 : memref<!tpu.dma_semaphore, #tpu.memory_space<semaphore_mem>>)
    %scan3A_111 = arith.constant 0 : i32
    %scan3A_112 = arith.constant 17 : i32
    %scan3A_113 = arith.addi %scan3A_111, %scan3A_112 : i32
    %scan3A_114 = arith.constant 1 : i32
    scf.for %scan3A_163 = %scan3A_111 to %scan3A_113 step %scan3A_114  : i32 {
      %mul3A_164 = arith.constant 1 : i32
      %mul3A_165 = arith.muli %scan3A_163, %mul3A_164 : i32
      %add3A_166 = arith.constant 0 : i32
      %add3A_167 = arith.addi %add3A_166, %mul3A_165 : i32
      %mul3A_168 = arith.constant 2 : i32
      %mul3A_169 = arith.muli %add3A_167, %mul3A_168 : i32
      %add3A_170 = arith.constant 0 : i32
      %add3A_171 = arith.addi %mul3A_169, %add3A_170 : i32
      %dma_wait3A_172 = arith.constant 0 : i32
      %dma_wait3A_173 = tpu.memref_slice %arg6[%add3A_171, %dma_wait3A_172] : memref<36x144xi32, #tpu.memory_space<vmem>> -> memref<1x144xi32, #tpu.memory_space<vmem>>
      %dma_wait3A_174 = tpu.memref_squeeze %dma_wait3A_173 : memref<1x144xi32, #tpu.memory_space<vmem>> -> memref<144xi32, #tpu.memory_space<vmem>>
      %dma_wait3A_175 = arith.constant 0 : i32
      %dma_wait3A_176 = arith.constant 0 : i32
      %dma_wait3A_177 = tpu.memref_slice %arg2[%dma_wait3A_175, %dma_wait3A_176] : memref<10240x48xf32, #tpu.memory_space<hbm>> -> memref<10240x48xf32, #tpu.memory_space<hbm>>
      tpu.wait_indirect_dma semaphore(%arg11 : memref<!tpu.dma_semaphore, #tpu.memory_space<semaphore_mem>>) src(%dma_wait3A_177 : memref<10240x48xf32, #tpu.memory_space<hbm>>) dst(%arg8 : memref<144x48xf32, #tpu.memory_space<vmem>>)
      %add3A_178 = arith.constant 0 : i32
      %add3A_179 = arith.addi %mul3A_169, %add3A_178 : i32
      %dma_start3A_180 = arith.constant 0 : i32
      %dma_start3A_181 = tpu.memref_slice %arg7[%add3A_179, %dma_start3A_180] : memref<36x144xi32, #tpu.memory_space<vmem>> -> memref<1x144xi32, #tpu.memory_space<vmem>>
      %dma_start3A_182 = tpu.memref_squeeze %dma_start3A_181 : memref<1x144xi32, #tpu.memory_space<vmem>> -> memref<144xi32, #tpu.memory_space<vmem>>
      %dma_start3A_183 = arith.constant 0 : i32
      %dma_start3A_184 = arith.constant 0 : i32
      %dma_start3A_185 = tpu.memref_slice %arg10[%dma_start3A_183, %dma_start3A_184] : memref<10240x48xf32, #tpu.memory_space<vmem_shared>> -> memref<10240x48xf32, #tpu.memory_space<vmem_shared>>
      tpu.enqueue_indirect_dma source(%arg8 : memref<144x48xf32, #tpu.memory_space<vmem>>) target(%dma_start3A_185 : memref<10240x48xf32, #tpu.memory_space<vmem_shared>>) offsets(%dma_start3A_182 : memref<144xi32, #tpu.memory_space<vmem>>) semaphore(%arg13 : memref<!tpu.dma_semaphore, #tpu.memory_space<semaphore_mem>>) {add = true}
      %add3A_186 = arith.constant 0 : i32
      %add3A_187 = arith.addi %mul3A_169, %add3A_186 : i32
      %dma_wait3A_188 = arith.constant 0 : i32
      %dma_wait3A_189 = tpu.memref_slice %arg7[%add3A_187, %dma_wait3A_188] : memref<36x144xi32, #tpu.memory_space<vmem>> -> memref<1x144xi32, #tpu.memory_space<vmem>>
      %dma_wait3A_190 = tpu.memref_squeeze %dma_wait3A_189 : memref<1x144xi32, #tpu.memory_space<vmem>> -> memref<144xi32, #tpu.memory_space<vmem>>
      %dma_wait3A_191 = arith.constant 0 : i32
      %dma_wait3A_192 = arith.constant 0 : i32
      %dma_wait3A_193 = tpu.memref_slice %arg10[%dma_wait3A_191, %dma_wait3A_192] : memref<10240x48xf32, #tpu.memory_space<vmem_shared>> -> memref<10240x48xf32, #tpu.memory_space<vmem_shared>>
      tpu.wait_indirect_dma semaphore(%arg13 : memref<!tpu.dma_semaphore, #tpu.memory_space<semaphore_mem>>) src(%arg8 : memref<144x48xf32, #tpu.memory_space<vmem>>) dst(%dma_wait3A_193 : memref<10240x48xf32, #tpu.memory_space<vmem_shared>>)
      %add3A_194 = arith.constant 2 : i32
      %add3A_195 = arith.addi %mul3A_169, %add3A_194 : i32
      %add3A_196 = arith.constant 0 : i32
      %add3A_197 = arith.addi %add3A_195, %add3A_196 : i32
      %dma_start3A_198 = arith.constant 0 : i32
      %dma_start3A_199 = tpu.memref_slice %arg6[%add3A_197, %dma_start3A_198] : memref<36x144xi32, #tpu.memory_space<vmem>> -> memref<1x144xi32, #tpu.memory_space<vmem>>
      %dma_start3A_200 = tpu.memref_squeeze %dma_start3A_199 : memref<1x144xi32, #tpu.memory_space<vmem>> -> memref<144xi32, #tpu.memory_space<vmem>>
      %dma_start3A_201 = arith.constant 0 : i32
      %dma_start3A_202 = arith.constant 0 : i32
      %dma_start3A_203 = tpu.memref_slice %arg2[%dma_start3A_201, %dma_start3A_202] : memref<10240x48xf32, #tpu.memory_space<hbm>> -> memref<10240x48xf32, #tpu.memory_space<hbm>>
      tpu.enqueue_indirect_dma source(%dma_start3A_203 : memref<10240x48xf32, #tpu.memory_space<hbm>>) target(%arg8 : memref<144x48xf32, #tpu.memory_space<vmem>>) offsets(%dma_start3A_200 : memref<144xi32, #tpu.memory_space<vmem>>) semaphore(%arg11 : memref<!tpu.dma_semaphore, #tpu.memory_space<semaphore_mem>>)
      %add3A_204 = arith.constant 1 : i32
      %add3A_205 = arith.addi %mul3A_169, %add3A_204 : i32
      %dma_wait3A_206 = arith.constant 0 : i32
      %dma_wait3A_207 = tpu.memref_slice %arg6[%add3A_205, %dma_wait3A_206] : memref<36x144xi32, #tpu.memory_space<vmem>> -> memref<1x144xi32, #tpu.memory_space<vmem>>
      %dma_wait3A_208 = tpu.memref_squeeze %dma_wait3A_207 : memref<1x144xi32, #tpu.memory_space<vmem>> -> memref<144xi32, #tpu.memory_space<vmem>>
      %dma_wait3A_209 = arith.constant 0 : i32
      %dma_wait3A_210 = arith.constant 0 : i32
      %dma_wait3A_211 = tpu.memref_slice %arg2[%dma_wait3A_209, %dma_wait3A_210] : memref<10240x48xf32, #tpu.memory_space<hbm>> -> memref<10240x48xf32, #tpu.memory_space<hbm>>
      tpu.wait_indirect_dma semaphore(%arg12 : memref<!tpu.dma_semaphore, #tpu.memory_space<semaphore_mem>>) src(%dma_wait3A_211 : memref<10240x48xf32, #tpu.memory_space<hbm>>) dst(%arg9 : memref<144x48xf32, #tpu.memory_space<vmem>>)
      %add3A_212 = arith.constant 1 : i32
      %add3A_213 = arith.addi %mul3A_169, %add3A_212 : i32
      %dma_start3A_214 = arith.constant 0 : i32
      %dma_start3A_215 = tpu.memref_slice %arg7[%add3A_213, %dma_start3A_214] : memref<36x144xi32, #tpu.memory_space<vmem>> -> memref<1x144xi32, #tpu.memory_space<vmem>>
      %dma_start3A_216 = tpu.memref_squeeze %dma_start3A_215 : memref<1x144xi32, #tpu.memory_space<vmem>> -> memref<144xi32, #tpu.memory_space<vmem>>
      %dma_start3A_217 = arith.constant 0 : i32
      %dma_start3A_218 = arith.constant 0 : i32
      %dma_start3A_219 = tpu.memref_slice %arg10[%dma_start3A_217, %dma_start3A_218] : memref<10240x48xf32, #tpu.memory_space<vmem_shared>> -> memref<10240x48xf32, #tpu.memory_space<vmem_shared>>
      tpu.enqueue_indirect_dma source(%arg9 : memref<144x48xf32, #tpu.memory_space<vmem>>) target(%dma_start3A_219 : memref<10240x48xf32, #tpu.memory_space<vmem_shared>>) offsets(%dma_start3A_216 : memref<144xi32, #tpu.memory_space<vmem>>) semaphore(%arg14 : memref<!tpu.dma_semaphore, #tpu.memory_space<semaphore_mem>>) {add = true}
      %add3A_220 = arith.constant 1 : i32
      %add3A_221 = arith.addi %mul3A_169, %add3A_220 : i32
      %dma_wait3A_222 = arith.constant 0 : i32
      %dma_wait3A_223 = tpu.memref_slice %arg7[%add3A_221, %dma_wait3A_222] : memref<36x144xi32, #tpu.memory_space<vmem>> -> memref<1x144xi32, #tpu.memory_space<vmem>>
      %dma_wait3A_224 = tpu.memref_squeeze %dma_wait3A_223 : memref<1x144xi32, #tpu.memory_space<vmem>> -> memref<144xi32, #tpu.memory_space<vmem>>
      %dma_wait3A_225 = arith.constant 0 : i32
      %dma_wait3A_226 = arith.constant 0 : i32
      %dma_wait3A_227 = tpu.memref_slice %arg10[%dma_wait3A_225, %dma_wait3A_226] : memref<10240x48xf32, #tpu.memory_space<vmem_shared>> -> memref<10240x48xf32, #tpu.memory_space<vmem_shared>>
      tpu.wait_indirect_dma semaphore(%arg14 : memref<!tpu.dma_semaphore, #tpu.memory_space<semaphore_mem>>) src(%arg9 : memref<144x48xf32, #tpu.memory_space<vmem>>) dst(%dma_wait3A_227 : memref<10240x48xf32, #tpu.memory_space<vmem_shared>>)
      %add3A_228 = arith.constant 2 : i32
      %add3A_229 = arith.addi %mul3A_169, %add3A_228 : i32
      %add3A_230 = arith.constant 1 : i32
      %add3A_231 = arith.addi %add3A_229, %add3A_230 : i32
      %dma_start3A_232 = arith.constant 0 : i32
      %dma_start3A_233 = tpu.memref_slice %arg6[%add3A_231, %dma_start3A_232] : memref<36x144xi32, #tpu.memory_space<vmem>> -> memref<1x144xi32, #tpu.memory_space<vmem>>
      %dma_start3A_234 = tpu.memref_squeeze %dma_start3A_233 : memref<1x144xi32, #tpu.memory_space<vmem>> -> memref<144xi32, #tpu.memory_space<vmem>>
      %dma_start3A_235 = arith.constant 0 : i32
      %dma_start3A_236 = arith.constant 0 : i32
      %dma_start3A_237 = tpu.memref_slice %arg2[%dma_start3A_235, %dma_start3A_236] : memref<10240x48xf32, #tpu.memory_space<hbm>> -> memref<10240x48xf32, #tpu.memory_space<hbm>>
      tpu.enqueue_indirect_dma source(%dma_start3A_237 : memref<10240x48xf32, #tpu.memory_space<hbm>>) target(%arg9 : memref<144x48xf32, #tpu.memory_space<vmem>>) offsets(%dma_start3A_234 : memref<144xi32, #tpu.memory_space<vmem>>) semaphore(%arg12 : memref<!tpu.dma_semaphore, #tpu.memory_space<semaphore_mem>>)
    }
    %scan3A_115 = arith.constant 17 : i32
    %dma_wait3A_116 = arith.constant 34 : i32
    %dma_wait3A_117 = arith.constant 0 : i32
    %dma_wait3A_118 = tpu.memref_slice %arg6[%dma_wait3A_116, %dma_wait3A_117] : memref<36x144xi32, #tpu.memory_space<vmem>> -> memref<1x144xi32, #tpu.memory_space<vmem>>
    %dma_wait3A_119 = tpu.memref_squeeze %dma_wait3A_118 : memref<1x144xi32, #tpu.memory_space<vmem>> -> memref<144xi32, #tpu.memory_space<vmem>>
    %dma_wait3A_120 = arith.constant 0 : i32
    %dma_wait3A_121 = arith.constant 0 : i32
    %dma_wait3A_122 = tpu.memref_slice %arg2[%dma_wait3A_120, %dma_wait3A_121] : memref<10240x48xf32, #tpu.memory_space<hbm>> -> memref<10240x48xf32, #tpu.memory_space<hbm>>
    tpu.wait_indirect_dma semaphore(%arg11 : memref<!tpu.dma_semaphore, #tpu.memory_space<semaphore_mem>>) src(%dma_wait3A_122 : memref<10240x48xf32, #tpu.memory_space<hbm>>) dst(%arg8 : memref<144x48xf32, #tpu.memory_space<vmem>>)
    %dma_start3A_123 = arith.constant 34 : i32
    %dma_start3A_124 = arith.constant 0 : i32
    %dma_start3A_125 = tpu.memref_slice %arg7[%dma_start3A_123, %dma_start3A_124] : memref<36x144xi32, #tpu.memory_space<vmem>> -> memref<1x144xi32, #tpu.memory_space<vmem>>
    %dma_start3A_126 = tpu.memref_squeeze %dma_start3A_125 : memref<1x144xi32, #tpu.memory_space<vmem>> -> memref<144xi32, #tpu.memory_space<vmem>>
    %dma_start3A_127 = arith.constant 0 : i32
    %dma_start3A_128 = arith.constant 0 : i32
    %dma_start3A_129 = tpu.memref_slice %arg10[%dma_start3A_127, %dma_start3A_128] : memref<10240x48xf32, #tpu.memory_space<vmem_shared>> -> memref<10240x48xf32, #tpu.memory_space<vmem_shared>>
    tpu.enqueue_indirect_dma source(%arg8 : memref<144x48xf32, #tpu.memory_space<vmem>>) target(%dma_start3A_129 : memref<10240x48xf32, #tpu.memory_space<vmem_shared>>) offsets(%dma_start3A_126 : memref<144xi32, #tpu.memory_space<vmem>>) semaphore(%arg13 : memref<!tpu.dma_semaphore, #tpu.memory_space<semaphore_mem>>) {add = true}
    %dma_wait3A_130 = arith.constant 34 : i32
    %dma_wait3A_131 = arith.constant 0 : i32
    %dma_wait3A_132 = tpu.memref_slice %arg7[%dma_wait3A_130, %dma_wait3A_131] : memref<36x144xi32, #tpu.memory_space<vmem>> -> memref<1x144xi32, #tpu.memory_space<vmem>>
    %dma_wait3A_133 = tpu.memref_squeeze %dma_wait3A_132 : memref<1x144xi32, #tpu.memory_space<vmem>> -> memref<144xi32, #tpu.memory_space<vmem>>
    %dma_wait3A_134 = arith.constant 0 : i32
    %dma_wait3A_135 = arith.constant 0 : i32
    %dma_wait3A_136 = tpu.memref_slice %arg10[%dma_wait3A_134, %dma_wait3A_135] : memref<10240x48xf32, #tpu.memory_space<vmem_shared>> -> memref<10240x48xf32, #tpu.memory_space<vmem_shared>>
    tpu.wait_indirect_dma semaphore(%arg13 : memref<!tpu.dma_semaphore, #tpu.memory_space<semaphore_mem>>) src(%arg8 : memref<144x48xf32, #tpu.memory_space<vmem>>) dst(%dma_wait3A_136 : memref<10240x48xf32, #tpu.memory_space<vmem_shared>>)
    %dma_wait3A_137 = arith.constant 35 : i32
    %dma_wait3A_138 = arith.constant 0 : i32
    %dma_wait3A_139 = tpu.memref_slice %arg6[%dma_wait3A_137, %dma_wait3A_138] : memref<36x144xi32, #tpu.memory_space<vmem>> -> memref<1x144xi32, #tpu.memory_space<vmem>>
    %dma_wait3A_140 = tpu.memref_squeeze %dma_wait3A_139 : memref<1x144xi32, #tpu.memory_space<vmem>> -> memref<144xi32, #tpu.memory_space<vmem>>
    %dma_wait3A_141 = arith.constant 0 : i32
    %dma_wait3A_142 = arith.constant 0 : i32
    %dma_wait3A_143 = tpu.memref_slice %arg2[%dma_wait3A_141, %dma_wait3A_142] : memref<10240x48xf32, #tpu.memory_space<hbm>> -> memref<10240x48xf32, #tpu.memory_space<hbm>>
    tpu.wait_indirect_dma semaphore(%arg12 : memref<!tpu.dma_semaphore, #tpu.memory_space<semaphore_mem>>) src(%dma_wait3A_143 : memref<10240x48xf32, #tpu.memory_space<hbm>>) dst(%arg9 : memref<144x48xf32, #tpu.memory_space<vmem>>)
    %dma_start3A_144 = arith.constant 35 : i32
    %dma_start3A_145 = arith.constant 0 : i32
    %dma_start3A_146 = tpu.memref_slice %arg7[%dma_start3A_144, %dma_start3A_145] : memref<36x144xi32, #tpu.memory_space<vmem>> -> memref<1x144xi32, #tpu.memory_space<vmem>>
    %dma_start3A_147 = tpu.memref_squeeze %dma_start3A_146 : memref<1x144xi32, #tpu.memory_space<vmem>> -> memref<144xi32, #tpu.memory_space<vmem>>
    %dma_start3A_148 = arith.constant 0 : i32
    %dma_start3A_149 = arith.constant 0 : i32
    %dma_start3A_150 = tpu.memref_slice %arg10[%dma_start3A_148, %dma_start3A_149] : memref<10240x48xf32, #tpu.memory_space<vmem_shared>> -> memref<10240x48xf32, #tpu.memory_space<vmem_shared>>
    tpu.enqueue_indirect_dma source(%arg9 : memref<144x48xf32, #tpu.memory_space<vmem>>) target(%dma_start3A_150 : memref<10240x48xf32, #tpu.memory_space<vmem_shared>>) offsets(%dma_start3A_147 : memref<144xi32, #tpu.memory_space<vmem>>) semaphore(%arg14 : memref<!tpu.dma_semaphore, #tpu.memory_space<semaphore_mem>>) {add = true}
    %dma_wait3A_151 = arith.constant 35 : i32
    %dma_wait3A_152 = arith.constant 0 : i32
    %dma_wait3A_153 = tpu.memref_slice %arg7[%dma_wait3A_151, %dma_wait3A_152] : memref<36x144xi32, #tpu.memory_space<vmem>> -> memref<1x144xi32, #tpu.memory_space<vmem>>
    %dma_wait3A_154 = tpu.memref_squeeze %dma_wait3A_153 : memref<1x144xi32, #tpu.memory_space<vmem>> -> memref<144xi32, #tpu.memory_space<vmem>>
    %dma_wait3A_155 = arith.constant 0 : i32
    %dma_wait3A_156 = arith.constant 0 : i32
    %dma_wait3A_157 = tpu.memref_slice %arg10[%dma_wait3A_155, %dma_wait3A_156] : memref<10240x48xf32, #tpu.memory_space<vmem_shared>> -> memref<10240x48xf32, #tpu.memory_space<vmem_shared>>
    tpu.wait_indirect_dma semaphore(%arg14 : memref<!tpu.dma_semaphore, #tpu.memory_space<semaphore_mem>>) src(%arg9 : memref<144x48xf32, #tpu.memory_space<vmem>>) dst(%dma_wait3A_157 : memref<10240x48xf32, #tpu.memory_space<vmem_shared>>)
    %barrier3A_158 = arith.constant 0 : index
    tpu.barrier barrier_id(%barrier3A_158)
    %mul3A_159 = arith.constant 640 : i32
    %mul3A_160 = arith.muli %arg1, %mul3A_159 : i32
    %mul3A_161 = arith.constant 640 : i32
    %mul3A_162 = arith.muli %arg1, %mul3A_161 : i32
    "tpu.region"() ({
      %run_scoped3A = tpu.sem_alloc : memref<!tpu.dma_semaphore, #tpu.memory_space<semaphore_mem>>
      %dma_start3A_163 = arith.constant 0 : i32
      %dma_start3A_164 = tpu.memref_slice %arg5[%arg0, %mul3A_162, %dma_start3A_163] : memref<2x10240x48xf32, #tpu.memory_space<hbm>> -> memref<1x640x48xf32, #tpu.memory_space<hbm>>
      %dma_start3A_165 = tpu.memref_squeeze %dma_start3A_164 : memref<1x640x48xf32, #tpu.memory_space<hbm>> -> memref<640x48xf32, #tpu.memory_space<hbm>>
      %dma_start3A_166 = arith.constant 0 : i32
      %dma_start3A_167 = tpu.memref_slice %arg10[%mul3A_160, %dma_start3A_166] : memref<10240x48xf32, #tpu.memory_space<vmem_shared>> -> memref<640x48xf32, #tpu.memory_space<vmem_shared>>
      tpu.enqueue_dma source(%dma_start3A_167 : memref<640x48xf32, #tpu.memory_space<vmem_shared>>) target(%dma_start3A_165 : memref<640x48xf32, #tpu.memory_space<hbm>>) target_semaphore(%run_scoped3A : memref<!tpu.dma_semaphore, #tpu.memory_space<semaphore_mem>>)
      %dma_wait3A_168 = arith.constant 0 : i32
      %dma_wait3A_169 = tpu.memref_slice %arg5[%arg0, %mul3A_162, %dma_wait3A_168] : memref<2x10240x48xf32, #tpu.memory_space<hbm>> -> memref<1x640x48xf32, #tpu.memory_space<hbm>>
      %dma_wait3A_170 = tpu.memref_squeeze %dma_wait3A_169 : memref<1x640x48xf32, #tpu.memory_space<hbm>> -> memref<640x48xf32, #tpu.memory_space<hbm>>
      %dma_wait3A_171 = arith.constant 0 : i32
      %dma_wait3A_172 = tpu.memref_slice %arg10[%mul3A_160, %dma_wait3A_171] : memref<10240x48xf32, #tpu.memory_space<vmem_shared>> -> memref<640x48xf32, #tpu.memory_space<vmem_shared>>
      tpu.wait_dma2 semaphore(%run_scoped3A : memref<!tpu.dma_semaphore, #tpu.memory_space<semaphore_mem>>) src(%dma_wait3A_172 : memref<640x48xf32, #tpu.memory_space<vmem_shared>>) dst(%dma_wait3A_170 : memref<640x48xf32, #tpu.memory_space<hbm>>)
      tpu.yield
    }) : () -> ()
    return
  }
}

module attributes {stable_mosaic.version = 14 : i64} {
  func.func @_prep_body(%arg0: i32, %arg1: memref<2x2048x16xf32, #tpu.memory_space<vmem>>, %arg2: memref<2048x128xf32, #tpu.memory_space<vmem>>, %arg3: memref<2048x1xf32, #tpu.memory_space<vmem>>, %arg4: memref<2048x128xf32, #tpu.memory_space<vmem>>) attributes {dimension_semantics = [#tpu.dimension_semantics<arbitrary>], iteration_bounds = array<i64: 5>, scalar_prefetch = 0 : i64, scratch_operands = 0 : i64, tpu.core_type = #tpu.core_type<tc>, window_params = [{transform_indices = @transform_0, window_bounds = array<i64: 2, 2048, 16>}, {transform_indices = @transform_1, window_bounds = array<i64: 2048, 128>}, {transform_indices = @transform_2, window_bounds = array<i64: 2048, 1>}, {transform_indices = @transform_3, window_bounds = array<i64: 2048, 128>}]} {
    %get3A = arith.constant 0 : index
    %get3A_0 = arith.constant 0 : index
    %get3A_1 = arith.constant 0 : index
    %get3A_2 = vector.load %arg1[%get3A, %get3A_0, %get3A_1] : memref<2x2048x16xf32, #tpu.memory_space<vmem>>, vector<1x2048x1xf32>
    %get3A_3 = vector.shape_cast %get3A_2 : vector<1x2048x1xf32> to vector<2048x1xf32>
    %get3A_4 = arith.constant 1 : index
    %get3A_5 = arith.constant 0 : index
    %get3A_6 = arith.constant 0 : index
    %get3A_7 = vector.load %arg1[%get3A_4, %get3A_5, %get3A_6] : memref<2x2048x16xf32, #tpu.memory_space<vmem>>, vector<1x2048x1xf32>
    %get3A_8 = vector.shape_cast %get3A_7 : vector<1x2048x1xf32> to vector<2048x1xf32>
    %add3A = arith.addf %get3A_3, %get3A_8 : vector<2048x1xf32>
    %add3A_9 = arith.constant 1.000000e+00 : f32
    %add3A_10 = vector.broadcast %add3A_9 : f32 to vector<2048x1xf32>
    %add3A_11 = arith.addf %add3A, %add3A_10 : vector<2048x1xf32>
    %rsqrt3A = math.rsqrt %add3A_11 : vector<2048x1xf32>
    %swap3A = arith.constant 0 : index
    %swap3A_12 = arith.constant 0 : index
    %swap3A_13 = vector.load %arg3[%swap3A, %swap3A_12] : memref<2048x1xf32, #tpu.memory_space<vmem>>, vector<2048x1xf32>
    tpu.vector_store %arg3[%swap3A, %swap3A_12], %rsqrt3A {strides = array<i32>} : memref<2048x1xf32, #tpu.memory_space<vmem>>, vector<2048x1xf32>,
    %get3A_14 = arith.constant 0 : index
    %get3A_15 = arith.constant 0 : index
    %get3A_16 = vector.load %arg2[%get3A_14, %get3A_15] : memref<2048x128xf32, #tpu.memory_space<vmem>>, vector<2048x128xf32>
    %mul3A = vector.broadcast %rsqrt3A : vector<2048x1xf32> to vector<2048x128xf32>
    %mul3A_17 = arith.mulf %get3A_16, %mul3A : vector<2048x128xf32>
    %swap3A_18 = arith.constant 0 : index
    %swap3A_19 = arith.constant 0 : index
    %swap3A_20 = vector.load %arg4[%swap3A_18, %swap3A_19] : memref<2048x128xf32, #tpu.memory_space<vmem>>, vector<2048x128xf32>
    tpu.vector_store %arg4[%swap3A_18, %swap3A_19], %mul3A_17 {strides = array<i32>} : memref<2048x128xf32, #tpu.memory_space<vmem>>, vector<2048x128xf32>,
    return
  }
  func.func @transform_0(%arg0: i32) -> (i32, i32, i32) {
    %c0_i32 = arith.constant 0 : i32
    %c0_i32_0 = arith.constant 0 : i32
    %c0_i32_1 = arith.constant 0 : i32
    return %c0_i32, %arg0, %c0_i32_0 : i32, i32, i32
  }
  func.func @transform_1(%arg0: i32) -> (i32, i32) {
    %c0_i32 = arith.constant 0 : i32
    %c0_i32_0 = arith.constant 0 : i32
    return %arg0, %c0_i32 : i32, i32
  }
  func.func @transform_2(%arg0: i32) -> (i32, i32) {
    %c0_i32 = arith.constant 0 : i32
    %c0_i32_0 = arith.constant 0 : i32
    return %arg0, %c0_i32 : i32, i32
  }
  func.func @transform_3(%arg0: i32) -> (i32, i32) {
    %c0_i32 = arith.constant 0 : i32
    %c0_i32_0 = arith.constant 0 : i32
    return %arg0, %c0_i32 : i32, i32
  }
}

module attributes {stable_mosaic.version = 14 : i64} {
  func.func @_mid_body(%arg0: i32, %arg1: memref<2x2048x128xf32, #tpu.memory_space<vmem>>, %arg2: memref<2048x128xf32, #tpu.memory_space<vmem>>, %arg3: memref<2048x1xf32, #tpu.memory_space<vmem>>, %arg4: memref<128x256xf32, #tpu.memory_space<vmem>>, %arg5: memref<1x256xf32, #tpu.memory_space<vmem>>, %arg6: memref<256x48xf32, #tpu.memory_space<vmem>>, %arg7: memref<2048x48xf32, #tpu.memory_space<vmem>>) attributes {dimension_semantics = [#tpu.dimension_semantics<arbitrary>], iteration_bounds = array<i64: 5>, scalar_prefetch = 0 : i64, scratch_operands = 0 : i64, tpu.core_type = #tpu.core_type<tc>, window_params = [{transform_indices = @transform_0, window_bounds = array<i64: 2, 2048, 128>}, {transform_indices = @transform_1, window_bounds = array<i64: 2048, 128>}, {transform_indices = @transform_2, window_bounds = array<i64: 2048, 1>}, {pipeline_mode = #tpu.pipeline_mode<synchronous>, transform_indices = @transform_3, window_bounds = array<i64: 128, 256>}, {pipeline_mode = #tpu.pipeline_mode<synchronous>, transform_indices = @transform_4, window_bounds = array<i64: 1, 256>}, {pipeline_mode = #tpu.pipeline_mode<synchronous>, transform_indices = @transform_5, window_bounds = array<i64: 256, 48>}, {transform_indices = @transform_6, window_bounds = array<i64: 2048, 48>}]} {
    %get3A = arith.constant 0 : index
    %get3A_0 = arith.constant 0 : index
    %get3A_1 = arith.constant 0 : index
    %get3A_2 = vector.load %arg1[%get3A, %get3A_0, %get3A_1] : memref<2x2048x128xf32, #tpu.memory_space<vmem>>, vector<1x2048x128xf32>
    %get3A_3 = vector.shape_cast %get3A_2 : vector<1x2048x128xf32> to vector<2048x128xf32>
    %get3A_4 = arith.constant 1 : index
    %get3A_5 = arith.constant 0 : index
    %get3A_6 = arith.constant 0 : index
    %get3A_7 = vector.load %arg1[%get3A_4, %get3A_5, %get3A_6] : memref<2x2048x128xf32, #tpu.memory_space<vmem>>, vector<1x2048x128xf32>
    %get3A_8 = vector.shape_cast %get3A_7 : vector<1x2048x128xf32> to vector<2048x128xf32>
    %add3A = arith.addf %get3A_3, %get3A_8 : vector<2048x128xf32>
    %get3A_9 = arith.constant 0 : index
    %get3A_10 = arith.constant 0 : index
    %get3A_11 = vector.load %arg2[%get3A_9, %get3A_10] : memref<2048x128xf32, #tpu.memory_space<vmem>>, vector<2048x128xf32>
    %add3A_12 = arith.addf %add3A, %get3A_11 : vector<2048x128xf32>
    %get3A_13 = arith.constant 0 : index
    %get3A_14 = arith.constant 0 : index
    %get3A_15 = vector.load %arg3[%get3A_13, %get3A_14] : memref<2048x1xf32, #tpu.memory_space<vmem>>, vector<2048x1xf32>
    %mul3A = vector.broadcast %get3A_15 : vector<2048x1xf32> to vector<2048x128xf32>
    %mul3A_16 = arith.mulf %add3A_12, %mul3A : vector<2048x128xf32>
    %get3A_17 = arith.constant 0 : index
    %get3A_18 = arith.constant 0 : index
    %get3A_19 = vector.load %arg4[%get3A_17, %get3A_18] : memref<128x256xf32, #tpu.memory_space<vmem>>, vector<128x256xf32>
    %dot_general3A = arith.constant dense<0.000000e+00> : vector<2048x256xf32>
    %dot_general3A_20 = tpu.matmul %mul3A_16, %get3A_19, %dot_general3A {dimension_numbers = #tpu.dot_dimension_numbers<[1], [0], [0], [1], [0, 0, 1, 1], [], []>, precision = #tpu.contract_precision<fp32>, transpose_lhs_hint = false} : vector<2048x128xf32>, vector<128x256xf32>, vector<2048x256xf32> -> vector<2048x256xf32>
    %get3A_21 = arith.constant 0 : index
    %get3A_22 = arith.constant 0 : index
    %get3A_23 = vector.load %arg5[%get3A_21, %get3A_22] : memref<1x256xf32, #tpu.memory_space<vmem>>, vector<1x256xf32>
    %add3A_24 = vector.broadcast %get3A_23 : vector<1x256xf32> to vector<2048x256xf32>
    %add3A_25 = arith.addf %dot_general3A_20, %add3A_24 : vector<2048x256xf32>
    %max3A = arith.constant 0.000000e+00 : f32
    %max3A_26 = vector.broadcast %max3A : f32 to vector<2048x256xf32>
    %max3A_27 = arith.maximumf %add3A_25, %max3A_26 : vector<2048x256xf32>
    %get3A_28 = arith.constant 0 : index
    %get3A_29 = arith.constant 0 : index
    %get3A_30 = vector.load %arg6[%get3A_28, %get3A_29] : memref<256x48xf32, #tpu.memory_space<vmem>>, vector<256x48xf32>
    %dot_general3A_31 = arith.constant dense<0.000000e+00> : vector<2048x48xf32>
    %dot_general3A_32 = tpu.matmul %max3A_27, %get3A_30, %dot_general3A_31 {dimension_numbers = #tpu.dot_dimension_numbers<[1], [0], [0], [1], [0, 0, 1, 1], [], []>, precision = #tpu.contract_precision<fp32>, transpose_lhs_hint = false} : vector<2048x256xf32>, vector<256x48xf32>, vector<2048x48xf32> -> vector<2048x48xf32>
    %get3A_33 = arith.constant 0 : index
    %get3A_34 = arith.constant 0 : index
    %get3A_35 = vector.load %arg3[%get3A_33, %get3A_34] : memref<2048x1xf32, #tpu.memory_space<vmem>>, vector<2048x1xf32>
    %mul3A_36 = vector.broadcast %get3A_35 : vector<2048x1xf32> to vector<2048x48xf32>
    %mul3A_37 = arith.mulf %dot_general3A_32, %mul3A_36 : vector<2048x48xf32>
    %swap3A = arith.constant 0 : index
    %swap3A_38 = arith.constant 0 : index
    %swap3A_39 = vector.load %arg7[%swap3A, %swap3A_38] : memref<2048x48xf32, #tpu.memory_space<vmem>>, vector<2048x48xf32>
    tpu.vector_store %arg7[%swap3A, %swap3A_38], %mul3A_37 {strides = array<i32>} : memref<2048x48xf32, #tpu.memory_space<vmem>>, vector<2048x48xf32>,
    return
  }
  func.func @transform_0(%arg0: i32) -> (i32, i32, i32) {
    %c0_i32 = arith.constant 0 : i32
    %c0_i32_0 = arith.constant 0 : i32
    %c0_i32_1 = arith.constant 0 : i32
    return %c0_i32, %arg0, %c0_i32_0 : i32, i32, i32
  }
  func.func @transform_1(%arg0: i32) -> (i32, i32) {
    %c0_i32 = arith.constant 0 : i32
    %c0_i32_0 = arith.constant 0 : i32
    return %arg0, %c0_i32 : i32, i32
  }
  func.func @transform_2(%arg0: i32) -> (i32, i32) {
    %c0_i32 = arith.constant 0 : i32
    %c0_i32_0 = arith.constant 0 : i32
    return %arg0, %c0_i32 : i32, i32
  }
  func.func @transform_3(%arg0: i32) -> (i32, i32) {
    %c0_i32 = arith.constant 0 : i32
    %c0_i32_0 = arith.constant 0 : i32
    %c0_i32_1 = arith.constant 0 : i32
    return %c0_i32, %c0_i32_0 : i32, i32
  }
  func.func @transform_4(%arg0: i32) -> (i32, i32) {
    %c0_i32 = arith.constant 0 : i32
    %c0_i32_0 = arith.constant 0 : i32
    %c0_i32_1 = arith.constant 0 : i32
    return %c0_i32, %c0_i32_0 : i32, i32
  }
  func.func @transform_5(%arg0: i32) -> (i32, i32) {
    %c0_i32 = arith.constant 0 : i32
    %c0_i32_0 = arith.constant 0 : i32
    %c0_i32_1 = arith.constant 0 : i32
    return %c0_i32, %c0_i32_0 : i32, i32
  }
  func.func @transform_6(%arg0: i32) -> (i32, i32) {
    %c0_i32 = arith.constant 0 : i32
    %c0_i32_0 = arith.constant 0 : i32
    return %arg0, %c0_i32 : i32, i32
  }
}

module attributes {stable_mosaic.version = 14 : i64} {
  func.func @_out_body(%arg0: i32, %arg1: memref<2x2048x48xf32, #tpu.memory_space<vmem>>, %arg2: memref<2048x48xf32, #tpu.memory_space<vmem>>, %arg3: memref<2048x1xf32, #tpu.memory_space<vmem>>, %arg4: memref<1x40xf32, #tpu.memory_space<vmem>>, %arg5: memref<2048x40xf32, #tpu.memory_space<vmem>>) attributes {dimension_semantics = [#tpu.dimension_semantics<arbitrary>], iteration_bounds = array<i64: 5>, scalar_prefetch = 0 : i64, scratch_operands = 0 : i64, tpu.core_type = #tpu.core_type<tc>, window_params = [{transform_indices = @transform_0, window_bounds = array<i64: 2, 2048, 48>}, {transform_indices = @transform_1, window_bounds = array<i64: 2048, 48>}, {transform_indices = @transform_2, window_bounds = array<i64: 2048, 1>}, {pipeline_mode = #tpu.pipeline_mode<synchronous>, transform_indices = @transform_3, window_bounds = array<i64: 1, 40>}, {transform_indices = @transform_4, window_bounds = array<i64: 2048, 40>}]} {
    %get3A = arith.constant 0 : index
    %get3A_0 = arith.constant 0 : index
    %get3A_1 = arith.constant 0 : index
    %get3A_2 = vector.load %arg1[%get3A, %get3A_0, %get3A_1] : memref<2x2048x48xf32, #tpu.memory_space<vmem>>, vector<1x2048x48xf32>
    %get3A_3 = vector.shape_cast %get3A_2 : vector<1x2048x48xf32> to vector<2048x48xf32>
    %get3A_4 = arith.constant 1 : index
    %get3A_5 = arith.constant 0 : index
    %get3A_6 = arith.constant 0 : index
    %get3A_7 = vector.load %arg1[%get3A_4, %get3A_5, %get3A_6] : memref<2x2048x48xf32, #tpu.memory_space<vmem>>, vector<1x2048x48xf32>
    %get3A_8 = vector.shape_cast %get3A_7 : vector<1x2048x48xf32> to vector<2048x48xf32>
    %add3A = arith.addf %get3A_3, %get3A_8 : vector<2048x48xf32>
    %get3A_9 = arith.constant 0 : index
    %get3A_10 = arith.constant 0 : index
    %get3A_11 = vector.load %arg2[%get3A_9, %get3A_10] : memref<2048x48xf32, #tpu.memory_space<vmem>>, vector<2048x48xf32>
    %add3A_12 = arith.addf %add3A, %get3A_11 : vector<2048x48xf32>
    %get3A_13 = arith.constant 0 : index
    %get3A_14 = arith.constant 0 : index
    %get3A_15 = vector.load %arg3[%get3A_13, %get3A_14] : memref<2048x1xf32, #tpu.memory_space<vmem>>, vector<2048x1xf32>
    %mul3A = vector.broadcast %get3A_15 : vector<2048x1xf32> to vector<2048x48xf32>
    %mul3A_16 = arith.mulf %add3A_12, %mul3A : vector<2048x48xf32>
    %slice3A = vector.extract_strided_slice %mul3A_16 {offsets = [0, 0], sizes = [2048, 40], strides = [1, 1]} : vector<2048x48xf32> to vector<2048x40xf32>
    %get3A_17 = arith.constant 0 : index
    %get3A_18 = arith.constant 0 : index
    %get3A_19 = vector.load %arg4[%get3A_17, %get3A_18] : memref<1x40xf32, #tpu.memory_space<vmem>>, vector<1x40xf32>
    %add3A_20 = vector.broadcast %get3A_19 : vector<1x40xf32> to vector<2048x40xf32>
    %add3A_21 = arith.addf %slice3A, %add3A_20 : vector<2048x40xf32>
    %reduce_max3A = arith.constant dense<0xFF800000> : vector<2048xf32>
    %reduce_max3A_22 = vector.multi_reduction <maximumf>, %add3A_21, %reduce_max3A [1] : vector<2048x40xf32> to vector<2048xf32>
    %broadcast_in_dim3A = vector.shape_cast %reduce_max3A_22 : vector<2048xf32> to vector<2048x1xf32>
    %sub3A = vector.broadcast %broadcast_in_dim3A : vector<2048x1xf32> to vector<2048x40xf32>
    %sub3A_23 = arith.subf %add3A_21, %sub3A : vector<2048x40xf32>
    %exp3A = math.exp %sub3A_23 : vector<2048x40xf32>
    %reduce_sum3A = arith.constant dense<0.000000e+00> : vector<2048xf32>
    %reduce_sum3A_24 = vector.multi_reduction <add>, %exp3A, %reduce_sum3A [1] : vector<2048x40xf32> to vector<2048xf32>
    %broadcast_in_dim3A_25 = vector.shape_cast %reduce_sum3A_24 : vector<2048xf32> to vector<2048x1xf32>
    %log3A = math.log %broadcast_in_dim3A_25 : vector<2048x1xf32>
    %sub3A_26 = vector.broadcast %log3A : vector<2048x1xf32> to vector<2048x40xf32>
    %sub3A_27 = arith.subf %sub3A_23, %sub3A_26 : vector<2048x40xf32>
    %swap3A = arith.constant 0 : index
    %swap3A_28 = arith.constant 0 : index
    %swap3A_29 = vector.load %arg5[%swap3A, %swap3A_28] : memref<2048x40xf32, #tpu.memory_space<vmem>>, vector<2048x40xf32>
    tpu.vector_store %arg5[%swap3A, %swap3A_28], %sub3A_27 {strides = array<i32>} : memref<2048x40xf32, #tpu.memory_space<vmem>>, vector<2048x40xf32>,
    return
  }
  func.func @transform_0(%arg0: i32) -> (i32, i32, i32) {
    %c0_i32 = arith.constant 0 : i32
    %c0_i32_0 = arith.constant 0 : i32
    %c0_i32_1 = arith.constant 0 : i32
    return %c0_i32, %arg0, %c0_i32_0 : i32, i32, i32
  }
  func.func @transform_1(%arg0: i32) -> (i32, i32) {
    %c0_i32 = arith.constant 0 : i32
    %c0_i32_0 = arith.constant 0 : i32
    return %arg0, %c0_i32 : i32, i32
  }
  func.func @transform_2(%arg0: i32) -> (i32, i32) {
    %c0_i32 = arith.constant 0 : i32
    %c0_i32_0 = arith.constant 0 : i32
    return %arg0, %c0_i32 : i32, i32
  }
  func.func @transform_3(%arg0: i32) -> (i32, i32) {
    %c0_i32 = arith.constant 0 : i32
    %c0_i32_0 = arith.constant 0 : i32
    %c0_i32_1 = arith.constant 0 : i32
    return %c0_i32, %c0_i32_0 : i32, i32
  }
  func.func @transform_4(%arg0: i32) -> (i32, i32) {
    %c0_i32 = arith.constant 0 : i32
    %c0_i32_0 = arith.constant 0 : i32
    return %arg0, %c0_i32 : i32, i32
  }
}

</mosaic_0001>

<sc_bundles>
// kernel: kernel.11.cloned.1.call-start
scs
__scs_entry_jumppad:
0x0: {  	(pc) =	sbr.rel $0x88, $3  }
0x1: {  	(tag) =	ssettag $0x0;
	lr =	simm.s32 $0x1  }
0x2: {  	[smem:$0x3F9B] =	sst lr;
	_ =	strace $0xD0000000  }
0x3: {  	_ = 	snop  }
0x4: {  	_ = 	snop  }
0x5: {  	_ = 	snop  }
0x6: {  	_ = 	snop  }
0x7: {  	_ = 	snop  }
__scs_overlays_trampoline_lowered:
0x8: {  	[smem:$0x3FAA] =	sst s0  }
0x9: {  	[smem:$0x3FAB] =	sst s1  }
0xa: {  	[smem:$0x3FAC] =	sst s2  }
0xb: {  	[smem:$0x3FAD] =	sst s3  }
0xc: {  	[smem:$0x3FAE] =	sst s4  }
0xd: {  	[smem:$0x3FAF] =	sst s5  }
0xe: {  	[smem:$0x3FB0] =	sst s6  }
0xf: {  	[smem:$0x3FB1] =	sst s7  }
0x10: {  	[smem:$0x3FB2] =	sst s8  }
0x11: {  	[smem:$0x3FB3] =	sst s9;
	s0 =	simm.s32 @!p0 $0x0  }
0x12: {  	s1 =	sld [smem:$0x3F99];
	s0 =	simm.s32 @p0 $0x1  }
0x13: {  	[smem:$0x3FB4] =	sst s0;
	s0 =	simm.s32 @!p1 $0x0  }
0x14: {  	s2 =	sld [smem:$0x3F98];
	s0 =	simm.s32 @p1 $0x1  }
0x15: {  	[smem:$0x3FB5] =	sst s0;
	s0 =	simm.s32 @!p2 $0x0  }
0x16: {  	s3 =	sld [smem:$0x3FDB];
	s0 =	simm.s32 @p2 $0x1  }
0x17: {  	s4 =	simm.s32 $0x1BF5;
	[smem:$0x3FB7] =	sst s0  }
0x18: {  	s0 =	sld [smem:$0x3F9A];
	_ =	swait.ge [sflag:s4], $0x0  }
0x19: {  	s7 =	sld [smem:$0x3F9B]  }
0x1a: {  	s8 =	sadd.s32 $0xFFFFE003, lr  }
0x1b: {  	s9 =	sadd.s32 $0xFFFFFEF7, lr;
	s5 =	simm.s32 $0xFFFFFFFF;
	p2 =	slt.u32 s8, $0xFFFFF086  }
0x1c: {  	p1 =	slt.u32 s9, $0xF7A;
	s5 =	simm.s32 @!p2 $0x0  }
0x1d: {  	s5 =	simm.s32 @p1 $0x1;
	p0 =	seq.s32 s7, s2  }
0x1e: {  	s7 =	smul.u32 @!p0 $0xF7A, s2;
	p2 =	seq.s32 @!p0 s5, $0x0  }
0x1f: {  	s9 =	smul.u32 $0xF7A, s1;
	s8 =	simm.s32 @!p0 $0x1BF5;
	p2 =	por !p2, p0  }
0x20: {  	[sflag:s8] =	ssyncset.s32 @!p0 $0xFFFFF086;
	s6 =	sadd.s32 @!p0 s3, s7;
	s7 =	simm.s32 @!p0 $0x108  }
0x21: {  	s3 =	sadd.s32 s3, s9;
	s6 =	sadd.s32 @!p0 $0x88, s6;
	s7 =	simm.s32 @p2 $0x1082  }
0x22: {  	[simem:s7], [sflag:s8] =	dma.local @!p0 [hbm:s6], $0xF7A  }
0x23: {  	s9 =	sor.u32 $0xD0000000, s2;
	s6 =	simm.s32 $0x108;
	_ =	swait.ge @!p0 [sflag:s8], $0x0  }
0x24: {  	s3 =	sadd.s32 $0x88, s3;
	s6 =	simm.s32 @!p1 $0x1082;
	[sflag:s4] =	ssyncset.s32 $0xFFFFF086  }
0x25: {  	[simem:s6], [sflag:s4] =	dma.local [hbm:s3], $0xF7A  }
0x26: {  	[smem:$0x3F9B] =	sst s1;
	(tag) =	ssettag s2;
	_ =	strace s9  }
0x27: {  	s1 =	sld [smem:$0x3FAB]  }
0x28: {  	s2 =	sld [smem:$0x3FAC]  }
0x29: {  	s4 =	sld [smem:$0x3FAE]  }
0x2a: {  	p0 =	seq.s32 s5, $0x0;
	s5 =	sld [smem:$0x3FAF]  }
0x2b: {  	s6 =	sld [smem:$0x3FB0]  }
0x2c: {  	s7 =	sld [smem:$0x3FB1]  }
0x2d: {  	s3 =	simm.s32 $0x108;
	s8 =	sld [smem:$0x3FB2]  }
0x2e: {  	s3 =	simm.s32 @!p0 $0x1082;
	s9 =	sld [smem:$0x3FB3]  }
0x2f: {  	lr =	sadd.s32 s0, s3;
	s0 =	sld [smem:$0x3FAA]  }
0x30: {  	s3 =	sld [smem:$0x3FAD]  }
0x31: {  	[smem:$0x3FB6] =	sst s10  }
0x32: {  	s10 =	sld [smem:$0x3FB4];
	_ =	sdelay $0x3  }
0x33: {  	p0 =	seq.s32 s10, $0x1;
	s10 =	sld [smem:$0x3FB6];
	_ =	sdelay $0x3  }
0x34: {  	[smem:$0x3FB6] =	sst s10  }
0x35: {  	s10 =	sld [smem:$0x3FB5];
	_ =	sdelay $0x3  }
0x36: {  	p1 =	seq.s32 s10, $0x1;
	s10 =	sld [smem:$0x3FB6];
	_ =	sdelay $0x3  }
0x37: {  	[smem:$0x3FB6] =	sst s10  }
0x38: {  	s10 =	sld [smem:$0x3FB7]  }
0x39: {  	_ = 	snop;
	(pc) =	sbr.ind lr, $3  }
0x3a: {  	_ = 	snop  }
0x3b: {  	_ = 	snop  }
0x3c: {  	p2 =	seq.s32 s10, $0x1;
	s10 =	sld [smem:$0x3FB6]  }
0x3d: {  	_ =	shalt  }
0x3e: {  	_ =	shalt  }
0x3f: {  	_ =	shalt  }
0x40: {  	_ =	shalt  }
0x41: {  	_ =	shalt  }
0x42: {  	_ =	shalt  }
0x43: {  	_ =	shalt  }
0x44: {  	_ =	shalt  }
0x45: {  	_ =	shalt  }
0x46: {  	_ =	shalt  }
0x47: {  	_ =	shalt  }
0x48: {  	_ =	shalt  }
0x49: {  	_ =	shalt  }
0x4a: {  	_ =	shalt  }
0x4b: {  	_ =	shalt  }
0x4c: {  	_ =	shalt  }
0x4d: {  	_ =	shalt  }
0x4e: {  	_ =	shalt  }
0x4f: {  	_ =	shalt  }
0x50: {  	_ =	shalt  }
0x51: {  	_ =	shalt  }
0x52: {  	_ =	shalt  }
0x53: {  	_ =	shalt  }
0x54: {  	_ =	shalt  }
0x55: {  	_ =	shalt  }
0x56: {  	_ =	shalt  }
0x57: {  	_ =	shalt  }
0x58: {  	_ =	shalt  }
0x59: {  	_ =	shalt  }
0x5a: {  	_ =	shalt  }
0x5b: {  	_ =	shalt  }
0x5c: {  	_ =	shalt  }
0x5d: {  	_ =	shalt  }
0x5e: {  	_ =	shalt  }
0x5f: {  	_ =	shalt  }
0x60: {  	_ =	shalt  }
0x61: {  	_ =	shalt  }
0x62: {  	_ =	shalt  }
0x63: {  	_ =	shalt  }
0x64: {  	_ =	shalt  }
0x65: {  	_ =	shalt  }
0x66: {  	_ =	shalt  }
0x67: {  	_ =	shalt  }
0x68: {  	_ =	shalt  }
0x69: {  	_ =	shalt  }
0x6a: {  	_ =	shalt  }
0x6b: {  	_ =	shalt  }
0x6c: {  	_ =	shalt  }
0x6d: {  	_ =	shalt  }
0x6e: {  	_ =	shalt  }
0x6f: {  	_ =	shalt  }
0x70: {  	_ =	shalt  }
0x71: {  	_ =	shalt  }
0x72: {  	_ =	shalt  }
0x73: {  	_ =	shalt  }
0x74: {  	_ =	shalt  }
0x75: {  	_ =	shalt  }
0x76: {  	_ =	shalt  }
0x77: {  	_ =	shalt  }
0x78: {  	_ =	shalt  }
0x79: {  	_ =	shalt  }
0x7a: {  	_ =	shalt  }
0x7b: {  	_ =	shalt  }
0x7c: {  	_ =	shalt  }
0x7d: {  	_ =	shalt  }
0x7e: {  	_ =	shalt  }
0x7f: {  	_ =	shalt  }
0x80: {  	_ =	shalt  }
0x81: {  	_ =	shalt  }
0x82: {  	_ =	shalt  }
0x83: {  	_ =	shalt  }
0x84: {  	_ =	shalt  }
0x85: {  	_ =	shalt  }
0x86: {  	_ =	shalt  }
0x87: {  	_ =	shalt  }
.Lfunc_end0:
.L_simem_size_0:
called_computation.1_lowered:
.L_overlay_start_0:
0x88: {  	s2 =	sld [smem:$0x3FD9]  }
0x89: {  	s3 =	sld [smem:$0x3FFE];
	_ =	sdelay $0x1  }
0x8a: {  	s1 =	srdreg.scid  }
0x8b: {  	s0 =	sand.u32 $0x1, s1  }
0x8c: {  	s17 =	sshll.u32 s0, $0xA;
	s2 =	sadd.s32 s3, s2  }
0x8d: {  	s2 =	sadd.s32 s2, s17  }
0x8e: {  	[smem:$0x3FC2] =	sst s2  }
0x8f: {  	_ = 	snop  }
0x90: {  	s2 =	sld [smem:$0x3FD0];
	(tm) =	ssettm $0x1  }
0x91: {  	s18 =	sld [smem:$0x3FFB];
	_ =	sdelay $0x3  }
0x92: {  	_ =	strace s18  }
0x93: {  	s3 =	sld [smem:$0x3FFC];
	_ =	sdelay $0x3  }
0x94: {  	_ =	strace s3  }
0x95: {  	s3 =	sld [smem:$0x3FFD];
	_ =	sdelay $0x3  }
0x96: {  	_ =	strace s3  }
0x97: {  	_ =	strace $0x8FFFFFFF  }
0x98: {  	s19 =	sld [smem:$0x3FDB];
	_ =	sdelay $0x1  }
0x99: {  	s4 =	simm.s32 $_scs_section_size  }
0x9a: {  	s5 =	simm.s32 $_size__tile_overlayer_lowered;
	s6 =	simm.s32 $_tile_overlayer_lowered  }
0x9b: {  	s22 =	simm.s32 $0x1BFF;
	s21 =	sshll.u32 s6, $0x1;
	s3 =	sadd.s32 s4, s19  }
0x9c: {  	s7 =	simm.s32 $0x0;
	s20 =	sshll.u32 s5, $0x1;
	s5 =	sadd.s32 s21, s3  }
0x9d: {  	[timem:s7], [sflag:s22] =	dma.local [hbm:s5], s20  }
0x9e: {  	_ =	swait.ge [sflag:s22], s20  }
0x9f: {  	s4 =	ssub.s32 $0x0, s20;
	[sflag:s22] =	ssyncset.done $0x0  }
0xa0: {  	[sflag:s22] =	ssyncadd.s32 s4;
	_ =	sdelay $0x1  }
0xa1: {  	s23 =	simm.s32 $0x1B8B  }
0xa2: {  	_ =	swait.ge [sflag:s23], $0x1  }
0xa3: {  	[sflag:s23] =	ssyncset.done $0x0  }
0xa4: {  	s25 =	simm.s32 $0x1B8E;
	s24 =	sld [smem:$0x3FFE];
	[sflag:s23] =	ssyncadd.s32 $0xFFFFFFFF  }
0xa5: {  	s26 =	simm.s32 $execute0_lowered;
	[smem:$0x3FD2] =	sst s25  }
0xa6: {  	s5 =	sshll.u32 s26, $0x1;
	_ =	strace $0x80000049;
	[dreg:$0x1] =	wrdreg $0xFFFFFFFF  }
0xa7: {  	s28 =	simm.s32 $_size_execute0_lowered;
	s3 =	sadd.s32 s3, s5;
	[dreg:$0x0] =	wrdreg $0x0  }
0xa8: {  	s5 =	sshll.u32 s28, $0x1;
	[dreg:$0x2] =	wrdreg s3  }
0xa9: {  	[dreg:$0x3] =	wrdreg s5  }
0xaa: {  	[dreg:$0x4] =	wrdreg $0xC0  }
0xab: {  	_ =	task [dreg:s7], $0x5FFFF  }
0xac: {  	[dreg:$0x1] =	wrdreg $0xFFFFFFFF  }
0xad: {  	[dreg:$0x0] =	wrdreg $0x60  }
0xae: {  	[dreg:$0x2] =	wrdreg s24  }
0xaf: {  	[dreg:$0x3] =	wrdreg s2  }
0xb0: {  	[dreg:$0x4] =	wrdreg $0xB8800  }
0xb1: {  	[dreg:$0x5] =	wrdreg $0x9  }
0xb2: {  	_ =	task.clear_ibuf [dreg:s7], $0x6FFFF;
	_ =	strace $0x90000049  }
0xb3: {  	s29 =	simm.s32 $0x9;
	_ =	strace $0x8000004B  }
0xb4: {  	_ =	swait.ge [sflag:s29], $0x1  }
0xb5: {  	[sflag:s29] =	ssyncadd.s32 $0xFFFFFFFF  }
0xb6: {  	_ =	strace $0x9000004B  }
0xb7: {  	_ =	sfence  }
0xb8: {  	s30 =	sld [smem:$0x0];
	_ =	sdelay $0x2  }
0xb9: {  	s31 =	sshll.u32 s1, $0xD;
	s1 =	sshrl.u32 s1, $0x2  }
0xba: {  	s3 =	sand.u32 $0x4000, s31;
	s1 =	sadd.s32 s1, s30  }
0xbb: {  	s0 =	sor.u32 s3, s0;
	s1 =	sshll.u32 s1, $0x11  }
0xbc: {  	s0 =	sor.u32 s1, s0  }
0xbd: {  	s0 =	sadd.s32 $0x8F2B, s0  }
0xbe: {  	[sflag:s0] =	ssyncadd.remote.s32 $0x1  }
0xbf: {  	_ =	sfence.sel $0xFFFF  }
0xc0: {  	[dreg:$0x0] =	wrdreg $0xFFFFFFFF;
	(pc) =	sbr.abs _section_cstart, $3  }
0xc1: {  	[dreg:$0x1] =	wrdreg $0xFFFFFFFF  }
0xc2: {  	_ =	task.clear_ibuf [dreg:s7], $0x2FFFF;
	_ =	strace $0x9FFFFFFF  }
0xc3: {  	(tm) =	ssettm $0x7FFFFFFF  }
tec
execute0_lowered:
.L_overlay_start_1:
0x0: {  	(tag) =	ssettag $0x1  }
0x1: {  	s5 =	rddreg [dreg:$0x0]  }
0x2: {  	s10 =	rddreg [dreg:$0x1]  }
0x3: {  	s1 =	rddreg [dreg:$0x2];
	s2 =	srdreg.scid  }
0x4: {  	s0 =	rddreg [dreg:$0x3];
	s3 =	simm.s32 $0x0;
	s16 =	simm.s32 $0x2880  }
0x5: {  	s17 =	simm.s32 $0x5;
	s18 =	simm.s32 $0x1440;
	s19 =	simm.s32 $0x90  }
0x6: {  	s20 =	simm.s32 $0x7080;
	s21 =	simm.s32 $0x1;
	s22 =	simm.s32 $0x3  }
0x7: {  	s23 =	simm.s32 $0x2;
	s24 =	simm.s32 $0x4;
	s28 =	simm.s32 $0x27F0  }
0x8: {  	s6 =	sand.u32 $0x1, s2;
	s2 =	stileid.u32;
	[smem:$0x7FF] =	sst s3  }
0x9: {  	s4 =	sadd.s32 $0x16200, s5;
	s9 =	sadd.s32 $0xC000, s5;
	s7 =	smul.u32 $0x140000, s6  }
0xa: {  	s12 =	smul.u32 $0x14000, s2;
	_ =	strace $0x8000004A;
	s8 =	sshll.u32 s6, $0x4  }
0xb: {  	s11 =	smul.u32 $0x50000, s2;
	s26 =	ssub.s32 $0x2, s6;
	s8 =	sor.u32 s2, s8  }
0xc: {  	s30 =	sshrl.u32 s26, $0x1;
	s7 =	sadd.s32 s12, s7;
	s29 =	smul.u32 $0x2880, s8  }
0xd: {  	s11 =	sshrl.u32 s11, $0x2;
	s8 =	smul.u32 $0x510, s8;
	s14 =	ssub.s32 s26, s30  }
0xe: {  	s25 =	sadd.s32 s12, s1;
	s26 =	simm.s32 $0x2760;
	s7 =	sshrl.u32 s7, $0x3  }
0xf: {  	s12 =	smax.u32 s14, $0x1;
	s25 =	sshrl.u32 s25, $0x3;
	s13 =	sadd.s32 s7, s5  }
0x10: {  	s5 =	sadd.s32 s11, s1;
	s31 =	sshrl.u32 s29, $0x3;
	s7 =	sadd.s32 s9, s8  }
0x11: {  	s8 =	sadd.s32 s10, s8;
	s6 =	sadd.s32 $0x12000, s5;
	s11 =	sadd.s32 $0x288, s31  }
0x12: {  	s14 =	sadd.s32 $0x9000, s5;
	s15 =	sadd.s32 $0xD800, s5;
	s9 =	sadd.s32 s9, s11  }
0x13: {  	v0 =	vimm.f32 $0.0e+00;
	s10 =	sadd.s32 s10, s11;
	s11 =	sadd.s32 $0x3E200, s13;
	s13 =	sadd.s32 $0x4800, s5  }
.LBB2_1:
0x14: {  	s29 =	simm.s32 $0x70;
	s30 =	simm.s32 $0x3C0  }
.LBB2_2:
0x15: {  	p0 =	sne.s32 s30, $0x11FC0;
	[tilespmem:s29+$0x2880] =	vst v0  }
0x16: {  	[tilespmem:s29+$0x2810] =	vst v0  }
0x17: {  	[tilespmem:s29+$0x2820] =	vst v0  }
.Ltmp0:
0x18: {  	[tilespmem:s29+$0x2830] =	vst v0;
	(pc) =	sbr.rel @p0 .LBB2_2-.Ltmp0, $4  }
0x19: {  	[tilespmem:s29+$0x2840] =	vst v0  }
0x1a: {  	[tilespmem:s29+$0x2850] =	vst v0  }
0x1b: {  	[tilespmem:s29+$0x2860] =	vst v0  }
0x1c: {  	[tilespmem:s29+$0x2870] =	vst v0;
	s29 =	sshra.s32 s30, $0x2;
	s30 =	sadd.s32 $0x200, s30  }
0x1d: {  	[tilespmem:s29+$0x2880] =	vst v0  }
0x1e: {  	[tilespmem:s29+$0x2810] =	vst v0  }
0x1f: {  	[tilespmem:s29+$0x2820] =	vst v0  }
0x20: {  	[tilespmem:s29+$0x2830] =	vst v0  }
0x21: {  	[tilespmem:s29+$0x2840] =	vst v0  }
0x22: {  	[tilespmem:s29+$0x2850] =	vst v0  }
0x23: {  	[tilespmem:s29+$0x2860] =	vst v0  }
0x24: {  	[tilespmem:s29+$0x2870] =	vst v0  }
0x25: {  	[spmem:s5] =	stream.linear.scatter [tilespmem:s16], [sflag:$0x5], $0x4800, $0x38;
	[tilespmem:$0x1F880] =	vst v63  }
0x26: {  	_ =	swait.ge [sflag:s17], $0x4800  }
0x27: {  	[sflag:s17] =	ssyncset.done $0x0  }
0x28: {  	[sflag:s17] =	ssyncadd.s32 $0xFFFFB800  }
0x29: {  	[spmem:s13] =	stream.linear.scatter [tilespmem:s16], [sflag:$0x5], $0x4800, $0x38;
	[tilespmem:$0x1F880] =	vst v63  }
0x2a: {  	_ =	swait.ge [sflag:s17], $0x4800  }
0x2b: {  	[sflag:s17] =	ssyncset.done $0x0  }
0x2c: {  	[sflag:s17] =	ssyncadd.s32 $0xFFFFB800  }
0x2d: {  	[spmem:s14] =	stream.linear.scatter [tilespmem:s16], [sflag:$0x5], $0x4800, $0x38;
	[tilespmem:$0x1F880] =	vst v63  }
0x2e: {  	_ =	swait.ge [sflag:s17], $0x4800  }
0x2f: {  	[sflag:s17] =	ssyncset.done $0x0  }
0x30: {  	[sflag:s17] =	ssyncadd.s32 $0xFFFFB800  }
0x31: {  	[spmem:s15] =	stream.linear.scatter [tilespmem:s16], [sflag:$0x5], $0x4800, $0x38;
	[tilespmem:$0x1F880] =	vst v63  }
0x32: {  	_ =	swait.ge [sflag:s17], $0x4800  }
0x33: {  	[sflag:s17] =	ssyncset.done $0x0  }
0x34: {  	[sflag:s17] =	ssyncadd.s32 $0xFFFFB800  }
0x35: {  	[spmem:s6] =	stream.linear.scatter [tilespmem:s16], [sflag:$0x5], $0x2000, $0x38;
	[tilespmem:$0x1F880] =	vst v63  }
0x36: {  	_ =	swait.ge [sflag:s17], $0x2000  }
0x37: {  	[sflag:s17] =	ssyncset.done $0x0  }
0x38: {  	[sflag:s17] =	ssyncadd.s32 $0xFFFFE000  }
0x39: {  	s29 =	simm.s32 $0x0;
	[bflag:$0x0] =	sbarrier.arrive $0xFFFF  }
0x3a: {  	[tilespmem:s29], [sflag:$0x5] =	stream.linear.gather [hbm4b:s7+s29], $0x1440, $0x38;
	[tilespmem:$0x1F880] =	vst v63  }
0x3b: {  	_ =	swait.ge [sflag:s17], $0x1440  }
0x3c: {  	[sflag:s17] =	ssyncset.done $0x0  }
0x3d: {  	[sflag:s17] =	ssyncadd.s32 $0xFFFFEBC0  }
0x3e: {  	[tilespmem:s18], [sflag:$0x5] =	stream.linear.gather [hbm4b:s8+s29], $0x1440, $0x38;
	[tilespmem:$0x1F880] =	vst v63  }
0x3f: {  	_ =	swait.ge [sflag:s17], $0x1440  }
0x40: {  	[sflag:s17] =	ssyncset.done $0x0  }
0x41: {  	[sflag:s17] =	ssyncadd.s32 $0xFFFFEBC0  }
0x42: {  	[tilespmem:s16], [sflag:$0x1] =	stream.indirect.gather [hbm4b:s4+s19], $0x80, s29, s19, $0xb8;
	[tilespmem:$0x1F880] =	vst v63  }
0x43: {  	_ = 	snop  }
0x44: {  	[tilespmem:s20], [sflag:$0x2] =	stream.indirect.gather [hbm4b:s4+s19], $0x80, s19, s19, $0xb8;
	[tilespmem:$0x1F880] =	vst v63  }
0x45: {  	_ =	swait.ge [sflag:s21], $0x4800  }
0x46: {  	[sflag:s21] =	ssyncset.done $0x0  }
0x47: {  	s29 =	simm.s32 $0x1440;
	[sflag:s21] =	ssyncadd.s32 $0xFFFFB800  }
0x48: {  	[spmem:s1] =	stream.indirect.scatter.add.f32 [tilespmem:s16], [sflag:$0x3], $0x80, s29, s19, $0xb8;
	[tilespmem:$0x1F880] =	vst v63  }
0x49: {  	_ =	swait.ge [sflag:s22], $0x4800  }
0x4a: {  	[sflag:s22] =	ssyncset.done $0x0  }
0x4b: {  	s29 =	simm.s32 $0x120;
	[sflag:s22] =	ssyncadd.s32 $0xFFFFB800  }
0x4c: {  	[tilespmem:s16], [sflag:$0x1] =	stream.indirect.gather [hbm4b:s4+s19], $0x80, s29, s19, $0xb8;
	[tilespmem:$0x1F880] =	vst v63  }
0x4d: {  	_ =	swait.ge [sflag:s23], $0x4800  }
0x4e: {  	[sflag:s23] =	ssyncset.done $0x0  }
0x4f: {  	s29 =	simm.s32 $0x14D0;
	[sflag:s23] =	ssyncadd.s32 $0xFFFFB800  }
0x50: {  	[spmem:s1] =	stream.indirect.scatter.add.f32 [tilespmem:s20], [sflag:$0x4], $0x80, s29, s19, $0xb8;
	[tilespmem:$0x1F880] =	vst v63  }
0x51: {  	_ =	swait.ge [sflag:s24], $0x4800  }
0x52: {  	[sflag:s24] =	ssyncset.done $0x0  }
0x53: {  	s30 =	simm.s32 $0x1B0;
	s29 =	simm.s32 $0x480;
	[sflag:s24] =	ssyncadd.s32 $0xFFFFB800  }
.LBB2_4:
0x54: {  	[tilespmem:s20], [sflag:$0x2] =	stream.indirect.gather [hbm4b:s4+s19], $0x80, s30, s19, $0xb8;
	[tilespmem:$0x1F880] =	vst v63  }
0x55: {  	s30 =	smov.u32 s29  }
0x56: {  	p0 =	sne.s32 s29, $0x4800;
	s29 =	sadd.s32 $0x480, s29;
	_ =	swait.ge [sflag:s21], $0x4800  }
0x57: {  	s30 =	sshra.s32 s30, $0x2;
	[sflag:s21] =	ssyncset.done $0x0  }
0x58: {  	s31 =	sadd.s32 $0x1440, s30;
	[sflag:s21] =	ssyncadd.s32 $0xFFFFB800  }
0x59: {  	[spmem:s1] =	stream.indirect.scatter.add.f32 [tilespmem:s16], [sflag:$0x3], $0x80, s31, s19, $0xb8;
	[tilespmem:$0x1F880] =	vst v63  }
0x5a: {  	_ =	swait.ge [sflag:s22], $0x4800  }
0x5b: {  	[sflag:s22] =	ssyncset.done $0x0  }
0x5c: {  	s31 =	sadd.s32 $0x120, s30;
	[sflag:s22] =	ssyncadd.s32 $0xFFFFB800  }
0x5d: {  	[tilespmem:s16], [sflag:$0x1] =	stream.indirect.gather [hbm4b:s4+s19], $0x80, s31, s19, $0xb8;
	[tilespmem:$0x1F880] =	vst v63  }
0x5e: {  	_ =	swait.ge [sflag:s23], $0x4800  }
0x5f: {  	[sflag:s23] =	ssyncset.done $0x0  }
.Ltmp1:
0x60: {  	s31 =	sadd.s32 $0x14D0, s30;
	[sflag:s23] =	ssyncadd.s32 $0xFFFFB800;
	(pc) =	sbr.rel @p0 .LBB2_4-.Ltmp1, $4  }
0x61: {  	[spmem:s1] =	stream.indirect.scatter.add.f32 [tilespmem:s20], [sflag:$0x4], $0x80, s31, s19, $0xb8;
	[tilespmem:$0x1F880] =	vst v63  }
0x62: {  	_ =	swait.ge [sflag:s24], $0x4800  }
0x63: {  	[sflag:s24] =	ssyncset.done $0x0  }
0x64: {  	s30 =	sadd.s32 $0x1B0, s30;
	[sflag:s24] =	ssyncadd.s32 $0xFFFFB800  }
0x65: {  	[tilespmem:s20], [sflag:$0x2] =	stream.indirect.gather [hbm4b:s4+s19], $0x80, s30, s19, $0xb8;
	[tilespmem:$0x1F880] =	vst v63  }
0x66: {  	_ =	swait.ge [sflag:s21], $0x4800  }
0x67: {  	[sflag:s21] =	ssyncset.done $0x0  }
0x68: {  	[sflag:s21] =	ssyncadd.s32 $0xFFFFB800  }
0x69: {  	[spmem:s1] =	stream.indirect.scatter.add.f32 [tilespmem:s16], [sflag:$0x3], $0x80, s26, s19, $0xb8;
	[tilespmem:$0x1F880] =	vst v63  }
0x6a: {  	_ =	swait.ge [sflag:s22], $0x4800  }
0x6b: {  	[sflag:s22] =	ssyncset.done $0x0  }
0x6c: {  	[sflag:s22] =	ssyncadd.s32 $0xFFFFB800  }
0x6d: {  	_ =	swait.ge [sflag:s23], $0x4800  }
0x6e: {  	[sflag:s23] =	ssyncset.done $0x0  }
0x6f: {  	[sflag:s23] =	ssyncadd.s32 $0xFFFFB800  }
0x70: {  	[spmem:s1] =	stream.indirect.scatter.add.f32 [tilespmem:s20], [sflag:$0x4], $0x80, s28, s19, $0xb8;
	[tilespmem:$0x1F880] =	vst v63  }
0x71: {  	_ =	swait.ge [sflag:s24], $0x4800  }
0x72: {  	[sflag:s24] =	ssyncset.done $0x0  }
0x73: {  	s29 =	simm.s32 $0x0;
	[sflag:s24] =	ssyncadd.s32 $0xFFFFB800  }
0x74: {  	[tilespmem:s29], [sflag:$0x5] =	stream.linear.gather [hbm4b:s9+s29], $0x1440, $0x38;
	[tilespmem:$0x1F880] =	vst v63  }
0x75: {  	_ =	swait.ge [sflag:s17], $0x1440  }
0x76: {  	[sflag:s17] =	ssyncset.done $0x0  }
0x77: {  	[sflag:s17] =	ssyncadd.s32 $0xFFFFEBC0  }
0x78: {  	[tilespmem:s18], [sflag:$0x5] =	stream.linear.gather [hbm4b:s10+s29], $0x1440, $0x38;
	[tilespmem:$0x1F880] =	vst v63  }
0x79: {  	_ =	swait.ge [sflag:s17], $0x1440  }
0x7a: {  	[sflag:s17] =	ssyncset.done $0x0  }
0x7b: {  	[sflag:s17] =	ssyncadd.s32 $0xFFFFEBC0  }
0x7c: {  	[tilespmem:s16], [sflag:$0x1] =	stream.indirect.gather [hbm4b:s4+s19], $0x80, s29, s19, $0xb8;
	[tilespmem:$0x1F880] =	vst v63  }
0x7d: {  	_ = 	snop  }
0x7e: {  	[tilespmem:s20], [sflag:$0x2] =	stream.indirect.gather [hbm4b:s4+s19], $0x80, s19, s19, $0xb8;
	[tilespmem:$0x1F880] =	vst v63  }
0x7f: {  	_ =	swait.ge [sflag:s21], $0x4800  }
0x80: {  	[sflag:s21] =	ssyncset.done $0x0  }
0x81: {  	s29 =	simm.s32 $0x1440;
	[sflag:s21] =	ssyncadd.s32 $0xFFFFB800  }
0x82: {  	[spmem:s1] =	stream.indirect.scatter.add.f32 [tilespmem:s16], [sflag:$0x3], $0x80, s29, s19, $0xb8;
	[tilespmem:$0x1F880] =	vst v63  }
0x83: {  	_ =	swait.ge [sflag:s22], $0x4800  }
0x84: {  	[sflag:s22] =	ssyncset.done $0x0  }
0x85: {  	s29 =	simm.s32 $0x120;
	[sflag:s22] =	ssyncadd.s32 $0xFFFFB800  }
0x86: {  	[tilespmem:s16], [sflag:$0x1] =	stream.indirect.gather [hbm4b:s4+s19], $0x80, s29, s19, $0xb8;
	[tilespmem:$0x1F880] =	vst v63  }
0x87: {  	_ =	swait.ge [sflag:s23], $0x4800  }
0x88: {  	[sflag:s23] =	ssyncset.done $0x0  }
0x89: {  	s29 =	simm.s32 $0x14D0;
	[sflag:s23] =	ssyncadd.s32 $0xFFFFB800  }
0x8a: {  	[spmem:s1] =	stream.indirect.scatter.add.f32 [tilespmem:s20], [sflag:$0x4], $0x80, s29, s19, $0xb8;
	[tilespmem:$0x1F880] =	vst v63  }
0x8b: {  	_ =	swait.ge [sflag:s24], $0x4800  }
0x8c: {  	[sflag:s24] =	ssyncset.done $0x0  }
0x8d: {  	s30 =	simm.s32 $0x1B0;
	s29 =	simm.s32 $0x480;
	[sflag:s24] =	ssyncadd.s32 $0xFFFFB800  }
.LBB2_6:
0x8e: {  	[tilespmem:s20], [sflag:$0x2] =	stream.indirect.gather [hbm4b:s4+s19], $0x80, s30, s19, $0xb8;
	[tilespmem:$0x1F880] =	vst v63  }
0x8f: {  	s30 =	smov.u32 s29  }
0x90: {  	p0 =	sne.s32 s29, $0x4800;
	s29 =	sadd.s32 $0x480, s29;
	_ =	swait.ge [sflag:s21], $0x4800  }
0x91: {  	s30 =	sshra.s32 s30, $0x2;
	[sflag:s21] =	ssyncset.done $0x0  }
0x92: {  	s31 =	sadd.s32 $0x1440, s30;
	[sflag:s21] =	ssyncadd.s32 $0xFFFFB800  }
0x93: {  	[spmem:s1] =	stream.indirect.scatter.add.f32 [tilespmem:s16], [sflag:$0x3], $0x80, s31, s19, $0xb8;
	[tilespmem:$0x1F880] =	vst v63  }
0x94: {  	_ =	swait.ge [sflag:s22], $0x4800  }
0x95: {  	[sflag:s22] =	ssyncset.done $0x0  }
0x96: {  	s31 =	sadd.s32 $0x120, s30;
	[sflag:s22] =	ssyncadd.s32 $0xFFFFB800  }
0x97: {  	[tilespmem:s16], [sflag:$0x1] =	stream.indirect.gather [hbm4b:s4+s19], $0x80, s31, s19, $0xb8;
	[tilespmem:$0x1F880] =	vst v63  }
0x98: {  	_ =	swait.ge [sflag:s23], $0x4800  }
0x99: {  	[sflag:s23] =	ssyncset.done $0x0  }
.Ltmp2:
0x9a: {  	s31 =	sadd.s32 $0x14D0, s30;
	[sflag:s23] =	ssyncadd.s32 $0xFFFFB800;
	(pc) =	sbr.rel @p0 .LBB2_6-.Ltmp2, $4  }
0x9b: {  	[spmem:s1] =	stream.indirect.scatter.add.f32 [tilespmem:s20], [sflag:$0x4], $0x80, s31, s19, $0xb8;
	[tilespmem:$0x1F880] =	vst v63  }
0x9c: {  	_ =	swait.ge [sflag:s24], $0x4800  }
0x9d: {  	[sflag:s24] =	ssyncset.done $0x0  }
0x9e: {  	s30 =	sadd.s32 $0x1B0, s30;
	[sflag:s24] =	ssyncadd.s32 $0xFFFFB800  }
0x9f: {  	[tilespmem:s20], [sflag:$0x2] =	stream.indirect.gather [hbm4b:s4+s19], $0x80, s30, s19, $0xb8;
	[tilespmem:$0x1F880] =	vst v63  }
0xa0: {  	_ =	swait.ge [sflag:s21], $0x4800  }
0xa1: {  	[sflag:s21] =	ssyncset.done $0x0  }
0xa2: {  	[sflag:s21] =	ssyncadd.s32 $0xFFFFB800  }
0xa3: {  	[spmem:s1] =	stream.indirect.scatter.add.f32 [tilespmem:s16], [sflag:$0x3], $0x80, s26, s19, $0xb8;
	[tilespmem:$0x1F880] =	vst v63  }
0xa4: {  	_ =	swait.ge [sflag:s22], $0x4800  }
0xa5: {  	[sflag:s22] =	ssyncset.done $0x0  }
0xa6: {  	[sflag:s22] =	ssyncadd.s32 $0xFFFFB800  }
0xa7: {  	_ =	swait.ge [sflag:s23], $0x4800  }
0xa8: {  	[sflag:s23] =	ssyncset.done $0x0  }
0xa9: {  	[sflag:s23] =	ssyncadd.s32 $0xFFFFB800  }
0xaa: {  	[spmem:s1] =	stream.indirect.scatter.add.f32 [tilespmem:s20], [sflag:$0x4], $0x80, s28, s19, $0xb8;
	[tilespmem:$0x1F880] =	vst v63  }
0xab: {  	_ =	swait.ge [sflag:s24], $0x4800  }
0xac: {  	s3 =	sadd.s32 $0x1, s3;
	[sflag:s24] =	ssyncset.done $0x0  }
0xad: {  	s29 =	sshll.u32 s2, $0x6;
	p0 =	sne.s32 s3, s12;
	[sflag:s24] =	ssyncadd.s32 $0xFFFFB800  }
.Ltmp3:
0xae: {  	s29 =	sor.u32 $0x1C05, s29;
	[bflag:$0x0] =	sbarrier.arrive $0xFFFF;
	(pc) =	sbr.rel @p0 .LBB2_1-.Ltmp3, $4  }
0xaf: {  	[hbm:s11], [sflag:s29] =	dma.local [spmem:s25], $0x2800  }
0xb0: {  	_ =	swait.ge [sflag:s17], $0x2800  }
0xb1: {  	[sflag:s17] =	ssyncset.done $0x0  }
0xb2: {  	[sflag:s17] =	ssyncadd.s32 $0xFFFFD800  }
0xb3: {  	_ =	sfence.sel $0x180000  }
0xb4: {  	[bflag:$0x0] =	sbarrier.arrive $0xFFFF  }
0xb5: {  	p0 =	sne.s32 s2, $0x0;
	_ =	strace $0x9000004A  }
0xb6: {  	s0 =	sadd.s32 @!p0 $0x100000, s0;
	[bflag:$0x2] =	sbarrier.arrive $0xFFFF  }
0xb7: {  	[sflag:s0] =	ssyncadd.tile.s32 @!p0 $0x1;
	_ =	shalt  }
.Lfunc_end2:
_tile_overlayer_lowered:
.L_overlay_start_2:
0xb8: {  	(tag) =	ssettag $0x2  }
0xb9: {  	s0 =	rddreg [dreg:$0x0];
	s2 =	stileid.u32  }
0xba: {  	s1 =	rddreg [dreg:$0x1];
	p0 =	sne.s32 s2, $0x0  }
0xbb: {  	s3 =	rddreg [dreg:$0x2];
	[bflag:$0x3] =	sbarrier.arrive $0xFFFF;
	s2 =	simm.s32 @!p0 $0x1C05  }
0xbc: {  	[timem:s3], [sflag:s2] =	dma.local @!p0 [hbm:s0], s1  }
0xbd: {  	s0 =	simm.s32 @!p0 $0x5  }
0xbe: {  	_ =	swait.ge @!p0 [sflag:s0], s1  }
0xbf: {  	s1 =	ssub.s32 @!p0 $0x0, s1;
	[sflag:s0] =	ssyncset.done @!p0 $0x0  }
0xc0: {  	[sflag:s0] =	ssyncadd.s32 @!p0 s1  }
0xc1: {  	[bflag:$0x3] =	sbarrier.arrive $0xFFFF  }
0xc2: {  	_ =	shalt  }

// kernel: kernel.14.cloned.1.call-start
scs
__scs_entry_jumppad:
0x0: {  	(pc) =	sbr.rel $0x88, $3  }
0x1: {  	(tag) =	ssettag $0x0;
	lr =	simm.s32 $0x1  }
0x2: {  	[smem:$0x3F9B] =	sst lr;
	_ =	strace $0xD0000000  }
0x3: {  	_ = 	snop  }
0x4: {  	_ = 	snop  }
0x5: {  	_ = 	snop  }
0x6: {  	_ = 	snop  }
0x7: {  	_ = 	snop  }
__scs_overlays_trampoline_lowered:
0x8: {  	[smem:$0x3FAA] =	sst s0  }
0x9: {  	[smem:$0x3FAB] =	sst s1  }
0xa: {  	[smem:$0x3FAC] =	sst s2  }
0xb: {  	[smem:$0x3FAD] =	sst s3  }
0xc: {  	[smem:$0x3FAE] =	sst s4  }
0xd: {  	[smem:$0x3FAF] =	sst s5  }
0xe: {  	[smem:$0x3FB0] =	sst s6  }
0xf: {  	[smem:$0x3FB1] =	sst s7  }
0x10: {  	[smem:$0x3FB2] =	sst s8  }
0x11: {  	[smem:$0x3FB3] =	sst s9;
	s0 =	simm.s32 @!p0 $0x0  }
0x12: {  	s1 =	sld [smem:$0x3F99];
	s0 =	simm.s32 @p0 $0x1  }
0x13: {  	[smem:$0x3FB4] =	sst s0;
	s0 =	simm.s32 @!p1 $0x0  }
0x14: {  	s2 =	sld [smem:$0x3F98];
	s0 =	simm.s32 @p1 $0x1  }
0x15: {  	[smem:$0x3FB5] =	sst s0;
	s0 =	simm.s32 @!p2 $0x0  }
0x16: {  	s3 =	sld [smem:$0x3FDB];
	s0 =	simm.s32 @p2 $0x1  }
0x17: {  	s4 =	simm.s32 $0x1BF5;
	[smem:$0x3FB7] =	sst s0  }
0x18: {  	s0 =	sld [smem:$0x3F9A];
	_ =	swait.ge [sflag:s4], $0x0  }
0x19: {  	s7 =	sld [smem:$0x3F9B]  }
0x1a: {  	s8 =	sadd.s32 $0xFFFFE003, lr  }
0x1b: {  	s9 =	sadd.s32 $0xFFFFFEF7, lr;
	s5 =	simm.s32 $0xFFFFFFFF;
	p2 =	slt.u32 s8, $0xFFFFF086  }
0x1c: {  	p1 =	slt.u32 s9, $0xF7A;
	s5 =	simm.s32 @!p2 $0x0  }
0x1d: {  	s5 =	simm.s32 @p1 $0x1;
	p0 =	seq.s32 s7, s2  }
0x1e: {  	s7 =	smul.u32 @!p0 $0xF7A, s2;
	p2 =	seq.s32 @!p0 s5, $0x0  }
0x1f: {  	s9 =	smul.u32 $0xF7A, s1;
	s8 =	simm.s32 @!p0 $0x1BF5;
	p2 =	por !p2, p0  }
0x20: {  	[sflag:s8] =	ssyncset.s32 @!p0 $0xFFFFF086;
	s6 =	sadd.s32 @!p0 s3, s7;
	s7 =	simm.s32 @!p0 $0x108  }
0x21: {  	s3 =	sadd.s32 s3, s9;
	s6 =	sadd.s32 @!p0 $0x88, s6;
	s7 =	simm.s32 @p2 $0x1082  }
0x22: {  	[simem:s7], [sflag:s8] =	dma.local @!p0 [hbm:s6], $0xF7A  }
0x23: {  	s9 =	sor.u32 $0xD0000000, s2;
	s6 =	simm.s32 $0x108;
	_ =	swait.ge @!p0 [sflag:s8], $0x0  }
0x24: {  	s3 =	sadd.s32 $0x88, s3;
	s6 =	simm.s32 @!p1 $0x1082;
	[sflag:s4] =	ssyncset.s32 $0xFFFFF086  }
0x25: {  	[simem:s6], [sflag:s4] =	dma.local [hbm:s3], $0xF7A  }
0x26: {  	[smem:$0x3F9B] =	sst s1;
	(tag) =	ssettag s2;
	_ =	strace s9  }
0x27: {  	s1 =	sld [smem:$0x3FAB]  }
0x28: {  	s2 =	sld [smem:$0x3FAC]  }
0x29: {  	s4 =	sld [smem:$0x3FAE]  }
0x2a: {  	p0 =	seq.s32 s5, $0x0;
	s5 =	sld [smem:$0x3FAF]  }
0x2b: {  	s6 =	sld [smem:$0x3FB0]  }
0x2c: {  	s7 =	sld [smem:$0x3FB1]  }
0x2d: {  	s3 =	simm.s32 $0x108;
	s8 =	sld [smem:$0x3FB2]  }
0x2e: {  	s3 =	simm.s32 @!p0 $0x1082;
	s9 =	sld [smem:$0x3FB3]  }
0x2f: {  	lr =	sadd.s32 s0, s3;
	s0 =	sld [smem:$0x3FAA]  }
0x30: {  	s3 =	sld [smem:$0x3FAD]  }
0x31: {  	[smem:$0x3FB6] =	sst s10  }
0x32: {  	s10 =	sld [smem:$0x3FB4];
	_ =	sdelay $0x3  }
0x33: {  	p0 =	seq.s32 s10, $0x1;
	s10 =	sld [smem:$0x3FB6];
	_ =	sdelay $0x3  }
0x34: {  	[smem:$0x3FB6] =	sst s10  }
0x35: {  	s10 =	sld [smem:$0x3FB5];
	_ =	sdelay $0x3  }
0x36: {  	p1 =	seq.s32 s10, $0x1;
	s10 =	sld [smem:$0x3FB6];
	_ =	sdelay $0x3  }
0x37: {  	[smem:$0x3FB6] =	sst s10  }
0x38: {  	s10 =	sld [smem:$0x3FB7]  }
0x39: {  	_ = 	snop;
	(pc) =	sbr.ind lr, $3  }
0x3a: {  	_ = 	snop  }
0x3b: {  	_ = 	snop  }
0x3c: {  	p2 =	seq.s32 s10, $0x1;
	s10 =	sld [smem:$0x3FB6]  }
0x3d: {  	_ =	shalt  }
0x3e: {  	_ =	shalt  }
0x3f: {  	_ =	shalt  }
0x40: {  	_ =	shalt  }
0x41: {  	_ =	shalt  }
0x42: {  	_ =	shalt  }
0x43: {  	_ =	shalt  }
0x44: {  	_ =	shalt  }
0x45: {  	_ =	shalt  }
0x46: {  	_ =	shalt  }
0x47: {  	_ =	shalt  }
0x48: {  	_ =	shalt  }
0x49: {  	_ =	shalt  }
0x4a: {  	_ =	shalt  }
0x4b: {  	_ =	shalt  }
0x4c: {  	_ =	shalt  }
0x4d: {  	_ =	shalt  }
0x4e: {  	_ =	shalt  }
0x4f: {  	_ =	shalt  }
0x50: {  	_ =	shalt  }
0x51: {  	_ =	shalt  }
0x52: {  	_ =	shalt  }
0x53: {  	_ =	shalt  }
0x54: {  	_ =	shalt  }
0x55: {  	_ =	shalt  }
0x56: {  	_ =	shalt  }
0x57: {  	_ =	shalt  }
0x58: {  	_ =	shalt  }
0x59: {  	_ =	shalt  }
0x5a: {  	_ =	shalt  }
0x5b: {  	_ =	shalt  }
0x5c: {  	_ =	shalt  }
0x5d: {  	_ =	shalt  }
0x5e: {  	_ =	shalt  }
0x5f: {  	_ =	shalt  }
0x60: {  	_ =	shalt  }
0x61: {  	_ =	shalt  }
0x62: {  	_ =	shalt  }
0x63: {  	_ =	shalt  }
0x64: {  	_ =	shalt  }
0x65: {  	_ =	shalt  }
0x66: {  	_ =	shalt  }
0x67: {  	_ =	shalt  }
0x68: {  	_ =	shalt  }
0x69: {  	_ =	shalt  }
0x6a: {  	_ =	shalt  }
0x6b: {  	_ =	shalt  }
0x6c: {  	_ =	shalt  }
0x6d: {  	_ =	shalt  }
0x6e: {  	_ =	shalt  }
0x6f: {  	_ =	shalt  }
0x70: {  	_ =	shalt  }
0x71: {  	_ =	shalt  }
0x72: {  	_ =	shalt  }
0x73: {  	_ =	shalt  }
0x74: {  	_ =	shalt  }
0x75: {  	_ =	shalt  }
0x76: {  	_ =	shalt  }
0x77: {  	_ =	shalt  }
0x78: {  	_ =	shalt  }
0x79: {  	_ =	shalt  }
0x7a: {  	_ =	shalt  }
0x7b: {  	_ =	shalt  }
0x7c: {  	_ =	shalt  }
0x7d: {  	_ =	shalt  }
0x7e: {  	_ =	shalt  }
0x7f: {  	_ =	shalt  }
0x80: {  	_ =	shalt  }
0x81: {  	_ =	shalt  }
0x82: {  	_ =	shalt  }
0x83: {  	_ =	shalt  }
0x84: {  	_ =	shalt  }
0x85: {  	_ =	shalt  }
0x86: {  	_ =	shalt  }
0x87: {  	_ =	shalt  }
.Lfunc_end0:
.L_simem_size_0:
called_computation.2_lowered:
.L_overlay_start_0:
0x88: {  	s2 =	sld [smem:$0x3FD9]  }
0x89: {  	s3 =	sld [smem:$0x3FFE];
	_ =	sdelay $0x1  }
0x8a: {  	s1 =	srdreg.scid  }
0x8b: {  	s0 =	sand.u32 $0x1, s1  }
0x8c: {  	s17 =	sshll.u32 s0, $0xA;
	s2 =	sadd.s32 s3, s2  }
0x8d: {  	s2 =	sadd.s32 s2, s17  }
0x8e: {  	[smem:$0x3FC2] =	sst s2  }
0x8f: {  	_ = 	snop  }
0x90: {  	s2 =	sld [smem:$0x3FD0];
	(tm) =	ssettm $0x1  }
0x91: {  	s18 =	sld [smem:$0x3FFB];
	_ =	sdelay $0x3  }
0x92: {  	_ =	strace s18  }
0x93: {  	s3 =	sld [smem:$0x3FFC];
	_ =	sdelay $0x3  }
0x94: {  	_ =	strace s3  }
0x95: {  	s3 =	sld [smem:$0x3FFD];
	_ =	sdelay $0x3  }
0x96: {  	_ =	strace s3  }
0x97: {  	_ =	strace $0x8FFFFFFF  }
0x98: {  	s19 =	sld [smem:$0x3FDB];
	_ =	sdelay $0x1  }
0x99: {  	s4 =	simm.s32 $_scs_section_size  }
0x9a: {  	s5 =	simm.s32 $_size__tile_overlayer_lowered;
	s6 =	simm.s32 $_tile_overlayer_lowered  }
0x9b: {  	s22 =	simm.s32 $0x1BFF;
	s21 =	sshll.u32 s6, $0x1;
	s3 =	sadd.s32 s4, s19  }
0x9c: {  	s7 =	simm.s32 $0x0;
	s20 =	sshll.u32 s5, $0x1;
	s5 =	sadd.s32 s21, s3  }
0x9d: {  	[timem:s7], [sflag:s22] =	dma.local [hbm:s5], s20  }
0x9e: {  	_ =	swait.ge [sflag:s22], s20  }
0x9f: {  	s4 =	ssub.s32 $0x0, s20;
	[sflag:s22] =	ssyncset.done $0x0  }
0xa0: {  	[sflag:s22] =	ssyncadd.s32 s4;
	_ =	sdelay $0x1  }
0xa1: {  	s23 =	simm.s32 $0x1B8B  }
0xa2: {  	_ =	swait.ge [sflag:s23], $0x1  }
0xa3: {  	[sflag:s23] =	ssyncset.done $0x0  }
0xa4: {  	s25 =	simm.s32 $0x1B8E;
	s24 =	sld [smem:$0x3FFE];
	[sflag:s23] =	ssyncadd.s32 $0xFFFFFFFF  }
0xa5: {  	s26 =	simm.s32 $execute0_lowered;
	[smem:$0x3FD2] =	sst s25  }
0xa6: {  	s5 =	sshll.u32 s26, $0x1;
	_ =	strace $0x8000004C;
	[dreg:$0x1] =	wrdreg $0xFFFFFFFF  }
0xa7: {  	s28 =	simm.s32 $_size_execute0_lowered;
	s3 =	sadd.s32 s3, s5;
	[dreg:$0x0] =	wrdreg $0x0  }
0xa8: {  	s5 =	sshll.u32 s28, $0x1;
	[dreg:$0x2] =	wrdreg s3  }
0xa9: {  	[dreg:$0x3] =	wrdreg s5  }
0xaa: {  	[dreg:$0x4] =	wrdreg $0xC0  }
0xab: {  	_ =	task [dreg:s7], $0x5FFFF  }
0xac: {  	[dreg:$0x1] =	wrdreg $0xFFFFFFFF  }
0xad: {  	[dreg:$0x0] =	wrdreg $0x60  }
0xae: {  	[dreg:$0x2] =	wrdreg s24  }
0xaf: {  	[dreg:$0x3] =	wrdreg s2  }
0xb0: {  	[dreg:$0x4] =	wrdreg $0x5E800  }
0xb1: {  	[dreg:$0x5] =	wrdreg $0x9  }
0xb2: {  	_ =	task.clear_ibuf [dreg:s7], $0x6FFFF;
	_ =	strace $0x9000004C  }
0xb3: {  	s29 =	simm.s32 $0x9;
	_ =	strace $0x8000004E  }
0xb4: {  	_ =	swait.ge [sflag:s29], $0x1  }
0xb5: {  	[sflag:s29] =	ssyncadd.s32 $0xFFFFFFFF  }
0xb6: {  	_ =	strace $0x9000004E  }
0xb7: {  	_ =	sfence  }
0xb8: {  	s30 =	sld [smem:$0x0];
	_ =	sdelay $0x2  }
0xb9: {  	s31 =	sshll.u32 s1, $0xD;
	s1 =	sshrl.u32 s1, $0x2  }
0xba: {  	s3 =	sand.u32 $0x4000, s31;
	s1 =	sadd.s32 s1, s30  }
0xbb: {  	s0 =	sor.u32 s3, s0;
	s1 =	sshll.u32 s1, $0x11  }
0xbc: {  	s0 =	sor.u32 s1, s0  }
0xbd: {  	s0 =	sadd.s32 $0x8F2B, s0  }
0xbe: {  	[sflag:s0] =	ssyncadd.remote.s32 $0x1  }
0xbf: {  	_ =	sfence.sel $0xFFFF  }
0xc0: {  	[dreg:$0x0] =	wrdreg $0xFFFFFFFF;
	(pc) =	sbr.abs _section_cstart, $3  }
0xc1: {  	[dreg:$0x1] =	wrdreg $0xFFFFFFFF  }
0xc2: {  	_ =	task.clear_ibuf [dreg:s7], $0x2FFFF;
	_ =	strace $0x9FFFFFFF  }
0xc3: {  	(tm) =	ssettm $0x7FFFFFFF  }
tec
execute0_lowered:
.L_overlay_start_1:
0x0: {  	(tag) =	ssettag $0x1  }
0x1: {  	s5 =	rddreg [dreg:$0x0]  }
0x2: {  	s10 =	rddreg [dreg:$0x1]  }
0x3: {  	s1 =	rddreg [dreg:$0x2];
	s2 =	srdreg.scid  }
0x4: {  	s0 =	rddreg [dreg:$0x3];
	s3 =	simm.s32 $0x0;
	s16 =	simm.s32 $0x2880  }
0x5: {  	s17 =	simm.s32 $0x5;
	s18 =	simm.s32 $0x1440;
	s19 =	simm.s32 $0x90  }
0x6: {  	s20 =	simm.s32 $0x4380;
	s21 =	simm.s32 $0x1;
	s22 =	simm.s32 $0x3  }
0x7: {  	s23 =	simm.s32 $0x2;
	s24 =	simm.s32 $0x4;
	s28 =	simm.s32 $0x27F0  }
0x8: {  	s6 =	sand.u32 $0x1, s2;
	s2 =	stileid.u32;
	[smem:$0x7FF] =	sst s3  }
0x9: {  	s4 =	sadd.s32 $0x16200, s5;
	s9 =	sadd.s32 $0xC000, s5;
	s7 =	smul.u32 $0x78000, s6  }
0xa: {  	s12 =	smul.u32 $0x7800, s2;
	_ =	strace $0x8000004D;
	s8 =	sshll.u32 s6, $0x4  }
0xb: {  	s11 =	smul.u32 $0x1E000, s2;
	s26 =	ssub.s32 $0x2, s6;
	s8 =	sor.u32 s2, s8  }
0xc: {  	s30 =	sshrl.u32 s26, $0x1;
	s7 =	sadd.s32 s12, s7;
	s29 =	smul.u32 $0x2880, s8  }
0xd: {  	s11 =	sshrl.u32 s11, $0x2;
	s8 =	smul.u32 $0x510, s8;
	s14 =	ssub.s32 s26, s30  }
0xe: {  	s25 =	sadd.s32 s12, s1;
	s26 =	simm.s32 $0x2760;
	s7 =	sshrl.u32 s7, $0x3  }
0xf: {  	s12 =	smax.u32 s14, $0x1;
	s25 =	sshrl.u32 s25, $0x3;
	s13 =	sadd.s32 s7, s5  }
0x10: {  	s5 =	sadd.s32 s11, s1;
	s31 =	sshrl.u32 s29, $0x3;
	s7 =	sadd.s32 s9, s8  }
0x11: {  	s8 =	sadd.s32 s10, s8;
	s6 =	sadd.s32 $0x6C00, s5;
	s11 =	sadd.s32 $0x288, s31  }
0x12: {  	s14 =	sadd.s32 $0x3600, s5;
	s15 =	sadd.s32 $0x5100, s5;
	s9 =	sadd.s32 s9, s11  }
0x13: {  	v0 =	vimm.f32 $0.0e+00;
	s10 =	sadd.s32 s10, s11;
	s11 =	sadd.s32 $0x25200, s13;
	s13 =	sadd.s32 $0x1B00, s5  }
.LBB2_1:
0x14: {  	s29 =	simm.s32 $0xC0;
	s30 =	simm.s32 $0x0  }
.LBB2_2:
0x15: {  	p0 =	sne.s32 s29, $0x6B40;
	[tilespmem:s30+$0x28A0] =	vst v0;
	s31 =	smov.u32 s29;
	s29 =	sadd.s32 $0xC0, s29  }
.Ltmp0:
0x16: {  	[tilespmem:s30+$0x2880] =	vst v0;
	(pc) =	sbr.rel @p0 .LBB2_2-.Ltmp0, $2  }
0x17: {  	[tilespmem:s30+$0x2890] =	vst v0;
	_ =	sdelay $0x2  }
0x18: {  	s30 =	sshra.s32 s31, $0x2  }
0x19: {  	[tilespmem:s30+$0x28A0] =	vst v0  }
0x1a: {  	[tilespmem:s30+$0x2880] =	vst v0  }
0x1b: {  	[tilespmem:s30+$0x2890] =	vst v0  }
0x1c: {  	[spmem:s5] =	stream.linear.scatter [tilespmem:s16], [sflag:$0x5], $0x1B00, $0x38;
	[tilespmem:$0xD680] =	vst v63  }
0x1d: {  	_ =	swait.ge [sflag:s17], $0x1B00  }
0x1e: {  	[sflag:s17] =	ssyncset.done $0x0  }
0x1f: {  	[sflag:s17] =	ssyncadd.s32 $0xFFFFE500  }
0x20: {  	[spmem:s13] =	stream.linear.scatter [tilespmem:s16], [sflag:$0x5], $0x1B00, $0x38;
	[tilespmem:$0xD680] =	vst v63  }
0x21: {  	_ =	swait.ge [sflag:s17], $0x1B00  }
0x22: {  	[sflag:s17] =	ssyncset.done $0x0  }
0x23: {  	[sflag:s17] =	ssyncadd.s32 $0xFFFFE500  }
0x24: {  	[spmem:s14] =	stream.linear.scatter [tilespmem:s16], [sflag:$0x5], $0x1B00, $0x38;
	[tilespmem:$0xD680] =	vst v63  }
0x25: {  	_ =	swait.ge [sflag:s17], $0x1B00  }
0x26: {  	[sflag:s17] =	ssyncset.done $0x0  }
0x27: {  	[sflag:s17] =	ssyncadd.s32 $0xFFFFE500  }
0x28: {  	[spmem:s15] =	stream.linear.scatter [tilespmem:s16], [sflag:$0x5], $0x1B00, $0x38;
	[tilespmem:$0xD680] =	vst v63  }
0x29: {  	_ =	swait.ge [sflag:s17], $0x1B00  }
0x2a: {  	[sflag:s17] =	ssyncset.done $0x0  }
0x2b: {  	[sflag:s17] =	ssyncadd.s32 $0xFFFFE500  }
0x2c: {  	[spmem:s6] =	stream.linear.scatter [tilespmem:s16], [sflag:$0x5], $0xC00, $0x38;
	[tilespmem:$0xD680] =	vst v63  }
0x2d: {  	_ =	swait.ge [sflag:s17], $0xC00  }
0x2e: {  	[sflag:s17] =	ssyncset.done $0x0  }
0x2f: {  	[sflag:s17] =	ssyncadd.s32 $0xFFFFF400  }
0x30: {  	s29 =	simm.s32 $0x0;
	[bflag:$0x0] =	sbarrier.arrive $0xFFFF  }
0x31: {  	[tilespmem:s29], [sflag:$0x5] =	stream.linear.gather [hbm4b:s7+s29], $0x1440, $0x38;
	[tilespmem:$0xD680] =	vst v63  }
0x32: {  	_ =	swait.ge [sflag:s17], $0x1440  }
0x33: {  	[sflag:s17] =	ssyncset.done $0x0  }
0x34: {  	[sflag:s17] =	ssyncadd.s32 $0xFFFFEBC0  }
0x35: {  	[tilespmem:s18], [sflag:$0x5] =	stream.linear.gather [hbm4b:s8+s29], $0x1440, $0x38;
	[tilespmem:$0xD680] =	vst v63  }
0x36: {  	_ =	swait.ge [sflag:s17], $0x1440  }
0x37: {  	[sflag:s17] =	ssyncset.done $0x0  }
0x38: {  	[sflag:s17] =	ssyncadd.s32 $0xFFFFEBC0  }
0x39: {  	[tilespmem:s16], [sflag:$0x1] =	stream.indirect.gather [hbm4b:s4+s19], $0x30, s29, s19, $0xb8;
	[tilespmem:$0xD680] =	vst v63  }
0x3a: {  	_ = 	snop  }
0x3b: {  	[tilespmem:s20], [sflag:$0x2] =	stream.indirect.gather [hbm4b:s4+s19], $0x30, s19, s19, $0xb8;
	[tilespmem:$0xD680] =	vst v63  }
0x3c: {  	_ =	swait.ge [sflag:s21], $0x1B00  }
0x3d: {  	[sflag:s21] =	ssyncset.done $0x0  }
0x3e: {  	s29 =	simm.s32 $0x1440;
	[sflag:s21] =	ssyncadd.s32 $0xFFFFE500  }
0x3f: {  	[spmem:s1] =	stream.indirect.scatter.add.f32 [tilespmem:s16], [sflag:$0x3], $0x30, s29, s19, $0xb8;
	[tilespmem:$0xD680] =	vst v63  }
0x40: {  	_ =	swait.ge [sflag:s22], $0x1B00  }
0x41: {  	[sflag:s22] =	ssyncset.done $0x0  }
0x42: {  	s29 =	simm.s32 $0x120;
	[sflag:s22] =	ssyncadd.s32 $0xFFFFE500  }
0x43: {  	[tilespmem:s16], [sflag:$0x1] =	stream.indirect.gather [hbm4b:s4+s19], $0x30, s29, s19, $0xb8;
	[tilespmem:$0xD680] =	vst v63  }
0x44: {  	_ =	swait.ge [sflag:s23], $0x1B00  }
0x45: {  	[sflag:s23] =	ssyncset.done $0x0  }
0x46: {  	s29 =	simm.s32 $0x14D0;
	[sflag:s23] =	ssyncadd.s32 $0xFFFFE500  }
0x47: {  	[spmem:s1] =	stream.indirect.scatter.add.f32 [tilespmem:s20], [sflag:$0x4], $0x30, s29, s19, $0xb8;
	[tilespmem:$0xD680] =	vst v63  }
0x48: {  	_ =	swait.ge [sflag:s24], $0x1B00  }
0x49: {  	[sflag:s24] =	ssyncset.done $0x0  }
0x4a: {  	s30 =	simm.s32 $0x1B0;
	s29 =	simm.s32 $0x480;
	[sflag:s24] =	ssyncadd.s32 $0xFFFFE500  }
.LBB2_4:
0x4b: {  	[tilespmem:s20], [sflag:$0x2] =	stream.indirect.gather [hbm4b:s4+s19], $0x30, s30, s19, $0xb8;
	[tilespmem:$0xD680] =	vst v63  }
0x4c: {  	s30 =	smov.u32 s29  }
0x4d: {  	p0 =	sne.s32 s29, $0x4800;
	s29 =	sadd.s32 $0x480, s29;
	_ =	swait.ge [sflag:s21], $0x1B00  }
0x4e: {  	s30 =	sshra.s32 s30, $0x2;
	[sflag:s21] =	ssyncset.done $0x0  }
0x4f: {  	s31 =	sadd.s32 $0x1440, s30;
	[sflag:s21] =	ssyncadd.s32 $0xFFFFE500  }
0x50: {  	[spmem:s1] =	stream.indirect.scatter.add.f32 [tilespmem:s16], [sflag:$0x3], $0x30, s31, s19, $0xb8;
	[tilespmem:$0xD680] =	vst v63  }
0x51: {  	_ =	swait.ge [sflag:s22], $0x1B00  }
0x52: {  	[sflag:s22] =	ssyncset.done $0x0  }
0x53: {  	s31 =	sadd.s32 $0x120, s30;
	[sflag:s22] =	ssyncadd.s32 $0xFFFFE500  }
0x54: {  	[tilespmem:s16], [sflag:$0x1] =	stream.indirect.gather [hbm4b:s4+s19], $0x30, s31, s19, $0xb8;
	[tilespmem:$0xD680] =	vst v63  }
0x55: {  	_ =	swait.ge [sflag:s23], $0x1B00  }
0x56: {  	[sflag:s23] =	ssyncset.done $0x0  }
.Ltmp1:
0x57: {  	s31 =	sadd.s32 $0x14D0, s30;
	[sflag:s23] =	ssyncadd.s32 $0xFFFFE500;
	(pc) =	sbr.rel @p0 .LBB2_4-.Ltmp1, $4  }
0x58: {  	[spmem:s1] =	stream.indirect.scatter.add.f32 [tilespmem:s20], [sflag:$0x4], $0x30, s31, s19, $0xb8;
	[tilespmem:$0xD680] =	vst v63  }
0x59: {  	_ =	swait.ge [sflag:s24], $0x1B00  }
0x5a: {  	[sflag:s24] =	ssyncset.done $0x0  }
0x5b: {  	s30 =	sadd.s32 $0x1B0, s30;
	[sflag:s24] =	ssyncadd.s32 $0xFFFFE500  }
0x5c: {  	[tilespmem:s20], [sflag:$0x2] =	stream.indirect.gather [hbm4b:s4+s19], $0x30, s30, s19, $0xb8;
	[tilespmem:$0xD680] =	vst v63  }
0x5d: {  	_ =	swait.ge [sflag:s21], $0x1B00  }
0x5e: {  	[sflag:s21] =	ssyncset.done $0x0  }
0x5f: {  	[sflag:s21] =	ssyncadd.s32 $0xFFFFE500  }
0x60: {  	[spmem:s1] =	stream.indirect.scatter.add.f32 [tilespmem:s16], [sflag:$0x3], $0x30, s26, s19, $0xb8;
	[tilespmem:$0xD680] =	vst v63  }
0x61: {  	_ =	swait.ge [sflag:s22], $0x1B00  }
0x62: {  	[sflag:s22] =	ssyncset.done $0x0  }
0x63: {  	[sflag:s22] =	ssyncadd.s32 $0xFFFFE500  }
0x64: {  	_ =	swait.ge [sflag:s23], $0x1B00  }
0x65: {  	[sflag:s23] =	ssyncset.done $0x0  }
0x66: {  	[sflag:s23] =	ssyncadd.s32 $0xFFFFE500  }
0x67: {  	[spmem:s1] =	stream.indirect.scatter.add.f32 [tilespmem:s20], [sflag:$0x4], $0x30, s28, s19, $0xb8;
	[tilespmem:$0xD680] =	vst v63  }
0x68: {  	_ =	swait.ge [sflag:s24], $0x1B00  }
0x69: {  	[sflag:s24] =	ssyncset.done $0x0  }
0x6a: {  	s29 =	simm.s32 $0x0;
	[sflag:s24] =	ssyncadd.s32 $0xFFFFE500  }
0x6b: {  	[tilespmem:s29], [sflag:$0x5] =	stream.linear.gather [hbm4b:s9+s29], $0x1440, $0x38;
	[tilespmem:$0xD680] =	vst v63  }
0x6c: {  	_ =	swait.ge [sflag:s17], $0x1440  }
0x6d: {  	[sflag:s17] =	ssyncset.done $0x0  }
0x6e: {  	[sflag:s17] =	ssyncadd.s32 $0xFFFFEBC0  }
0x6f: {  	[tilespmem:s18], [sflag:$0x5] =	stream.linear.gather [hbm4b:s10+s29], $0x1440, $0x38;
	[tilespmem:$0xD680] =	vst v63  }
0x70: {  	_ =	swait.ge [sflag:s17], $0x1440  }
0x71: {  	[sflag:s17] =	ssyncset.done $0x0  }
0x72: {  	[sflag:s17] =	ssyncadd.s32 $0xFFFFEBC0  }
0x73: {  	[tilespmem:s16], [sflag:$0x1] =	stream.indirect.gather [hbm4b:s4+s19], $0x30, s29, s19, $0xb8;
	[tilespmem:$0xD680] =	vst v63  }
0x74: {  	_ = 	snop  }
0x75: {  	[tilespmem:s20], [sflag:$0x2] =	stream.indirect.gather [hbm4b:s4+s19], $0x30, s19, s19, $0xb8;
	[tilespmem:$0xD680] =	vst v63  }
0x76: {  	_ =	swait.ge [sflag:s21], $0x1B00  }
0x77: {  	[sflag:s21] =	ssyncset.done $0x0  }
0x78: {  	s29 =	simm.s32 $0x1440;
	[sflag:s21] =	ssyncadd.s32 $0xFFFFE500  }
0x79: {  	[spmem:s1] =	stream.indirect.scatter.add.f32 [tilespmem:s16], [sflag:$0x3], $0x30, s29, s19, $0xb8;
	[tilespmem:$0xD680] =	vst v63  }
0x7a: {  	_ =	swait.ge [sflag:s22], $0x1B00  }
0x7b: {  	[sflag:s22] =	ssyncset.done $0x0  }
0x7c: {  	s29 =	simm.s32 $0x120;
	[sflag:s22] =	ssyncadd.s32 $0xFFFFE500  }
0x7d: {  	[tilespmem:s16], [sflag:$0x1] =	stream.indirect.gather [hbm4b:s4+s19], $0x30, s29, s19, $0xb8;
	[tilespmem:$0xD680] =	vst v63  }
0x7e: {  	_ =	swait.ge [sflag:s23], $0x1B00  }
0x7f: {  	[sflag:s23] =	ssyncset.done $0x0  }
0x80: {  	s29 =	simm.s32 $0x14D0;
	[sflag:s23] =	ssyncadd.s32 $0xFFFFE500  }
0x81: {  	[spmem:s1] =	stream.indirect.scatter.add.f32 [tilespmem:s20], [sflag:$0x4], $0x30, s29, s19, $0xb8;
	[tilespmem:$0xD680] =	vst v63  }
0x82: {  	_ =	swait.ge [sflag:s24], $0x1B00  }
0x83: {  	[sflag:s24] =	ssyncset.done $0x0  }
0x84: {  	s30 =	simm.s32 $0x1B0;
	s29 =	simm.s32 $0x480;
	[sflag:s24] =	ssyncadd.s32 $0xFFFFE500  }
.LBB2_6:
0x85: {  	[tilespmem:s20], [sflag:$0x2] =	stream.indirect.gather [hbm4b:s4+s19], $0x30, s30, s19, $0xb8;
	[tilespmem:$0xD680] =	vst v63  }
0x86: {  	s30 =	smov.u32 s29  }
0x87: {  	p0 =	sne.s32 s29, $0x4800;
	s29 =	sadd.s32 $0x480, s29;
	_ =	swait.ge [sflag:s21], $0x1B00  }
0x88: {  	s30 =	sshra.s32 s30, $0x2;
	[sflag:s21] =	ssyncset.done $0x0  }
0x89: {  	s31 =	sadd.s32 $0x1440, s30;
	[sflag:s21] =	ssyncadd.s32 $0xFFFFE500  }
0x8a: {  	[spmem:s1] =	stream.indirect.scatter.add.f32 [tilespmem:s16], [sflag:$0x3], $0x30, s31, s19, $0xb8;
	[tilespmem:$0xD680] =	vst v63  }
0x8b: {  	_ =	swait.ge [sflag:s22], $0x1B00  }
0x8c: {  	[sflag:s22] =	ssyncset.done $0x0  }
0x8d: {  	s31 =	sadd.s32 $0x120, s30;
	[sflag:s22] =	ssyncadd.s32 $0xFFFFE500  }
0x8e: {  	[tilespmem:s16], [sflag:$0x1] =	stream.indirect.gather [hbm4b:s4+s19], $0x30, s31, s19, $0xb8;
	[tilespmem:$0xD680] =	vst v63  }
0x8f: {  	_ =	swait.ge [sflag:s23], $0x1B00  }
0x90: {  	[sflag:s23] =	ssyncset.done $0x0  }
.Ltmp2:
0x91: {  	s31 =	sadd.s32 $0x14D0, s30;
	[sflag:s23] =	ssyncadd.s32 $0xFFFFE500;
	(pc) =	sbr.rel @p0 .LBB2_6-.Ltmp2, $4  }
0x92: {  	[spmem:s1] =	stream.indirect.scatter.add.f32 [tilespmem:s20], [sflag:$0x4], $0x30, s31, s19, $0xb8;
	[tilespmem:$0xD680] =	vst v63  }
0x93: {  	_ =	swait.ge [sflag:s24], $0x1B00  }
0x94: {  	[sflag:s24] =	ssyncset.done $0x0  }
0x95: {  	s30 =	sadd.s32 $0x1B0, s30;
	[sflag:s24] =	ssyncadd.s32 $0xFFFFE500  }
0x96: {  	[tilespmem:s20], [sflag:$0x2] =	stream.indirect.gather [hbm4b:s4+s19], $0x30, s30, s19, $0xb8;
	[tilespmem:$0xD680] =	vst v63  }
0x97: {  	_ =	swait.ge [sflag:s21], $0x1B00  }
0x98: {  	[sflag:s21] =	ssyncset.done $0x0  }
0x99: {  	[sflag:s21] =	ssyncadd.s32 $0xFFFFE500  }
0x9a: {  	[spmem:s1] =	stream.indirect.scatter.add.f32 [tilespmem:s16], [sflag:$0x3], $0x30, s26, s19, $0xb8;
	[tilespmem:$0xD680] =	vst v63  }
0x9b: {  	_ =	swait.ge [sflag:s22], $0x1B00  }
0x9c: {  	[sflag:s22] =	ssyncset.done $0x0  }
0x9d: {  	[sflag:s22] =	ssyncadd.s32 $0xFFFFE500  }
0x9e: {  	_ =	swait.ge [sflag:s23], $0x1B00  }
0x9f: {  	[sflag:s23] =	ssyncset.done $0x0  }
0xa0: {  	[sflag:s23] =	ssyncadd.s32 $0xFFFFE500  }
0xa1: {  	[spmem:s1] =	stream.indirect.scatter.add.f32 [tilespmem:s20], [sflag:$0x4], $0x30, s28, s19, $0xb8;
	[tilespmem:$0xD680] =	vst v63  }
0xa2: {  	_ =	swait.ge [sflag:s24], $0x1B00  }
0xa3: {  	s3 =	sadd.s32 $0x1, s3;
	[sflag:s24] =	ssyncset.done $0x0  }
0xa4: {  	s29 =	sshll.u32 s2, $0x6;
	p0 =	sne.s32 s3, s12;
	[sflag:s24] =	ssyncadd.s32 $0xFFFFE500  }
.Ltmp3:
0xa5: {  	s29 =	sor.u32 $0x1C05, s29;
	[bflag:$0x0] =	sbarrier.arrive $0xFFFF;
	(pc) =	sbr.rel @p0 .LBB2_1-.Ltmp3, $4  }
0xa6: {  	[hbm:s11], [sflag:s29] =	dma.local [spmem:s25], $0xF00  }
0xa7: {  	_ =	swait.ge [sflag:s17], $0xF00  }
0xa8: {  	[sflag:s17] =	ssyncset.done $0x0  }
0xa9: {  	[sflag:s17] =	ssyncadd.s32 $0xFFFFF100  }
0xaa: {  	_ =	sfence.sel $0x180000  }
0xab: {  	[bflag:$0x0] =	sbarrier.arrive $0xFFFF  }
0xac: {  	p0 =	sne.s32 s2, $0x0;
	_ =	strace $0x9000004D  }
0xad: {  	s0 =	sadd.s32 @!p0 $0x100000, s0;
	[bflag:$0x2] =	sbarrier.arrive $0xFFFF  }
0xae: {  	[sflag:s0] =	ssyncadd.tile.s32 @!p0 $0x1;
	_ =	shalt  }
.Lfunc_end2:
_tile_overlayer_lowered:
.L_overlay_start_2:
0xaf: {  	(tag) =	ssettag $0x2  }
0xb0: {  	s0 =	rddreg [dreg:$0x0];
	s2 =	stileid.u32  }
0xb1: {  	s1 =	rddreg [dreg:$0x1];
	p0 =	sne.s32 s2, $0x0  }
0xb2: {  	s3 =	rddreg [dreg:$0x2];
	[bflag:$0x3] =	sbarrier.arrive $0xFFFF;
	s2 =	simm.s32 @!p0 $0x1C05  }
0xb3: {  	[timem:s3], [sflag:s2] =	dma.local @!p0 [hbm:s0], s1  }
0xb4: {  	s0 =	simm.s32 @!p0 $0x5  }
0xb5: {  	_ =	swait.ge @!p0 [sflag:s0], s1  }
0xb6: {  	s1 =	ssub.s32 @!p0 $0x0, s1;
	[sflag:s0] =	ssyncset.done @!p0 $0x0  }
0xb7: {  	[sflag:s0] =	ssyncadd.s32 @!p0 s1  }
0xb8: {  	[bflag:$0x3] =	sbarrier.arrive $0xFFFF  }
0xb9: {  	_ =	shalt  }

// kernel: kernel.8.cloned.1.call-start
scs
__scs_entry_jumppad:
0x0: {  	(pc) =	sbr.rel $0x88, $3  }
0x1: {  	(tag) =	ssettag $0x0;
	lr =	simm.s32 $0x1  }
0x2: {  	[smem:$0x3F9B] =	sst lr;
	_ =	strace $0xD0000000  }
0x3: {  	_ = 	snop  }
0x4: {  	_ = 	snop  }
0x5: {  	_ = 	snop  }
0x6: {  	_ = 	snop  }
0x7: {  	_ = 	snop  }
__scs_overlays_trampoline_lowered:
0x8: {  	[smem:$0x3FAA] =	sst s0  }
0x9: {  	[smem:$0x3FAB] =	sst s1  }
0xa: {  	[smem:$0x3FAC] =	sst s2  }
0xb: {  	[smem:$0x3FAD] =	sst s3  }
0xc: {  	[smem:$0x3FAE] =	sst s4  }
0xd: {  	[smem:$0x3FAF] =	sst s5  }
0xe: {  	[smem:$0x3FB0] =	sst s6  }
0xf: {  	[smem:$0x3FB1] =	sst s7  }
0x10: {  	[smem:$0x3FB2] =	sst s8  }
0x11: {  	[smem:$0x3FB3] =	sst s9;
	s0 =	simm.s32 @!p0 $0x0  }
0x12: {  	s1 =	sld [smem:$0x3F99];
	s0 =	simm.s32 @p0 $0x1  }
0x13: {  	[smem:$0x3FB4] =	sst s0;
	s0 =	simm.s32 @!p1 $0x0  }
0x14: {  	s2 =	sld [smem:$0x3F98];
	s0 =	simm.s32 @p1 $0x1  }
0x15: {  	[smem:$0x3FB5] =	sst s0;
	s0 =	simm.s32 @!p2 $0x0  }
0x16: {  	s3 =	sld [smem:$0x3FDB];
	s0 =	simm.s32 @p2 $0x1  }
0x17: {  	s4 =	simm.s32 $0x1BF5;
	[smem:$0x3FB7] =	sst s0  }
0x18: {  	s0 =	sld [smem:$0x3F9A];
	_ =	swait.ge [sflag:s4], $0x0  }
0x19: {  	s7 =	sld [smem:$0x3F9B]  }
0x1a: {  	s8 =	sadd.s32 $0xFFFFE003, lr  }
0x1b: {  	s9 =	sadd.s32 $0xFFFFFEF7, lr;
	s5 =	simm.s32 $0xFFFFFFFF;
	p2 =	slt.u32 s8, $0xFFFFF086  }
0x1c: {  	p1 =	slt.u32 s9, $0xF7A;
	s5 =	simm.s32 @!p2 $0x0  }
0x1d: {  	s5 =	simm.s32 @p1 $0x1;
	p0 =	seq.s32 s7, s2  }
0x1e: {  	s7 =	smul.u32 @!p0 $0xF7A, s2;
	p2 =	seq.s32 @!p0 s5, $0x0  }
0x1f: {  	s9 =	smul.u32 $0xF7A, s1;
	s8 =	simm.s32 @!p0 $0x1BF5;
	p2 =	por !p2, p0  }
0x20: {  	[sflag:s8] =	ssyncset.s32 @!p0 $0xFFFFF086;
	s6 =	sadd.s32 @!p0 s3, s7;
	s7 =	simm.s32 @!p0 $0x108  }
0x21: {  	s3 =	sadd.s32 s3, s9;
	s6 =	sadd.s32 @!p0 $0x88, s6;
	s7 =	simm.s32 @p2 $0x1082  }
0x22: {  	[simem:s7], [sflag:s8] =	dma.local @!p0 [hbm:s6], $0xF7A  }
0x23: {  	s9 =	sor.u32 $0xD0000000, s2;
	s6 =	simm.s32 $0x108;
	_ =	swait.ge @!p0 [sflag:s8], $0x0  }
0x24: {  	s3 =	sadd.s32 $0x88, s3;
	s6 =	simm.s32 @!p1 $0x1082;
	[sflag:s4] =	ssyncset.s32 $0xFFFFF086  }
0x25: {  	[simem:s6], [sflag:s4] =	dma.local [hbm:s3], $0xF7A  }
0x26: {  	[smem:$0x3F9B] =	sst s1;
	(tag) =	ssettag s2;
	_ =	strace s9  }
0x27: {  	s1 =	sld [smem:$0x3FAB]  }
0x28: {  	s2 =	sld [smem:$0x3FAC]  }
0x29: {  	s4 =	sld [smem:$0x3FAE]  }
0x2a: {  	p0 =	seq.s32 s5, $0x0;
	s5 =	sld [smem:$0x3FAF]  }
0x2b: {  	s6 =	sld [smem:$0x3FB0]  }
0x2c: {  	s7 =	sld [smem:$0x3FB1]  }
0x2d: {  	s3 =	simm.s32 $0x108;
	s8 =	sld [smem:$0x3FB2]  }
0x2e: {  	s3 =	simm.s32 @!p0 $0x1082;
	s9 =	sld [smem:$0x3FB3]  }
0x2f: {  	lr =	sadd.s32 s0, s3;
	s0 =	sld [smem:$0x3FAA]  }
0x30: {  	s3 =	sld [smem:$0x3FAD]  }
0x31: {  	[smem:$0x3FB6] =	sst s10  }
0x32: {  	s10 =	sld [smem:$0x3FB4];
	_ =	sdelay $0x3  }
0x33: {  	p0 =	seq.s32 s10, $0x1;
	s10 =	sld [smem:$0x3FB6];
	_ =	sdelay $0x3  }
0x34: {  	[smem:$0x3FB6] =	sst s10  }
0x35: {  	s10 =	sld [smem:$0x3FB5];
	_ =	sdelay $0x3  }
0x36: {  	p1 =	seq.s32 s10, $0x1;
	s10 =	sld [smem:$0x3FB6];
	_ =	sdelay $0x3  }
0x37: {  	[smem:$0x3FB6] =	sst s10  }
0x38: {  	s10 =	sld [smem:$0x3FB7]  }
0x39: {  	_ = 	snop;
	(pc) =	sbr.ind lr, $3  }
0x3a: {  	_ = 	snop  }
0x3b: {  	_ = 	snop  }
0x3c: {  	p2 =	seq.s32 s10, $0x1;
	s10 =	sld [smem:$0x3FB6]  }
0x3d: {  	_ =	shalt  }
0x3e: {  	_ =	shalt  }
0x3f: {  	_ =	shalt  }
0x40: {  	_ =	shalt  }
0x41: {  	_ =	shalt  }
0x42: {  	_ =	shalt  }
0x43: {  	_ =	shalt  }
0x44: {  	_ =	shalt  }
0x45: {  	_ =	shalt  }
0x46: {  	_ =	shalt  }
0x47: {  	_ =	shalt  }
0x48: {  	_ =	shalt  }
0x49: {  	_ =	shalt  }
0x4a: {  	_ =	shalt  }
0x4b: {  	_ =	shalt  }
0x4c: {  	_ =	shalt  }
0x4d: {  	_ =	shalt  }
0x4e: {  	_ =	shalt  }
0x4f: {  	_ =	shalt  }
0x50: {  	_ =	shalt  }
0x51: {  	_ =	shalt  }
0x52: {  	_ =	shalt  }
0x53: {  	_ =	shalt  }
0x54: {  	_ =	shalt  }
0x55: {  	_ =	shalt  }
0x56: {  	_ =	shalt  }
0x57: {  	_ =	shalt  }
0x58: {  	_ =	shalt  }
0x59: {  	_ =	shalt  }
0x5a: {  	_ =	shalt  }
0x5b: {  	_ =	shalt  }
0x5c: {  	_ =	shalt  }
0x5d: {  	_ =	shalt  }
0x5e: {  	_ =	shalt  }
0x5f: {  	_ =	shalt  }
0x60: {  	_ =	shalt  }
0x61: {  	_ =	shalt  }
0x62: {  	_ =	shalt  }
0x63: {  	_ =	shalt  }
0x64: {  	_ =	shalt  }
0x65: {  	_ =	shalt  }
0x66: {  	_ =	shalt  }
0x67: {  	_ =	shalt  }
0x68: {  	_ =	shalt  }
0x69: {  	_ =	shalt  }
0x6a: {  	_ =	shalt  }
0x6b: {  	_ =	shalt  }
0x6c: {  	_ =	shalt  }
0x6d: {  	_ =	shalt  }
0x6e: {  	_ =	shalt  }
0x6f: {  	_ =	shalt  }
0x70: {  	_ =	shalt  }
0x71: {  	_ =	shalt  }
0x72: {  	_ =	shalt  }
0x73: {  	_ =	shalt  }
0x74: {  	_ =	shalt  }
0x75: {  	_ =	shalt  }
0x76: {  	_ =	shalt  }
0x77: {  	_ =	shalt  }
0x78: {  	_ =	shalt  }
0x79: {  	_ =	shalt  }
0x7a: {  	_ =	shalt  }
0x7b: {  	_ =	shalt  }
0x7c: {  	_ =	shalt  }
0x7d: {  	_ =	shalt  }
0x7e: {  	_ =	shalt  }
0x7f: {  	_ =	shalt  }
0x80: {  	_ =	shalt  }
0x81: {  	_ =	shalt  }
0x82: {  	_ =	shalt  }
0x83: {  	_ =	shalt  }
0x84: {  	_ =	shalt  }
0x85: {  	_ =	shalt  }
0x86: {  	_ =	shalt  }
0x87: {  	_ =	shalt  }
.Lfunc_end0:
.L_simem_size_0:
called_computation_lowered:
.L_overlay_start_0:
0x88: {  	s2 =	sld [smem:$0x3FD9]  }
0x89: {  	s3 =	sld [smem:$0x3FFE];
	_ =	sdelay $0x1  }
0x8a: {  	s1 =	srdreg.scid  }
0x8b: {  	s0 =	sand.u32 $0x1, s1  }
0x8c: {  	s17 =	sshll.u32 s0, $0xA;
	s2 =	sadd.s32 s3, s2  }
0x8d: {  	s2 =	sadd.s32 s2, s17  }
0x8e: {  	[smem:$0x3FC2] =	sst s2  }
0x8f: {  	_ = 	snop  }
0x90: {  	s2 =	sld [smem:$0x3FD0];
	(tm) =	ssettm $0x1  }
0x91: {  	s18 =	sld [smem:$0x3FFB];
	_ =	sdelay $0x3  }
0x92: {  	_ =	strace s18  }
0x93: {  	s3 =	sld [smem:$0x3FFC];
	_ =	sdelay $0x3  }
0x94: {  	_ =	strace s3  }
0x95: {  	s3 =	sld [smem:$0x3FFD];
	_ =	sdelay $0x3  }
0x96: {  	_ =	strace s3  }
0x97: {  	_ =	strace $0x8FFFFFFF  }
0x98: {  	s19 =	sld [smem:$0x3FDB];
	_ =	sdelay $0x1  }
0x99: {  	s4 =	simm.s32 $_scs_section_size  }
0x9a: {  	s5 =	simm.s32 $_size__tile_overlayer_lowered;
	s6 =	simm.s32 $_tile_overlayer_lowered  }
0x9b: {  	s22 =	simm.s32 $0x1BFF;
	s21 =	sshll.u32 s6, $0x1;
	s3 =	sadd.s32 s4, s19  }
0x9c: {  	s7 =	simm.s32 $0x0;
	s20 =	sshll.u32 s5, $0x1;
	s5 =	sadd.s32 s21, s3  }
0x9d: {  	[timem:s7], [sflag:s22] =	dma.local [hbm:s5], s20  }
0x9e: {  	_ =	swait.ge [sflag:s22], s20  }
0x9f: {  	s4 =	ssub.s32 $0x0, s20;
	[sflag:s22] =	ssyncset.done $0x0  }
0xa0: {  	[sflag:s22] =	ssyncadd.s32 s4;
	_ =	sdelay $0x1  }
0xa1: {  	s23 =	simm.s32 $0x1B8B  }
0xa2: {  	_ =	swait.ge [sflag:s23], $0x1  }
0xa3: {  	[sflag:s23] =	ssyncset.done $0x0  }
0xa4: {  	s25 =	simm.s32 $0x1B8E;
	s24 =	sld [smem:$0x3FFE];
	[sflag:s23] =	ssyncadd.s32 $0xFFFFFFFF  }
0xa5: {  	s26 =	simm.s32 $execute0_lowered;
	[smem:$0x3FD2] =	sst s25  }
0xa6: {  	s5 =	sshll.u32 s26, $0x1;
	_ =	strace $0x80000046;
	[dreg:$0x1] =	wrdreg $0xFFFFFFFF  }
0xa7: {  	s28 =	simm.s32 $_size_execute0_lowered;
	s3 =	sadd.s32 s3, s5;
	[dreg:$0x0] =	wrdreg $0x0  }
0xa8: {  	s5 =	sshll.u32 s28, $0x1;
	[dreg:$0x2] =	wrdreg s3  }
0xa9: {  	[dreg:$0x3] =	wrdreg s5  }
0xaa: {  	[dreg:$0x4] =	wrdreg $0xC0  }
0xab: {  	_ =	task [dreg:s7], $0x5FFFF  }
0xac: {  	[dreg:$0x1] =	wrdreg $0xFFFFFFFF  }
0xad: {  	[dreg:$0x0] =	wrdreg $0x60  }
0xae: {  	[dreg:$0x2] =	wrdreg s2  }
0xaf: {  	[dreg:$0x3] =	wrdreg s24  }
0xb0: {  	[dreg:$0x4] =	wrdreg $0x3A800  }
0xb1: {  	[dreg:$0x5] =	wrdreg $0x9  }
0xb2: {  	_ =	task.clear_ibuf [dreg:s7], $0x6FFFF;
	_ =	strace $0x90000046  }
0xb3: {  	s29 =	simm.s32 $0x9;
	_ =	strace $0x80000048  }
0xb4: {  	_ =	swait.ge [sflag:s29], $0x1  }
0xb5: {  	[sflag:s29] =	ssyncadd.s32 $0xFFFFFFFF  }
0xb6: {  	_ =	strace $0x90000048  }
0xb7: {  	_ =	sfence  }
0xb8: {  	s30 =	sld [smem:$0x0];
	_ =	sdelay $0x2  }
0xb9: {  	s31 =	sshll.u32 s1, $0xD;
	s1 =	sshrl.u32 s1, $0x2  }
0xba: {  	s3 =	sand.u32 $0x4000, s31;
	s1 =	sadd.s32 s1, s30  }
0xbb: {  	s0 =	sor.u32 s3, s0;
	s1 =	sshll.u32 s1, $0x11  }
0xbc: {  	s0 =	sor.u32 s1, s0  }
0xbd: {  	s0 =	sadd.s32 $0x8F2B, s0  }
0xbe: {  	[sflag:s0] =	ssyncadd.remote.s32 $0x1  }
0xbf: {  	_ =	sfence.sel $0xFFFF  }
0xc0: {  	[dreg:$0x0] =	wrdreg $0xFFFFFFFF;
	(pc) =	sbr.abs _section_cstart, $3  }
0xc1: {  	[dreg:$0x1] =	wrdreg $0xFFFFFFFF  }
0xc2: {  	_ =	task.clear_ibuf [dreg:s7], $0x2FFFF;
	_ =	strace $0x9FFFFFFF  }
0xc3: {  	(tm) =	ssettm $0x7FFFFFFF  }
tec
execute0_lowered:
.L_overlay_start_1:
0x0: {  	(tag) =	ssettag $0x1  }
0x1: {  	s5 =	rddreg [dreg:$0x0]  }
0x2: {  	s4 =	rddreg [dreg:$0x1];
	s0 =	srdreg.scid  }
0x3: {  	s2 =	rddreg [dreg:$0x2];
	s1 =	stileid.u32  }
0x4: {  	s3 =	simm.s32 $0x0;
	s12 =	simm.s32 $0x2;
	s13 =	simm.s32 $0x3180  }
0x5: {  	s14 =	simm.s32 $0x90;
	s15 =	simm.s32 $0x2880;
	s16 =	simm.s32 $0x1  }
0x6: {  	s6 =	sand.u32 $0x1, s0;
	s0 =	rddreg [dreg:$0x3];
	s8 =	smul.u32 $0x2800, s1  }
0x7: {  	s19 =	simm.s32 $0x0;
	[smem:$0x7FF] =	sst s3;
	s10 =	smul.u32 $0xA000, s1  }
0x8: {  	s17 =	sshll.u32 s1, $0x6;
	s7 =	smul.u32 $0x28000, s6;
	s9 =	sshll.u32 s6, $0x4  }
0x9: {  	_ =	strace $0x80000047;
	s6 =	ssub.s32 $0x2, s6;
	s17 =	sor.u32 $0x1C02, s17  }
0xa: {  	s9 =	sor.u32 s1, s9;
	s10 =	sshrl.u32 s10, $0x2;
	s11 =	sshrl.u32 s6, $0x1  }
0xb: {  	s18 =	sadd.s32 s8, s2;
	s7 =	sadd.s32 s8, s7;
	s9 =	smul.u32 $0x510, s9  }
0xc: {  	s31 =	ssub.s32 s6, s11;
	s18 =	sshrl.u32 s18, $0x3;
	s7 =	sshrl.u32 s7, $0x3  }
0xd: {  	s8 =	smax.u32 s31, $0x1;
	s7 =	sadd.s32 s7, s4;
	s4 =	sadd.s32 s10, s2  }
0xe: {  	s5 =	sadd.s32 s5, s9;
	s6 =	sadd.s32 $0x2400, s4;
	s7 =	sadd.s32 $0x2000, s7  }
0xf: {  	v0 =	vimm.f32 $1.000000000e+00;
	v1 =	vimm.f32 $0.0e+00;
	s9 =	sadd.s32 $0x900, s4;
	s10 =	sadd.s32 $0x1200, s4;
	s11 =	sadd.s32 $0x1B00, s4  }
.LBB2_1:
0x10: {  	[tilespmem:s3], [sflag:$0x2] =	stream.linear.gather [hbm4b:s5+s3], $0x2880, $0x38;
	[tilespmem:$0x6280] =	vst v63  }
0x11: {  	_ =	swait.ge [sflag:s12], $0x2880  }
0x12: {  	[sflag:s12] =	ssyncset.done $0x0  }
0x13: {  	s20 =	simm.s32 $0x40;
	s21 =	simm.s32 $0x0;
	[sflag:s12] =	ssyncadd.s32 $0xFFFFD780  }
.LBB2_2:
0x14: {  	p0 =	sne.s32 s20, $0x23C0;
	[tilespmem:s21+$0x2880] =	vst v0;
	s22 =	smov.u32 s20;
	s20 =	sadd.s32 $0x40, s20  }
.Ltmp0:
0x15: {  	[tilespmem:s21+$0x3180] =	vst v1;
	(pc) =	sbr.rel @p0 .LBB2_2-.Ltmp0, $2  }
0x16: {  	_ =	sdelay $0x2  }
0x17: {  	s21 =	sshra.s32 s22, $0x2  }
0x18: {  	[tilespmem:s21+$0x2880] =	vst v0  }
0x19: {  	[tilespmem:s21+$0x3180] =	vst v1  }
0x1a: {  	[spmem:s4] =	stream.linear.scatter [tilespmem:s13], [sflag:$0x2], $0x900, $0x38;
	[tilespmem:$0x6280] =	vst v63  }
0x1b: {  	_ =	swait.ge [sflag:s12], $0x900  }
0x1c: {  	[sflag:s12] =	ssyncset.done $0x0  }
0x1d: {  	[sflag:s12] =	ssyncadd.s32 $0xFFFFF700  }
0x1e: {  	[spmem:s9] =	stream.linear.scatter [tilespmem:s13], [sflag:$0x2], $0x900, $0x38;
	[tilespmem:$0x6280] =	vst v63  }
0x1f: {  	_ =	swait.ge [sflag:s12], $0x900  }
0x20: {  	[sflag:s12] =	ssyncset.done $0x0  }
0x21: {  	[sflag:s12] =	ssyncadd.s32 $0xFFFFF700  }
0x22: {  	[spmem:s10] =	stream.linear.scatter [tilespmem:s13], [sflag:$0x2], $0x900, $0x38;
	[tilespmem:$0x6280] =	vst v63  }
0x23: {  	_ =	swait.ge [sflag:s12], $0x900  }
0x24: {  	[sflag:s12] =	ssyncset.done $0x0  }
0x25: {  	[sflag:s12] =	ssyncadd.s32 $0xFFFFF700  }
0x26: {  	[spmem:s11] =	stream.linear.scatter [tilespmem:s13], [sflag:$0x2], $0x900, $0x38;
	[tilespmem:$0x6280] =	vst v63  }
0x27: {  	_ =	swait.ge [sflag:s12], $0x900  }
0x28: {  	[sflag:s12] =	ssyncset.done $0x0  }
0x29: {  	[sflag:s12] =	ssyncadd.s32 $0xFFFFF700  }
0x2a: {  	[spmem:s6] =	stream.linear.scatter [tilespmem:s13], [sflag:$0x2], $0x400, $0x38;
	[tilespmem:$0x6280] =	vst v63  }
0x2b: {  	_ =	swait.ge [sflag:s12], $0x400  }
0x2c: {  	[sflag:s12] =	ssyncset.done $0x0  }
0x2d: {  	[sflag:s12] =	ssyncadd.s32 $0xFFFFFC00  }
0x2e: {  	s20 =	simm.s32 $0x0;
	[bflag:$0x0] =	sbarrier.arrive $0xFFFF  }
.LBB2_4:
0x2f: {  	p0 =	sne.s32 s20, $0x9FC0  }
.Ltmp1:
0x30: {  	_ = 	snop;
	(pc) =	sbr.rel @p0 .LBB2_4-.Ltmp1, $3  }
0x31: {  	_ =	sdelay $0x1  }
0x32: {  	s21 =	sshra.s32 s20, $0x2;
	s20 =	sadd.s32 $0x240, s20  }
0x33: {  	[spmem:s2] =	stream.indirect.scatter.add.f32 [tilespmem:s15], [sflag:$0x1], $0x10, s21, s14, $0xb8;
	[tilespmem:$0x6280] =	vst v63  }
0x34: {  	_ =	swait.ge [sflag:s16], $0x900  }
0x35: {  	s20 =	simm.s32 $0x47;
	[sflag:s16] =	ssyncset.done $0x0  }
.LBB2_6:
0x36: {  	p0 =	sne.s32 s20, $0x1;
	s20 =	sadd.s32 $0xFFFFFFFF, s20;
	[sflag:s16] =	ssyncadd.s32 $0xFFFFF700  }
.Ltmp2:
0x37: {  	(pc) =	sbr.rel @p0 .LBB2_6-.Ltmp2, $3  }
0x38: {  	_ =	sdelay $0x1  }
0x39: {  	_ =	swait.ge [sflag:s16], $0x900  }
0x3a: {  	[sflag:s16] =	ssyncset.done $0x0  }
0x3b: {  	s19 =	sadd.s32 $0x1, s19  }
0x3c: {  	[sflag:s16] =	ssyncadd.s32 $0xFFFFF700;
	p0 =	sne.s32 s19, s8  }
.Ltmp3:
0x3d: {  	[bflag:$0x0] =	sbarrier.arrive $0xFFFF;
	(pc) =	sbr.rel @p0 .LBB2_1-.Ltmp3, $4  }
0x3e: {  	[hbm:s7], [sflag:s17] =	dma.local [spmem:s18], $0x500  }
0x3f: {  	_ =	swait.ge [sflag:s12], $0x500  }
0x40: {  	[sflag:s12] =	ssyncset.done $0x0  }
0x41: {  	[sflag:s12] =	ssyncadd.s32 $0xFFFFFB00  }
0x42: {  	_ =	sfence.sel $0x180000  }
0x43: {  	[bflag:$0x0] =	sbarrier.arrive $0xFFFF  }
0x44: {  	p0 =	sne.s32 s1, $0x0;
	_ =	strace $0x90000047  }
0x45: {  	s0 =	sadd.s32 @!p0 $0x100000, s0;
	[bflag:$0x2] =	sbarrier.arrive $0xFFFF  }
0x46: {  	[sflag:s0] =	ssyncadd.tile.s32 @!p0 $0x1;
	_ =	shalt  }
.Lfunc_end2:
_tile_overlayer_lowered:
.L_overlay_start_2:
0x47: {  	(tag) =	ssettag $0x2  }
0x48: {  	s0 =	rddreg [dreg:$0x0];
	s2 =	stileid.u32  }
0x49: {  	s1 =	rddreg [dreg:$0x1];
	p0 =	sne.s32 s2, $0x0  }
0x4a: {  	s3 =	rddreg [dreg:$0x2];
	[bflag:$0x3] =	sbarrier.arrive $0xFFFF;
	s2 =	simm.s32 @!p0 $0x1C02  }
0x4b: {  	[timem:s3], [sflag:s2] =	dma.local @!p0 [hbm:s0], s1  }
0x4c: {  	s0 =	simm.s32 @!p0 $0x2  }
0x4d: {  	_ =	swait.ge @!p0 [sflag:s0], s1  }
0x4e: {  	s1 =	ssub.s32 @!p0 $0x0, s1;
	[sflag:s0] =	ssyncset.done @!p0 $0x0  }
0x4f: {  	[sflag:s0] =	ssyncadd.s32 @!p0 s1  }
0x50: {  	[bflag:$0x3] =	sbarrier.arrive $0xFFFF  }
0x51: {  	_ =	shalt  }

</sc_bundles>
